<compile_context>
chip_gen: v7x
topology: tpu7x:2x2x1
jax: 0.10.2.dev20260603
libtpu: 0.0.44.dev20260713+nightly
codegen_flags: <defaults>
</compile_context>

<pallas_src>
import functools

import jax
import jax.numpy as jnp
import numpy as np
from jax import lax
from jax.experimental import pallas as pl
from jax.experimental.pallas import tpu as pltpu
from jax.experimental.pallas import tpu_sc as plsc

N_NODES = 10000
N_EDGES = 320000
HID = 128
D_EDGE = 16

NC = 2
NS = 16
NW = NC * NS
EDGES_PER_TILE = N_EDGES // NW
CHUNK = 40
NCHUNKS = EDGES_PER_TILE // CHUNK
N_PAD = 10240
ROWS_PER_TILE = N_PAD // NS


def _proj_nodes_body(h_ref, wa_ref, wb_ref, pa_ref, pb_ref):
    hb = h_ref[...]
    pa_ref[...] = jnp.dot(hb, wa_ref[...], preferred_element_type=jnp.float32)
    pb_ref[...] = jnp.dot(hb, wb_ref[...], preferred_element_type=jnp.float32)


def _proj_nodes(h_flat, w1a, w1b):
    blk = 1000
    grid = N_NODES // blk
    return pl.pallas_call(
        _proj_nodes_body,
        grid=(grid,),
        in_specs=[
            pl.BlockSpec((blk, HID), lambda i: (i, 0)),
            pl.BlockSpec((HID, HID), lambda i: (0, 0)),
            pl.BlockSpec((HID, HID), lambda i: (0, 0)),
        ],
        out_specs=[
            pl.BlockSpec((blk, HID), lambda i: (i, 0)),
            pl.BlockSpec((blk, HID), lambda i: (i, 0)),
        ],
        out_shape=[
            jax.ShapeDtypeStruct((N_NODES, HID), jnp.float32),
            jax.ShapeDtypeStruct((N_NODES, HID), jnp.float32),
        ],
    )(h_flat, w1a, w1b)


def _proj_edges_body(ea_ref, wce_ref, wco_ref, b1e_ref, b1o_ref, ec_ref):
    ea = ea_ref[...].astype(jnp.bfloat16)
    ve = jnp.dot(ea, wce_ref[...].astype(jnp.bfloat16),
                 preferred_element_type=jnp.float32) + b1e_ref[...]
    vo = jnp.dot(ea, wco_ref[...].astype(jnp.bfloat16),
                 preferred_element_type=jnp.float32) + b1o_ref[...]
    vi = lax.bitcast_convert_type(ve, jnp.int32) + 0x8000
    wi = lax.bitcast_convert_type(vo, jnp.int32) + 0x8000
    ec_ref[...] = (
        lax.shift_right_logical(vi, 16)
        | jnp.bitwise_and(wi, jnp.int32(-65536))
    )


def _proj_edges(edge_attr, w1c, b1):
    blk = 8000
    grid = N_EDGES // blk
    half = HID // 2
    return pl.pallas_call(
        _proj_edges_body,
        grid=(grid,),
        in_specs=[
            pl.BlockSpec((blk, D_EDGE), lambda i: (i, 0)),
            pl.BlockSpec((D_EDGE, half), lambda i: (0, 0)),
            pl.BlockSpec((D_EDGE, half), lambda i: (0, 0)),
            pl.BlockSpec((1, half), lambda i: (0, 0)),
            pl.BlockSpec((1, half), lambda i: (0, 0)),
        ],
        out_specs=pl.BlockSpec((blk, half), lambda i: (i, 0)),
        out_shape=jax.ShapeDtypeStruct((N_EDGES, half), jnp.int32),
    )(edge_attr, w1c[:, 0::2], w1c[:, 1::2],
      b1[0::2].reshape(1, half), b1[1::2].reshape(1, half))


def _edge_sc_body(pa_hbm, pb_hbm, ec_hbm, eidx_hbm,
                  out_hbm,
                  i0, a0, b0, e0, s0,
                  i1, a1, b1, e1, s1,
                  acc_sh, sa0, sb0, se0, sa1, sb1, se1):
    cid = lax.axis_index("c")
    sid = lax.axis_index("s")
    wid = cid * NS + sid
    base = wid * EDGES_PER_TILE
    bufs = ((i0, a0, b0, e0, s0, sa0, sb0, se0),
            (i1, a1, b1, e1, s1, sa1, sb1, se1))

    def zrow(r, c2):
        for k in range(HID // 16):
            s0[r, pl.ds(k * 16, 16)] = jnp.zeros((16,), jnp.float32)
        return c2

    lax.fori_loop(0, CHUNK, zrow, 0)

    def zcopy(j, c2):
        off = pl.multiple_of(sid * ROWS_PER_TILE + j * CHUNK, 8)
        pltpu.sync_copy(s0, acc_sh.at[pl.ds(off, CHUNK)])
        return c2

    lax.fori_loop(0, ROWS_PER_TILE // CHUNK, zcopy, 0)
    plsc.subcore_barrier()

    def issue(i, p):
        i_v, a_v, b_v, e_v, s_v, sa, sb, se = bufs[p]
        gi = wid * NCHUNKS + i
        off = pl.multiple_of(base + i * CHUNK, 8)
        pltpu.sync_copy(eidx_hbm.at[:, gi, :], i_v)
        pltpu.async_copy(pa_hbm.at[i_v.at[0]], a_v, sa)
        pltpu.async_copy(pb_hbm.at[i_v.at[1]], b_v, sb)
        pltpu.async_copy(ec_hbm.at[pl.ds(off, CHUNK)], e_v, se)

    def consume(p):
        i_v, a_v, b_v, e_v, s_v, sa, sb, se = bufs[p]
        pltpu.make_async_copy(pa_hbm.at[i_v.at[0]], a_v, sa).wait()
        pltpu.make_async_copy(pb_hbm.at[i_v.at[1]], b_v, sb).wait()
        pltpu.make_async_copy(ec_hbm.at[pl.ds(0, CHUNK)], e_v, se).wait()

        hi_mask = jnp.full((16,), -65536, jnp.int32)

        def row(r, c2):
            for g in range(HID // 32):
                w = e_v[r, pl.ds(g * 16, 16)]
                ze = (a_v[r, pl.ds(g * 32, 16)]
                      + b_v[r, pl.ds(g * 32, 16)]
                      + lax.bitcast_convert_type(w << 16, jnp.float32))
                zo = (a_v[r, pl.ds(g * 32 + 16, 16)]
                      + b_v[r, pl.ds(g * 32 + 16, 16)]
                      + lax.bitcast_convert_type(w & hi_mask, jnp.float32))
                s_v[r, pl.ds(g * 32, 16)] = ze / (1.0 + jnp.exp(-ze))
                s_v[r, pl.ds(g * 32 + 16, 16)] = zo / (1.0 + jnp.exp(-zo))
            return c2

        lax.fori_loop(0, CHUNK, row, 0)
        pltpu.sync_copy(s_v, acc_sh.at[i_v.at[1]], add=True)

    issue(0, 0)

    def body(j, carry):
        i0 = 2 * j
        issue(i0 + 1, 1)
        consume(0)
        issue(i0 + 2, 0)
        consume(1)
        return carry

    lax.fori_loop(0, NCHUNKS // 2 - 1, body, 0)
    issue(NCHUNKS - 1, 1)
    consume(0)
    consume(1)

    plsc.subcore_barrier()
    pltpu.sync_copy(
        acc_sh.at[pl.ds(sid * ROWS_PER_TILE, ROWS_PER_TILE)],
        out_hbm.at[cid, pl.ds(sid * ROWS_PER_TILE, ROWS_PER_TILE)],
    )


def _edge_aggregate(pa, pb, ec, eidx):
    mesh = plsc.VectorSubcoreMesh(core_axis_name="c", subcore_axis_name="s")
    run = functools.partial(
        pl.kernel,
        out_type=jax.ShapeDtypeStruct((NC, N_PAD, HID), jnp.float32),
        mesh=mesh,
        scratch_types=[
            pltpu.VMEM((2, CHUNK), jnp.int32),
            pltpu.VMEM((CHUNK, HID), jnp.float32),
            pltpu.VMEM((CHUNK, HID), jnp.float32),
            pltpu.VMEM((CHUNK, HID // 2), jnp.int32),
            pltpu.VMEM((CHUNK, HID), jnp.float32),
            pltpu.VMEM((2, CHUNK), jnp.int32),
            pltpu.VMEM((CHUNK, HID), jnp.float32),
            pltpu.VMEM((CHUNK, HID), jnp.float32),
            pltpu.VMEM((CHUNK, HID // 2), jnp.int32),
            pltpu.VMEM((CHUNK, HID), jnp.float32),
            pltpu.VMEM_SHARED((N_PAD, HID), jnp.float32),
            pltpu.SemaphoreType.DMA,
            pltpu.SemaphoreType.DMA,
            pltpu.SemaphoreType.DMA,
            pltpu.SemaphoreType.DMA,
            pltpu.SemaphoreType.DMA,
            pltpu.SemaphoreType.DMA,
        ],
    )(_edge_sc_body)
    return run(pa, pb, ec, eidx.reshape(2, N_EDGES // CHUNK, CHUNK))


def _update_body(h_ref, a0_ref, a1_ref, w2_ref, w3a_ref, w3b_ref, b3_ref,
                 w4_ref, b4_ref, g_ref, bt_ref, m_ref, out_ref):
    hb = h_ref[...]
    aggr = jnp.dot(a0_ref[...] + a1_ref[...], w2_ref[...],
                   preferred_element_type=jnp.float32)
    pre = (
        jnp.dot(hb, w3a_ref[...], preferred_element_type=jnp.float32)
        + jnp.dot(aggr, w3b_ref[...], preferred_element_type=jnp.float32)
        + b3_ref[...]
    )
    u1 = pre / (1.0 + jnp.exp(-pre))
    upd = jnp.dot(u1, w4_ref[...], preferred_element_type=jnp.float32) + b4_ref[...]
    hn = hb + upd
    mu = jnp.mean(hn, axis=-1, keepdims=True)
    var = jnp.mean(hn * hn, axis=-1, keepdims=True) - mu * mu
    hn = (hn - mu) * lax.rsqrt(var + 1e-5) * g_ref[...] + bt_ref[...]
    out_ref[...] = hn * m_ref[...]


def _update_nodes(h_flat, acc0, acc1, W2, w3a, w3b, b3, W4, b4, gamma, beta,
                  mask_f):
    blk = 1000
    grid = N_NODES // blk
    row_spec = pl.BlockSpec((blk, HID), lambda i: (i, 0))
    mat_spec = pl.BlockSpec((HID, HID), lambda i: (0, 0))
    vec_spec = pl.BlockSpec((1, HID), lambda i: (0, 0))
    return pl.pallas_call(
        _update_body,
        grid=(grid,),
        in_specs=[
            row_spec, row_spec, row_spec,
            mat_spec, mat_spec, mat_spec, vec_spec,
            mat_spec, vec_spec, vec_spec, vec_spec,
            pl.BlockSpec((blk, 1), lambda i: (i, 0)),
        ],
        out_specs=row_spec,
        out_shape=jax.ShapeDtypeStruct((N_NODES, HID), jnp.float32),
    )(h_flat, acc0, acc1, W2, w3a, w3b, b3.reshape(1, HID), W4,
      b4.reshape(1, HID), gamma.reshape(1, HID), beta.reshape(1, HID), mask_f)


def kernel(h, edge_index, edge_attr, mask, W1, b1, W2, b2, W3, b3, W4, b4,
           gamma, beta):
    B, N, D = h.shape
    h_flat = h.reshape(N, D)
    src = edge_index[0]
    dst = edge_index[1]
    w1a = W1[:HID]
    w1b = W1[HID:2 * HID]
    w1c = W1[2 * HID:]
    w3a = W3[:HID]
    w3b = W3[HID:]
    perm = np.empty((HID,), np.int32)
    for g in range(HID // 32):
        for j in range(16):
            perm[32 * g + j] = 32 * g + 2 * j
            perm[32 * g + 16 + j] = 32 * g + 2 * j + 1
    permj = jnp.asarray(perm)
    w2p = W2[permj]
    w1a = w1a[:, permj]
    w1b = w1b[:, permj]
    mask_f = mask.reshape(N, 1).astype(jnp.float32)

    pa, pb = _proj_nodes(h_flat, w1a, w1b)
    ec = _proj_edges(edge_attr, w1c, b1)
    acc = _edge_aggregate(pa, pb, ec, edge_index)
    out = _update_nodes(h_flat, acc[0], acc[1], w2p, w3a, w3b, b3, W4, b4,
                        gamma, beta, mask_f)
    return out.reshape(B, N, D)

# --- scband reference (transcript-rebuilt; emitter-appended) ---
"""Pipeline reference for scband-structure-gnnlayer-36163624632830 (READ-ONLY COPY).

The authoritative reference and input builder live on the scoring server;
editing this copy changes nothing except your own understanding.
"""

import jax, jax.numpy as jnp
import numpy as np

N_NODES = 10000
N_EDGES = 320000
HID = 128
D_EDGE = 16


def setup_inputs(seed: int = 0) -> dict:
    key = jax.random.key(seed)
    ks = jax.random.split(key, 13)
    h = jax.random.normal(ks[0], (1, N_NODES, HID), dtype=jnp.float32)
    edge_index = jax.random.randint(ks[1], (2, N_EDGES), 0, N_NODES, dtype=jnp.int32)
    edge_attr = jax.random.normal(ks[2], (N_EDGES, D_EDGE), dtype=jnp.float32)
    mask = jnp.ones((1, N_NODES), dtype=bool)
    W1 = jax.random.normal(ks[3], (2 * HID + D_EDGE, HID), dtype=jnp.float32) * 0.02
    b1 = jnp.zeros((HID,), dtype=jnp.float32)
    W2 = jax.random.normal(ks[4], (HID, HID), dtype=jnp.float32) * 0.02
    b2 = jnp.zeros((HID,), dtype=jnp.float32)
    W3 = jax.random.normal(ks[5], (2 * HID, HID), dtype=jnp.float32) * 0.02
    b3 = jnp.zeros((HID,), dtype=jnp.float32)
    W4 = jax.random.normal(ks[6], (HID, HID), dtype=jnp.float32) * 0.02
    b4 = jnp.zeros((HID,), dtype=jnp.float32)
    gamma = jnp.ones((HID,), dtype=jnp.float32)
    beta = jnp.zeros((HID,), dtype=jnp.float32)
    return {"h": h, "edge_index": edge_index, "edge_attr": edge_attr, "mask": mask,
            "W1": W1, "b1": b1, "W2": W2, "b2": b2, "W3": W3, "b3": b3,
            "W4": W4, "b4": b4, "gamma": gamma, "beta": beta}


def reference(h, edge_index, edge_attr, mask, W1, b1, W2, b2, W3, b3, W4, b4, gamma, beta):
    B, N, D = h.shape
    h_flat = h.reshape(-1, D)
    src = edge_index[0]
    dst = edge_index[1]
    h_src = jnp.take(h_flat, src, axis=0)
    h_dst = jnp.take(h_flat, dst, axis=0)
    msg_input = jnp.concatenate([h_src, h_dst, edge_attr], axis=-1)
    messages = jax.nn.silu(msg_input @ W1 + b1) @ W2 + b2
    aggr = jnp.zeros_like(h_flat).at[dst].add(messages)
    upd_input = jnp.concatenate([h_flat, aggr], axis=-1)
    upd = jax.nn.silu(upd_input @ W3 + b3) @ W4 + b4
    h_new = h_flat + upd
    mu = jnp.mean(h_new, axis=-1, keepdims=True)
    var = jnp.var(h_new, axis=-1, keepdims=True)
    h_new = (h_new - mu) / jnp.sqrt(var + 1e-5) * gamma + beta
    h_new = h_new.reshape(B, N, D)
    h_new = h_new * mask[..., None].astype(jnp.float32)
    return h_new

if __name__ == "__main__":
    import jax
    _d = setup_inputs()
    print(jax.jit(kernel)(*tuple(_d.values())))

</pallas_src>

<mosaic_0001>
#map = affine_map<(d0, d1) -> (0, 0)>
#map1 = affine_map<(d0, d1) -> (0, 0, 0)>
module attributes {stable_mosaic.version = 14 : i64} {
  func.func @_edge_sc_body(%arg0: i32, %arg1: i32, %arg2: memref<10000x128xf32, #tpu.memory_space<hbm>>, %arg3: memref<10000x128xf32, #tpu.memory_space<hbm>>, %arg4: memref<320000x64xi32, #tpu.memory_space<hbm>>, %arg5: memref<2x8000x40xi32, #tpu.memory_space<hbm>>, %arg6: memref<2x10240x128xf32, #tpu.memory_space<hbm>>, %arg7: memref<2x40xi32, #tpu.memory_space<vmem>>, %arg8: memref<40x128xf32, #tpu.memory_space<vmem>>, %arg9: memref<40x128xf32, #tpu.memory_space<vmem>>, %arg10: memref<40x64xi32, #tpu.memory_space<vmem>>, %arg11: memref<40x128xf32, #tpu.memory_space<vmem>>, %arg12: memref<2x40xi32, #tpu.memory_space<vmem>>, %arg13: memref<40x128xf32, #tpu.memory_space<vmem>>, %arg14: memref<40x128xf32, #tpu.memory_space<vmem>>, %arg15: memref<40x64xi32, #tpu.memory_space<vmem>>, %arg16: memref<40x128xf32, #tpu.memory_space<vmem>>, %arg17: memref<10240x128xf32, #tpu.memory_space<vmem_shared>>, %arg18: memref<!tpu.dma_semaphore, #tpu.memory_space<semaphore_mem>>, %arg19: memref<!tpu.dma_semaphore, #tpu.memory_space<semaphore_mem>>, %arg20: memref<!tpu.dma_semaphore, #tpu.memory_space<semaphore_mem>>, %arg21: memref<!tpu.dma_semaphore, #tpu.memory_space<semaphore_mem>>, %arg22: memref<!tpu.dma_semaphore, #tpu.memory_space<semaphore_mem>>, %arg23: memref<!tpu.dma_semaphore, #tpu.memory_space<semaphore_mem>>) attributes {dimension_semantics = [#tpu.dimension_semantics<core_parallel>, #tpu.dimension_semantics<subcore_parallel>], iteration_bounds = array<i64: 2, 16>, scalar_prefetch = 0 : i64, scratch_operands = 17 : i64, tpu.core_type = #tpu.core_type<sc_vector_subcore>, window_params = [{transform_indices = #map}, {transform_indices = #map}, {transform_indices = #map}, {transform_indices = #map1}, {transform_indices = #map1}]} {
    %mul3A = arith.constant 16 : i32
    %mul3A_0 = arith.muli %arg0, %mul3A : i32
    %add3A = arith.addi %mul3A_0, %arg1 : i32
    %mul3A_1 = arith.constant 10000 : i32
    %mul3A_2 = arith.muli %add3A, %mul3A_1 : i32
    %scan3A = arith.constant 0 : i32
    %scan3A_3 = arith.constant 0 : i32
    %scan3A_4 = arith.constant 40 : i32
    %scan3A_5 = arith.addi %scan3A_3, %scan3A_4 : i32
    %scan3A_6 = arith.constant 1 : i32
    scf.for %scan3A_128 = %scan3A_3 to %scan3A_5 step %scan3A_6  : i32 {
      %broadcast_in_dim3A_129 = arith.constant 0.000000e+00 : f32
      %broadcast_in_dim3A_130 = vector.broadcast %broadcast_in_dim3A_129 : f32 to vector<16xf32>
      %swap3A = arith.index_cast %scan3A_128 : i32 to index
      %swap3A_131 = arith.constant 0 : index
      %swap3A_132 = tpu.vector_load %arg11[%swap3A, %swap3A_131] {strides = array<i32>} : memref<40x128xf32, #tpu.memory_space<vmem>>, vector<1x16xf32>,
      %swap3A_133 = vector.shape_cast %swap3A_132 : vector<1x16xf32> to vector<16xf32>
      %swap3A_134 = vector.shape_cast %broadcast_in_dim3A_130 : vector<16xf32> to vector<1x16xf32>
      tpu.vector_store %arg11[%swap3A, %swap3A_131], %swap3A_134 {strides = array<i32>} : memref<40x128xf32, #tpu.memory_space<vmem>>, vector<1x16xf32>,
      %broadcast_in_dim3A_135 = arith.constant 0.000000e+00 : f32
      %broadcast_in_dim3A_136 = vector.broadcast %broadcast_in_dim3A_135 : f32 to vector<16xf32>
      %swap3A_137 = arith.index_cast %scan3A_128 : i32 to index
      %swap3A_138 = arith.constant 16 : index
      %swap3A_139 = tpu.vector_load %arg11[%swap3A_137, %swap3A_138] {strides = array<i32>} : memref<40x128xf32, #tpu.memory_space<vmem>>, vector<1x16xf32>,
      %swap3A_140 = vector.shape_cast %swap3A_139 : vector<1x16xf32> to vector<16xf32>
      %swap3A_141 = vector.shape_cast %broadcast_in_dim3A_136 : vector<16xf32> to vector<1x16xf32>
      tpu.vector_store %arg11[%swap3A_137, %swap3A_138], %swap3A_141 {strides = array<i32>} : memref<40x128xf32, #tpu.memory_space<vmem>>, vector<1x16xf32>,
      %broadcast_in_dim3A_142 = arith.constant 0.000000e+00 : f32
      %broadcast_in_dim3A_143 = vector.broadcast %broadcast_in_dim3A_142 : f32 to vector<16xf32>
      %swap3A_144 = arith.index_cast %scan3A_128 : i32 to index
      %swap3A_145 = arith.constant 32 : index
      %swap3A_146 = tpu.vector_load %arg11[%swap3A_144, %swap3A_145] {strides = array<i32>} : memref<40x128xf32, #tpu.memory_space<vmem>>, vector<1x16xf32>,
      %swap3A_147 = vector.shape_cast %swap3A_146 : vector<1x16xf32> to vector<16xf32>
      %swap3A_148 = vector.shape_cast %broadcast_in_dim3A_143 : vector<16xf32> to vector<1x16xf32>
      tpu.vector_store %arg11[%swap3A_144, %swap3A_145], %swap3A_148 {strides = array<i32>} : memref<40x128xf32, #tpu.memory_space<vmem>>, vector<1x16xf32>,
      %broadcast_in_dim3A_149 = arith.constant 0.000000e+00 : f32
      %broadcast_in_dim3A_150 = vector.broadcast %broadcast_in_dim3A_149 : f32 to vector<16xf32>
      %swap3A_151 = arith.index_cast %scan3A_128 : i32 to index
      %swap3A_152 = arith.constant 48 : index
      %swap3A_153 = tpu.vector_load %arg11[%swap3A_151, %swap3A_152] {strides = array<i32>} : memref<40x128xf32, #tpu.memory_space<vmem>>, vector<1x16xf32>,
      %swap3A_154 = vector.shape_cast %swap3A_153 : vector<1x16xf32> to vector<16xf32>
      %swap3A_155 = vector.shape_cast %broadcast_in_dim3A_150 : vector<16xf32> to vector<1x16xf32>
      tpu.vector_store %arg11[%swap3A_151, %swap3A_152], %swap3A_155 {strides = array<i32>} : memref<40x128xf32, #tpu.memory_space<vmem>>, vector<1x16xf32>,
      %broadcast_in_dim3A_156 = arith.constant 0.000000e+00 : f32
      %broadcast_in_dim3A_157 = vector.broadcast %broadcast_in_dim3A_156 : f32 to vector<16xf32>
      %swap3A_158 = arith.index_cast %scan3A_128 : i32 to index
      %swap3A_159 = arith.constant 64 : index
      %swap3A_160 = tpu.vector_load %arg11[%swap3A_158, %swap3A_159] {strides = array<i32>} : memref<40x128xf32, #tpu.memory_space<vmem>>, vector<1x16xf32>,
      %swap3A_161 = vector.shape_cast %swap3A_160 : vector<1x16xf32> to vector<16xf32>
      %swap3A_162 = vector.shape_cast %broadcast_in_dim3A_157 : vector<16xf32> to vector<1x16xf32>
      tpu.vector_store %arg11[%swap3A_158, %swap3A_159], %swap3A_162 {strides = array<i32>} : memref<40x128xf32, #tpu.memory_space<vmem>>, vector<1x16xf32>,
      %broadcast_in_dim3A_163 = arith.constant 0.000000e+00 : f32
      %broadcast_in_dim3A_164 = vector.broadcast %broadcast_in_dim3A_163 : f32 to vector<16xf32>
      %swap3A_165 = arith.index_cast %scan3A_128 : i32 to index
      %swap3A_166 = arith.constant 80 : index
      %swap3A_167 = tpu.vector_load %arg11[%swap3A_165, %swap3A_166] {strides = array<i32>} : memref<40x128xf32, #tpu.memory_space<vmem>>, vector<1x16xf32>,
      %swap3A_168 = vector.shape_cast %swap3A_167 : vector<1x16xf32> to vector<16xf32>
      %swap3A_169 = vector.shape_cast %broadcast_in_dim3A_164 : vector<16xf32> to vector<1x16xf32>
      tpu.vector_store %arg11[%swap3A_165, %swap3A_166], %swap3A_169 {strides = array<i32>} : memref<40x128xf32, #tpu.memory_space<vmem>>, vector<1x16xf32>,
      %broadcast_in_dim3A_170 = arith.constant 0.000000e+00 : f32
      %broadcast_in_dim3A_171 = vector.broadcast %broadcast_in_dim3A_170 : f32 to vector<16xf32>
      %swap3A_172 = arith.index_cast %scan3A_128 : i32 to index
      %swap3A_173 = arith.constant 96 : index
      %swap3A_174 = tpu.vector_load %arg11[%swap3A_172, %swap3A_173] {strides = array<i32>} : memref<40x128xf32, #tpu.memory_space<vmem>>, vector<1x16xf32>,
      %swap3A_175 = vector.shape_cast %swap3A_174 : vector<1x16xf32> to vector<16xf32>
      %swap3A_176 = vector.shape_cast %broadcast_in_dim3A_171 : vector<16xf32> to vector<1x16xf32>
      tpu.vector_store %arg11[%swap3A_172, %swap3A_173], %swap3A_176 {strides = array<i32>} : memref<40x128xf32, #tpu.memory_space<vmem>>, vector<1x16xf32>,
      %broadcast_in_dim3A_177 = arith.constant 0.000000e+00 : f32
      %broadcast_in_dim3A_178 = vector.broadcast %broadcast_in_dim3A_177 : f32 to vector<16xf32>
      %swap3A_179 = arith.index_cast %scan3A_128 : i32 to index
      %swap3A_180 = arith.constant 112 : index
      %swap3A_181 = tpu.vector_load %arg11[%swap3A_179, %swap3A_180] {strides = array<i32>} : memref<40x128xf32, #tpu.memory_space<vmem>>, vector<1x16xf32>,
      %swap3A_182 = vector.shape_cast %swap3A_181 : vector<1x16xf32> to vector<16xf32>
      %swap3A_183 = vector.shape_cast %broadcast_in_dim3A_178 : vector<16xf32> to vector<1x16xf32>
      tpu.vector_store %arg11[%swap3A_179, %swap3A_180], %swap3A_183 {strides = array<i32>} : memref<40x128xf32, #tpu.memory_space<vmem>>, vector<1x16xf32>,
    }
    %scan3A_7 = arith.constant 40 : i32
    %scan3A_8 = arith.constant 0 : i32
    %scan3A_9 = arith.constant 0 : i32
    %scan3A_10 = arith.constant 16 : i32
    %scan3A_11 = arith.addi %scan3A_9, %scan3A_10 : i32
    %scan3A_12 = arith.constant 1 : i32
    scf.for %scan3A_128 = %scan3A_9 to %scan3A_11 step %scan3A_12  : i32 {
      %mul3A_129 = arith.constant 640 : i32
      %mul3A_130 = arith.muli %arg1, %mul3A_129 : i32
      %mul3A_131 = arith.constant 40 : i32
      %mul3A_132 = arith.muli %scan3A_128, %mul3A_131 : i32
      %add3A_133 = arith.addi %mul3A_130, %mul3A_132 : i32
      %multiple_of3A_134 = tpu.assume_multiple %add3A_133, 8 : i32
      "tpu.region"() ({
        %run_scoped3A_135 = tpu.sem_alloc : memref<!tpu.dma_semaphore, #tpu.memory_space<semaphore_mem>>
        %dma_start3A_136 = arith.constant 0 : i32
        %dma_start3A_137 = tpu.memref_slice %arg17[%multiple_of3A_134, %dma_start3A_136] : memref<10240x128xf32, #tpu.memory_space<vmem_shared>> -> memref<40x128xf32, #tpu.memory_space<vmem_shared>>
        %dma_start3A_138 = arith.constant 0 : i32
        %dma_start3A_139 = tpu.memref_slice %arg17[%multiple_of3A_134, %dma_start3A_138] : memref<10240x128xf32, #tpu.memory_space<vmem_shared>> -> memref<40x128xf32, #tpu.memory_space<vmem_shared>>
        tpu.enqueue_dma source(%arg11 : memref<40x128xf32, #tpu.memory_space<vmem>>) target(%dma_start3A_139 : memref<40x128xf32, #tpu.memory_space<vmem_shared>>) target_semaphore(%run_scoped3A_135 : memref<!tpu.dma_semaphore, #tpu.memory_space<semaphore_mem>>)
        %dma_wait3A_140 = arith.constant 0 : i32
        %dma_wait3A_141 = tpu.memref_slice %arg17[%multiple_of3A_134, %dma_wait3A_140] : memref<10240x128xf32, #tpu.memory_space<vmem_shared>> -> memref<40x128xf32, #tpu.memory_space<vmem_shared>>
        %dma_wait3A_142 = arith.constant 0 : i32
        %dma_wait3A_143 = tpu.memref_slice %arg17[%multiple_of3A_134, %dma_wait3A_142] : memref<10240x128xf32, #tpu.memory_space<vmem_shared>> -> memref<40x128xf32, #tpu.memory_space<vmem_shared>>
        tpu.wait_dma2 semaphore(%run_scoped3A_135 : memref<!tpu.dma_semaphore, #tpu.memory_space<semaphore_mem>>) src(%arg11 : memref<40x128xf32, #tpu.memory_space<vmem>>) dst(%dma_wait3A_143 : memref<40x128xf32, #tpu.memory_space<vmem_shared>>)
        tpu.yield
      }) : () -> ()
    }
    %scan3A_13 = arith.constant 16 : i32
    %barrier3A = arith.constant 0 : index
    tpu.barrier barrier_id(%barrier3A)
    %mul3A_14 = arith.constant 250 : i32
    %mul3A_15 = arith.muli %add3A, %mul3A_14 : i32
    %add3A_16 = arith.constant 0 : i32
    %add3A_17 = arith.addi %mul3A_15, %add3A_16 : i32
    %add3A_18 = arith.constant 0 : i32
    %add3A_19 = arith.addi %mul3A_2, %add3A_18 : i32
    %multiple_of3A = tpu.assume_multiple %add3A_19, 8 : i32
    "tpu.region"() ({
      %run_scoped3A_128 = tpu.sem_alloc : memref<!tpu.dma_semaphore, #tpu.memory_space<semaphore_mem>>
      %dma_start3A_129 = arith.constant 0 : i32
      %dma_start3A_130 = arith.constant 0 : i32
      %dma_start3A_131 = tpu.memref_slice %arg5[%dma_start3A_129, %add3A_17, %dma_start3A_130] : memref<2x8000x40xi32, #tpu.memory_space<hbm>> -> memref<2x1x40xi32, #tpu.memory_space<hbm>>
      %dma_start3A_132 = tpu.memref_squeeze %dma_start3A_131 : memref<2x1x40xi32, #tpu.memory_space<hbm>> -> memref<2x40xi32, #tpu.memory_space<hbm>>
      %dma_start3A_133 = arith.constant 0 : i32
      %dma_start3A_134 = arith.constant 0 : i32
      %dma_start3A_135 = tpu.memref_slice %arg5[%dma_start3A_133, %add3A_17, %dma_start3A_134] : memref<2x8000x40xi32, #tpu.memory_space<hbm>> -> memref<2x1x40xi32, #tpu.memory_space<hbm>>
      %dma_start3A_136 = tpu.memref_squeeze %dma_start3A_135 : memref<2x1x40xi32, #tpu.memory_space<hbm>> -> memref<2x40xi32, #tpu.memory_space<hbm>>
      tpu.enqueue_dma source(%dma_start3A_136 : memref<2x40xi32, #tpu.memory_space<hbm>>) target(%arg7 : memref<2x40xi32, #tpu.memory_space<vmem>>) target_semaphore(%run_scoped3A_128 : memref<!tpu.dma_semaphore, #tpu.memory_space<semaphore_mem>>)
      %dma_wait3A_137 = arith.constant 0 : i32
      %dma_wait3A_138 = arith.constant 0 : i32
      %dma_wait3A_139 = tpu.memref_slice %arg5[%dma_wait3A_137, %add3A_17, %dma_wait3A_138] : memref<2x8000x40xi32, #tpu.memory_space<hbm>> -> memref<2x1x40xi32, #tpu.memory_space<hbm>>
      %dma_wait3A_140 = tpu.memref_squeeze %dma_wait3A_139 : memref<2x1x40xi32, #tpu.memory_space<hbm>> -> memref<2x40xi32, #tpu.memory_space<hbm>>
      %dma_wait3A_141 = arith.constant 0 : i32
      %dma_wait3A_142 = arith.constant 0 : i32
      %dma_wait3A_143 = tpu.memref_slice %arg5[%dma_wait3A_141, %add3A_17, %dma_wait3A_142] : memref<2x8000x40xi32, #tpu.memory_space<hbm>> -> memref<2x1x40xi32, #tpu.memory_space<hbm>>
      %dma_wait3A_144 = tpu.memref_squeeze %dma_wait3A_143 : memref<2x1x40xi32, #tpu.memory_space<hbm>> -> memref<2x40xi32, #tpu.memory_space<hbm>>
      tpu.wait_dma2 semaphore(%run_scoped3A_128 : memref<!tpu.dma_semaphore, #tpu.memory_space<semaphore_mem>>) src(%dma_wait3A_144 : memref<2x40xi32, #tpu.memory_space<hbm>>) dst(%arg7 : memref<2x40xi32, #tpu.memory_space<vmem>>)
      tpu.yield
    }) : () -> ()
    %dma_start3A = arith.constant 0 : i32
    %dma_start3A_20 = arith.constant 0 : i32
    %dma_start3A_21 = tpu.memref_slice %arg7[%dma_start3A, %dma_start3A_20] : memref<2x40xi32, #tpu.memory_space<vmem>> -> memref<1x40xi32, #tpu.memory_space<vmem>>
    %dma_start3A_22 = tpu.memref_squeeze %dma_start3A_21 : memref<1x40xi32, #tpu.memory_space<vmem>> -> memref<40xi32, #tpu.memory_space<vmem>>
    %dma_start3A_23 = arith.constant 0 : i32
    %dma_start3A_24 = arith.constant 0 : i32
    %dma_start3A_25 = tpu.memref_slice %arg2[%dma_start3A_23, %dma_start3A_24] : memref<10000x128xf32, #tpu.memory_space<hbm>> -> memref<10000x128xf32, #tpu.memory_space<hbm>>
    tpu.enqueue_indirect_dma source(%dma_start3A_25 : memref<10000x128xf32, #tpu.memory_space<hbm>>) target(%arg8 : memref<40x128xf32, #tpu.memory_space<vmem>>) offsets(%dma_start3A_22 : memref<40xi32, #tpu.memory_space<vmem>>) semaphore(%arg18 : memref<!tpu.dma_semaphore, #tpu.memory_space<semaphore_mem>>)
    %dma_start3A_26 = arith.constant 1 : i32
    %dma_start3A_27 = arith.constant 0 : i32
    %dma_start3A_28 = tpu.memref_slice %arg7[%dma_start3A_26, %dma_start3A_27] : memref<2x40xi32, #tpu.memory_space<vmem>> -> memref<1x40xi32, #tpu.memory_space<vmem>>
    %dma_start3A_29 = tpu.memref_squeeze %dma_start3A_28 : memref<1x40xi32, #tpu.memory_space<vmem>> -> memref<40xi32, #tpu.memory_space<vmem>>
    %dma_start3A_30 = arith.constant 0 : i32
    %dma_start3A_31 = arith.constant 0 : i32
    %dma_start3A_32 = tpu.memref_slice %arg3[%dma_start3A_30, %dma_start3A_31] : memref<10000x128xf32, #tpu.memory_space<hbm>> -> memref<10000x128xf32, #tpu.memory_space<hbm>>
    tpu.enqueue_indirect_dma source(%dma_start3A_32 : memref<10000x128xf32, #tpu.memory_space<hbm>>) target(%arg9 : memref<40x128xf32, #tpu.memory_space<vmem>>) offsets(%dma_start3A_29 : memref<40xi32, #tpu.memory_space<vmem>>) semaphore(%arg19 : memref<!tpu.dma_semaphore, #tpu.memory_space<semaphore_mem>>)
    %dma_start3A_33 = arith.constant 0 : i32
    %dma_start3A_34 = tpu.memref_slice %arg4[%multiple_of3A, %dma_start3A_33] : memref<320000x64xi32, #tpu.memory_space<hbm>> -> memref<40x64xi32, #tpu.memory_space<hbm>>
    %dma_start3A_35 = arith.constant 0 : i32
    %dma_start3A_36 = tpu.memref_slice %arg4[%multiple_of3A, %dma_start3A_35] : memref<320000x64xi32, #tpu.memory_space<hbm>> -> memref<40x64xi32, #tpu.memory_space<hbm>>
    tpu.enqueue_dma source(%dma_start3A_36 : memref<40x64xi32, #tpu.memory_space<hbm>>) target(%arg10 : memref<40x64xi32, #tpu.memory_space<vmem>>) target_semaphore(%arg20 : memref<!tpu.dma_semaphore, #tpu.memory_space<semaphore_mem>>)
    %scan3A_37 = arith.constant 0 : i32
    %scan3A_38 = arith.constant 0 : i32
    %scan3A_39 = arith.constant 124 : i32
    %scan3A_40 = arith.addi %scan3A_38, %scan3A_39 : i32
    %scan3A_41 = arith.constant 1 : i32
    scf.for %scan3A_128 = %scan3A_38 to %scan3A_40 step %scan3A_41  : i32 {
      %mul3A_129 = arith.constant 2 : i32
      %mul3A_130 = arith.muli %mul3A_129, %scan3A_128 : i32
      %add3A_131 = arith.constant 1 : i32
      %add3A_132 = arith.addi %mul3A_130, %add3A_131 : i32
      %mul3A_133 = arith.constant 250 : i32
      %mul3A_134 = arith.muli %add3A, %mul3A_133 : i32
      %add3A_135 = arith.addi %mul3A_134, %add3A_132 : i32
      %mul3A_136 = arith.constant 40 : i32
      %mul3A_137 = arith.muli %add3A_132, %mul3A_136 : i32
      %add3A_138 = arith.addi %mul3A_2, %mul3A_137 : i32
      %multiple_of3A_139 = tpu.assume_multiple %add3A_138, 8 : i32
      "tpu.region"() ({
        %run_scoped3A_243 = tpu.sem_alloc : memref<!tpu.dma_semaphore, #tpu.memory_space<semaphore_mem>>
        %dma_start3A_244 = arith.constant 0 : i32
        %dma_start3A_245 = arith.constant 0 : i32
        %dma_start3A_246 = tpu.memref_slice %arg5[%dma_start3A_244, %add3A_135, %dma_start3A_245] : memref<2x8000x40xi32, #tpu.memory_space<hbm>> -> memref<2x1x40xi32, #tpu.memory_space<hbm>>
        %dma_start3A_247 = tpu.memref_squeeze %dma_start3A_246 : memref<2x1x40xi32, #tpu.memory_space<hbm>> -> memref<2x40xi32, #tpu.memory_space<hbm>>
        %dma_start3A_248 = arith.constant 0 : i32
        %dma_start3A_249 = arith.constant 0 : i32
        %dma_start3A_250 = tpu.memref_slice %arg5[%dma_start3A_248, %add3A_135, %dma_start3A_249] : memref<2x8000x40xi32, #tpu.memory_space<hbm>> -> memref<2x1x40xi32, #tpu.memory_space<hbm>>
        %dma_start3A_251 = tpu.memref_squeeze %dma_start3A_250 : memref<2x1x40xi32, #tpu.memory_space<hbm>> -> memref<2x40xi32, #tpu.memory_space<hbm>>
        tpu.enqueue_dma source(%dma_start3A_251 : memref<2x40xi32, #tpu.memory_space<hbm>>) target(%arg12 : memref<2x40xi32, #tpu.memory_space<vmem>>) target_semaphore(%run_scoped3A_243 : memref<!tpu.dma_semaphore, #tpu.memory_space<semaphore_mem>>)
        %dma_wait3A_252 = arith.constant 0 : i32
        %dma_wait3A_253 = arith.constant 0 : i32
        %dma_wait3A_254 = tpu.memref_slice %arg5[%dma_wait3A_252, %add3A_135, %dma_wait3A_253] : memref<2x8000x40xi32, #tpu.memory_space<hbm>> -> memref<2x1x40xi32, #tpu.memory_space<hbm>>
        %dma_wait3A_255 = tpu.memref_squeeze %dma_wait3A_254 : memref<2x1x40xi32, #tpu.memory_space<hbm>> -> memref<2x40xi32, #tpu.memory_space<hbm>>
        %dma_wait3A_256 = arith.constant 0 : i32
        %dma_wait3A_257 = arith.constant 0 : i32
        %dma_wait3A_258 = tpu.memref_slice %arg5[%dma_wait3A_256, %add3A_135, %dma_wait3A_257] : memref<2x8000x40xi32, #tpu.memory_space<hbm>> -> memref<2x1x40xi32, #tpu.memory_space<hbm>>
        %dma_wait3A_259 = tpu.memref_squeeze %dma_wait3A_258 : memref<2x1x40xi32, #tpu.memory_space<hbm>> -> memref<2x40xi32, #tpu.memory_space<hbm>>
        tpu.wait_dma2 semaphore(%run_scoped3A_243 : memref<!tpu.dma_semaphore, #tpu.memory_space<semaphore_mem>>) src(%dma_wait3A_259 : memref<2x40xi32, #tpu.memory_space<hbm>>) dst(%arg12 : memref<2x40xi32, #tpu.memory_space<vmem>>)
        tpu.yield
      }) : () -> ()
      %dma_start3A_140 = arith.constant 0 : i32
      %dma_start3A_141 = arith.constant 0 : i32
      %dma_start3A_142 = tpu.memref_slice %arg12[%dma_start3A_140, %dma_start3A_141] : memref<2x40xi32, #tpu.memory_space<vmem>> -> memref<1x40xi32, #tpu.memory_space<vmem>>
      %dma_start3A_143 = tpu.memref_squeeze %dma_start3A_142 : memref<1x40xi32, #tpu.memory_space<vmem>> -> memref<40xi32, #tpu.memory_space<vmem>>
      %dma_start3A_144 = arith.constant 0 : i32
      %dma_start3A_145 = arith.constant 0 : i32
      %dma_start3A_146 = tpu.memref_slice %arg2[%dma_start3A_144, %dma_start3A_145] : memref<10000x128xf32, #tpu.memory_space<hbm>> -> memref<10000x128xf32, #tpu.memory_space<hbm>>
      tpu.enqueue_indirect_dma source(%dma_start3A_146 : memref<10000x128xf32, #tpu.memory_space<hbm>>) target(%arg13 : memref<40x128xf32, #tpu.memory_space<vmem>>) offsets(%dma_start3A_143 : memref<40xi32, #tpu.memory_space<vmem>>) semaphore(%arg21 : memref<!tpu.dma_semaphore, #tpu.memory_space<semaphore_mem>>)
      %dma_start3A_147 = arith.constant 1 : i32
      %dma_start3A_148 = arith.constant 0 : i32
      %dma_start3A_149 = tpu.memref_slice %arg12[%dma_start3A_147, %dma_start3A_148] : memref<2x40xi32, #tpu.memory_space<vmem>> -> memref<1x40xi32, #tpu.memory_space<vmem>>
      %dma_start3A_150 = tpu.memref_squeeze %dma_start3A_149 : memref<1x40xi32, #tpu.memory_space<vmem>> -> memref<40xi32, #tpu.memory_space<vmem>>
      %dma_start3A_151 = arith.constant 0 : i32
      %dma_start3A_152 = arith.constant 0 : i32
      %dma_start3A_153 = tpu.memref_slice %arg3[%dma_start3A_151, %dma_start3A_152] : memref<10000x128xf32, #tpu.memory_space<hbm>> -> memref<10000x128xf32, #tpu.memory_space<hbm>>
      tpu.enqueue_indirect_dma source(%dma_start3A_153 : memref<10000x128xf32, #tpu.memory_space<hbm>>) target(%arg14 : memref<40x128xf32, #tpu.memory_space<vmem>>) offsets(%dma_start3A_150 : memref<40xi32, #tpu.memory_space<vmem>>) semaphore(%arg22 : memref<!tpu.dma_semaphore, #tpu.memory_space<semaphore_mem>>)
      %dma_start3A_154 = arith.constant 0 : i32
      %dma_start3A_155 = tpu.memref_slice %arg4[%multiple_of3A_139, %dma_start3A_154] : memref<320000x64xi32, #tpu.memory_space<hbm>> -> memref<40x64xi32, #tpu.memory_space<hbm>>
      %dma_start3A_156 = arith.constant 0 : i32
      %dma_start3A_157 = tpu.memref_slice %arg4[%multiple_of3A_139, %dma_start3A_156] : memref<320000x64xi32, #tpu.memory_space<hbm>> -> memref<40x64xi32, #tpu.memory_space<hbm>>
      tpu.enqueue_dma source(%dma_start3A_157 : memref<40x64xi32, #tpu.memory_space<hbm>>) target(%arg15 : memref<40x64xi32, #tpu.memory_space<vmem>>) target_semaphore(%arg23 : memref<!tpu.dma_semaphore, #tpu.memory_space<semaphore_mem>>)
      %dma_wait3A_158 = arith.constant 0 : i32
      %dma_wait3A_159 = arith.constant 0 : i32
      %dma_wait3A_160 = tpu.memref_slice %arg7[%dma_wait3A_158, %dma_wait3A_159] : memref<2x40xi32, #tpu.memory_space<vmem>> -> memref<1x40xi32, #tpu.memory_space<vmem>>
      %dma_wait3A_161 = tpu.memref_squeeze %dma_wait3A_160 : memref<1x40xi32, #tpu.memory_space<vmem>> -> memref<40xi32, #tpu.memory_space<vmem>>
      %dma_wait3A_162 = arith.constant 0 : i32
      %dma_wait3A_163 = arith.constant 0 : i32
      %dma_wait3A_164 = tpu.memref_slice %arg2[%dma_wait3A_162, %dma_wait3A_163] : memref<10000x128xf32, #tpu.memory_space<hbm>> -> memref<10000x128xf32, #tpu.memory_space<hbm>>
      tpu.wait_indirect_dma semaphore(%arg18 : memref<!tpu.dma_semaphore, #tpu.memory_space<semaphore_mem>>) src(%dma_wait3A_164 : memref<10000x128xf32, #tpu.memory_space<hbm>>) dst(%arg8 : memref<40x128xf32, #tpu.memory_space<vmem>>)
      %dma_wait3A_165 = arith.constant 1 : i32
      %dma_wait3A_166 = arith.constant 0 : i32
      %dma_wait3A_167 = tpu.memref_slice %arg7[%dma_wait3A_165, %dma_wait3A_166] : memref<2x40xi32, #tpu.memory_space<vmem>> -> memref<1x40xi32, #tpu.memory_space<vmem>>
      %dma_wait3A_168 = tpu.memref_squeeze %dma_wait3A_167 : memref<1x40xi32, #tpu.memory_space<vmem>> -> memref<40xi32, #tpu.memory_space<vmem>>
      %dma_wait3A_169 = arith.constant 0 : i32
      %dma_wait3A_170 = arith.constant 0 : i32
      %dma_wait3A_171 = tpu.memref_slice %arg3[%dma_wait3A_169, %dma_wait3A_170] : memref<10000x128xf32, #tpu.memory_space<hbm>> -> memref<10000x128xf32, #tpu.memory_space<hbm>>
      tpu.wait_indirect_dma semaphore(%arg19 : memref<!tpu.dma_semaphore, #tpu.memory_space<semaphore_mem>>) src(%dma_wait3A_171 : memref<10000x128xf32, #tpu.memory_space<hbm>>) dst(%arg9 : memref<40x128xf32, #tpu.memory_space<vmem>>)
      %dma_wait3A_172 = arith.constant 0 : i32
      %dma_wait3A_173 = arith.constant 0 : i32
      %dma_wait3A_174 = tpu.memref_slice %arg4[%dma_wait3A_172, %dma_wait3A_173] : memref<320000x64xi32, #tpu.memory_space<hbm>> -> memref<40x64xi32, #tpu.memory_space<hbm>>
      %dma_wait3A_175 = arith.constant 0 : i32
      %dma_wait3A_176 = arith.constant 0 : i32
      %dma_wait3A_177 = tpu.memref_slice %arg4[%dma_wait3A_175, %dma_wait3A_176] : memref<320000x64xi32, #tpu.memory_space<hbm>> -> memref<40x64xi32, #tpu.memory_space<hbm>>
      tpu.wait_dma2 semaphore(%arg20 : memref<!tpu.dma_semaphore, #tpu.memory_space<semaphore_mem>>) src(%dma_wait3A_177 : memref<40x64xi32, #tpu.memory_space<hbm>>) dst(%arg10 : memref<40x64xi32, #tpu.memory_space<vmem>>)
      %broadcast_in_dim3A_178 = arith.constant -65536 : i32
      %broadcast_in_dim3A_179 = vector.broadcast %broadcast_in_dim3A_178 : i32 to vector<16xi32>
      %scan3A_180 = arith.constant 0 : i32
      %scan3A_181 = arith.constant 0 : i32
      %scan3A_182 = arith.constant 40 : i32
      %scan3A_183 = arith.addi %scan3A_181, %scan3A_182 : i32
      %scan3A_184 = arith.constant 1 : i32
      scf.for %scan3A_243 = %scan3A_181 to %scan3A_183 step %scan3A_184  : i32 {
        %get3A = arith.index_cast %scan3A_243 : i32 to index
        %get3A_244 = arith.constant 0 : index
        %get3A_245 = tpu.vector_load %arg10[%get3A, %get3A_244] {strides = array<i32>} : memref<40x64xi32, #tpu.memory_space<vmem>>, vector<1x16xi32>,
        %get3A_246 = vector.shape_cast %get3A_245 : vector<1x16xi32> to vector<16xi32>
        %get3A_247 = arith.index_cast %scan3A_243 : i32 to index
        %get3A_248 = arith.constant 0 : index
        %get3A_249 = tpu.vector_load %arg8[%get3A_247, %get3A_248] {strides = array<i32>} : memref<40x128xf32, #tpu.memory_space<vmem>>, vector<1x16xf32>,
        %get3A_250 = vector.shape_cast %get3A_249 : vector<1x16xf32> to vector<16xf32>
        %get3A_251 = arith.index_cast %scan3A_243 : i32 to index
        %get3A_252 = arith.constant 0 : index
        %get3A_253 = tpu.vector_load %arg9[%get3A_251, %get3A_252] {strides = array<i32>} : memref<40x128xf32, #tpu.memory_space<vmem>>, vector<1x16xf32>,
        %get3A_254 = vector.shape_cast %get3A_253 : vector<1x16xf32> to vector<16xf32>
        %add3A_255 = arith.addf %get3A_250, %get3A_254 : vector<16xf32>
        %shift_left3A = arith.constant 16 : i32
        %shift_left3A_256 = vector.broadcast %shift_left3A : i32 to vector<16xi32>
        %shift_left3A_257 = arith.shli %get3A_246, %shift_left3A_256 : vector<16xi32>
        %bitcast_convert_type3A = tpu.bitcast %shift_left3A_257 : vector<16xi32> -> vector<16xf32>
        %add3A_258 = arith.addf %add3A_255, %bitcast_convert_type3A : vector<16xf32>
        %get3A_259 = arith.index_cast %scan3A_243 : i32 to index
        %get3A_260 = arith.constant 16 : index
        %get3A_261 = tpu.vector_load %arg8[%get3A_259, %get3A_260] {strides = array<i32>} : memref<40x128xf32, #tpu.memory_space<vmem>>, vector<1x16xf32>,
        %get3A_262 = vector.shape_cast %get3A_261 : vector<1x16xf32> to vector<16xf32>
        %get3A_263 = arith.index_cast %scan3A_243 : i32 to index
        %get3A_264 = arith.constant 16 : index
        %get3A_265 = tpu.vector_load %arg9[%get3A_263, %get3A_264] {strides = array<i32>} : memref<40x128xf32, #tpu.memory_space<vmem>>, vector<1x16xf32>,
        %get3A_266 = vector.shape_cast %get3A_265 : vector<1x16xf32> to vector<16xf32>
        %add3A_267 = arith.addf %get3A_262, %get3A_266 : vector<16xf32>
        %and3A = arith.andi %get3A_246, %broadcast_in_dim3A_179 : vector<16xi32>
        %bitcast_convert_type3A_268 = tpu.bitcast %and3A : vector<16xi32> -> vector<16xf32>
        %add3A_269 = arith.addf %add3A_267, %bitcast_convert_type3A_268 : vector<16xf32>
        %neg3A = arith.constant 0.000000e+00 : f32
        %neg3A_270 = vector.broadcast %neg3A : f32 to vector<16xf32>
        %neg3A_271 = arith.subf %neg3A_270, %add3A_258 : vector<16xf32>
        %exp3A = math.exp %neg3A_271 : vector<16xf32>
        %add3A_272 = arith.constant 1.000000e+00 : f32
        %add3A_273 = vector.broadcast %add3A_272 : f32 to vector<16xf32>
        %add3A_274 = arith.addf %add3A_273, %exp3A : vector<16xf32>
        %div3A = arith.divf %add3A_258, %add3A_274 : vector<16xf32>
        %swap3A = arith.index_cast %scan3A_243 : i32 to index
        %swap3A_275 = arith.constant 0 : index
        %swap3A_276 = tpu.vector_load %arg11[%swap3A, %swap3A_275] {strides = array<i32>} : memref<40x128xf32, #tpu.memory_space<vmem>>, vector<1x16xf32>,
        %swap3A_277 = vector.shape_cast %swap3A_276 : vector<1x16xf32> to vector<16xf32>
        %swap3A_278 = vector.shape_cast %div3A : vector<16xf32> to vector<1x16xf32>
        tpu.vector_store %arg11[%swap3A, %swap3A_275], %swap3A_278 {strides = array<i32>} : memref<40x128xf32, #tpu.memory_space<vmem>>, vector<1x16xf32>,
        %neg3A_279 = arith.constant 0.000000e+00 : f32
        %neg3A_280 = vector.broadcast %neg3A_279 : f32 to vector<16xf32>
        %neg3A_281 = arith.subf %neg3A_280, %add3A_269 : vector<16xf32>
        %exp3A_282 = math.exp %neg3A_281 : vector<16xf32>
        %add3A_283 = arith.constant 1.000000e+00 : f32
        %add3A_284 = vector.broadcast %add3A_283 : f32 to vector<16xf32>
        %add3A_285 = arith.addf %add3A_284, %exp3A_282 : vector<16xf32>
        %div3A_286 = arith.divf %add3A_269, %add3A_285 : vector<16xf32>
        %swap3A_287 = arith.index_cast %scan3A_243 : i32 to index
        %swap3A_288 = arith.constant 16 : index
        %swap3A_289 = tpu.vector_load %arg11[%swap3A_287, %swap3A_288] {strides = array<i32>} : memref<40x128xf32, #tpu.memory_space<vmem>>, vector<1x16xf32>,
        %swap3A_290 = vector.shape_cast %swap3A_289 : vector<1x16xf32> to vector<16xf32>
        %swap3A_291 = vector.shape_cast %div3A_286 : vector<16xf32> to vector<1x16xf32>
        tpu.vector_store %arg11[%swap3A_287, %swap3A_288], %swap3A_291 {strides = array<i32>} : memref<40x128xf32, #tpu.memory_space<vmem>>, vector<1x16xf32>,
        %get3A_292 = arith.index_cast %scan3A_243 : i32 to index
        %get3A_293 = arith.constant 16 : index
        %get3A_294 = tpu.vector_load %arg10[%get3A_292, %get3A_293] {strides = array<i32>} : memref<40x64xi32, #tpu.memory_space<vmem>>, vector<1x16xi32>,
        %get3A_295 = vector.shape_cast %get3A_294 : vector<1x16xi32> to vector<16xi32>
        %get3A_296 = arith.index_cast %scan3A_243 : i32 to index
        %get3A_297 = arith.constant 32 : index
        %get3A_298 = tpu.vector_load %arg8[%get3A_296, %get3A_297] {strides = array<i32>} : memref<40x128xf32, #tpu.memory_space<vmem>>, vector<1x16xf32>,
        %get3A_299 = vector.shape_cast %get3A_298 : vector<1x16xf32> to vector<16xf32>
        %get3A_300 = arith.index_cast %scan3A_243 : i32 to index
        %get3A_301 = arith.constant 32 : index
        %get3A_302 = tpu.vector_load %arg9[%get3A_300, %get3A_301] {strides = array<i32>} : memref<40x128xf32, #tpu.memory_space<vmem>>, vector<1x16xf32>,
        %get3A_303 = vector.shape_cast %get3A_302 : vector<1x16xf32> to vector<16xf32>
        %add3A_304 = arith.addf %get3A_299, %get3A_303 : vector<16xf32>
        %shift_left3A_305 = arith.constant 16 : i32
        %shift_left3A_306 = vector.broadcast %shift_left3A_305 : i32 to vector<16xi32>
        %shift_left3A_307 = arith.shli %get3A_295, %shift_left3A_306 : vector<16xi32>
        %bitcast_convert_type3A_308 = tpu.bitcast %shift_left3A_307 : vector<16xi32> -> vector<16xf32>
        %add3A_309 = arith.addf %add3A_304, %bitcast_convert_type3A_308 : vector<16xf32>
        %get3A_310 = arith.index_cast %scan3A_243 : i32 to index
        %get3A_311 = arith.constant 48 : index
        %get3A_312 = tpu.vector_load %arg8[%get3A_310, %get3A_311] {strides = array<i32>} : memref<40x128xf32, #tpu.memory_space<vmem>>, vector<1x16xf32>,
        %get3A_313 = vector.shape_cast %get3A_312 : vector<1x16xf32> to vector<16xf32>
        %get3A_314 = arith.index_cast %scan3A_243 : i32 to index
        %get3A_315 = arith.constant 48 : index
        %get3A_316 = tpu.vector_load %arg9[%get3A_314, %get3A_315] {strides = array<i32>} : memref<40x128xf32, #tpu.memory_space<vmem>>, vector<1x16xf32>,
        %get3A_317 = vector.shape_cast %get3A_316 : vector<1x16xf32> to vector<16xf32>
        %add3A_318 = arith.addf %get3A_313, %get3A_317 : vector<16xf32>
        %and3A_319 = arith.andi %get3A_295, %broadcast_in_dim3A_179 : vector<16xi32>
        %bitcast_convert_type3A_320 = tpu.bitcast %and3A_319 : vector<16xi32> -> vector<16xf32>
        %add3A_321 = arith.addf %add3A_318, %bitcast_convert_type3A_320 : vector<16xf32>
        %neg3A_322 = arith.constant 0.000000e+00 : f32
        %neg3A_323 = vector.broadcast %neg3A_322 : f32 to vector<16xf32>
        %neg3A_324 = arith.subf %neg3A_323, %add3A_309 : vector<16xf32>
        %exp3A_325 = math.exp %neg3A_324 : vector<16xf32>
        %add3A_326 = arith.constant 1.000000e+00 : f32
        %add3A_327 = vector.broadcast %add3A_326 : f32 to vector<16xf32>
        %add3A_328 = arith.addf %add3A_327, %exp3A_325 : vector<16xf32>
        %div3A_329 = arith.divf %add3A_309, %add3A_328 : vector<16xf32>
        %swap3A_330 = arith.index_cast %scan3A_243 : i32 to index
        %swap3A_331 = arith.constant 32 : index
        %swap3A_332 = tpu.vector_load %arg11[%swap3A_330, %swap3A_331] {strides = array<i32>} : memref<40x128xf32, #tpu.memory_space<vmem>>, vector<1x16xf32>,
        %swap3A_333 = vector.shape_cast %swap3A_332 : vector<1x16xf32> to vector<16xf32>
        %swap3A_334 = vector.shape_cast %div3A_329 : vector<16xf32> to vector<1x16xf32>
        tpu.vector_store %arg11[%swap3A_330, %swap3A_331], %swap3A_334 {strides = array<i32>} : memref<40x128xf32, #tpu.memory_space<vmem>>, vector<1x16xf32>,
        %neg3A_335 = arith.constant 0.000000e+00 : f32
        %neg3A_336 = vector.broadcast %neg3A_335 : f32 to vector<16xf32>
        %neg3A_337 = arith.subf %neg3A_336, %add3A_321 : vector<16xf32>
        %exp3A_338 = math.exp %neg3A_337 : vector<16xf32>
        %add3A_339 = arith.constant 1.000000e+00 : f32
        %add3A_340 = vector.broadcast %add3A_339 : f32 to vector<16xf32>
        %add3A_341 = arith.addf %add3A_340, %exp3A_338 : vector<16xf32>
        %div3A_342 = arith.divf %add3A_321, %add3A_341 : vector<16xf32>
        %swap3A_343 = arith.index_cast %scan3A_243 : i32 to index
        %swap3A_344 = arith.constant 48 : index
        %swap3A_345 = tpu.vector_load %arg11[%swap3A_343, %swap3A_344] {strides = array<i32>} : memref<40x128xf32, #tpu.memory_space<vmem>>, vector<1x16xf32>,
        %swap3A_346 = vector.shape_cast %swap3A_345 : vector<1x16xf32> to vector<16xf32>
        %swap3A_347 = vector.shape_cast %div3A_342 : vector<16xf32> to vector<1x16xf32>
        tpu.vector_store %arg11[%swap3A_343, %swap3A_344], %swap3A_347 {strides = array<i32>} : memref<40x128xf32, #tpu.memory_space<vmem>>, vector<1x16xf32>,
        %get3A_348 = arith.index_cast %scan3A_243 : i32 to index
        %get3A_349 = arith.constant 32 : index
        %get3A_350 = tpu.vector_load %arg10[%get3A_348, %get3A_349] {strides = array<i32>} : memref<40x64xi32, #tpu.memory_space<vmem>>, vector<1x16xi32>,
        %get3A_351 = vector.shape_cast %get3A_350 : vector<1x16xi32> to vector<16xi32>
        %get3A_352 = arith.index_cast %scan3A_243 : i32 to index
        %get3A_353 = arith.constant 64 : index
        %get3A_354 = tpu.vector_load %arg8[%get3A_352, %get3A_353] {strides = array<i32>} : memref<40x128xf32, #tpu.memory_space<vmem>>, vector<1x16xf32>,
        %get3A_355 = vector.shape_cast %get3A_354 : vector<1x16xf32> to vector<16xf32>
        %get3A_356 = arith.index_cast %scan3A_243 : i32 to index
        %get3A_357 = arith.constant 64 : index
        %get3A_358 = tpu.vector_load %arg9[%get3A_356, %get3A_357] {strides = array<i32>} : memref<40x128xf32, #tpu.memory_space<vmem>>, vector<1x16xf32>,
        %get3A_359 = vector.shape_cast %get3A_358 : vector<1x16xf32> to vector<16xf32>
        %add3A_360 = arith.addf %get3A_355, %get3A_359 : vector<16xf32>
        %shift_left3A_361 = arith.constant 16 : i32
        %shift_left3A_362 = vector.broadcast %shift_left3A_361 : i32 to vector<16xi32>
        %shift_left3A_363 = arith.shli %get3A_351, %shift_left3A_362 : vector<16xi32>
        %bitcast_convert_type3A_364 = tpu.bitcast %shift_left3A_363 : vector<16xi32> -> vector<16xf32>
        %add3A_365 = arith.addf %add3A_360, %bitcast_convert_type3A_364 : vector<16xf32>
        %get3A_366 = arith.index_cast %scan3A_243 : i32 to index
        %get3A_367 = arith.constant 80 : index
        %get3A_368 = tpu.vector_load %arg8[%get3A_366, %get3A_367] {strides = array<i32>} : memref<40x128xf32, #tpu.memory_space<vmem>>, vector<1x16xf32>,
        %get3A_369 = vector.shape_cast %get3A_368 : vector<1x16xf32> to vector<16xf32>
        %get3A_370 = arith.index_cast %scan3A_243 : i32 to index
        %get3A_371 = arith.constant 80 : index
        %get3A_372 = tpu.vector_load %arg9[%get3A_370, %get3A_371] {strides = array<i32>} : memref<40x128xf32, #tpu.memory_space<vmem>>, vector<1x16xf32>,
        %get3A_373 = vector.shape_cast %get3A_372 : vector<1x16xf32> to vector<16xf32>
        %add3A_374 = arith.addf %get3A_369, %get3A_373 : vector<16xf32>
        %and3A_375 = arith.andi %get3A_351, %broadcast_in_dim3A_179 : vector<16xi32>
        %bitcast_convert_type3A_376 = tpu.bitcast %and3A_375 : vector<16xi32> -> vector<16xf32>
        %add3A_377 = arith.addf %add3A_374, %bitcast_convert_type3A_376 : vector<16xf32>
        %neg3A_378 = arith.constant 0.000000e+00 : f32
        %neg3A_379 = vector.broadcast %neg3A_378 : f32 to vector<16xf32>
        %neg3A_380 = arith.subf %neg3A_379, %add3A_365 : vector<16xf32>
        %exp3A_381 = math.exp %neg3A_380 : vector<16xf32>
        %add3A_382 = arith.constant 1.000000e+00 : f32
        %add3A_383 = vector.broadcast %add3A_382 : f32 to vector<16xf32>
        %add3A_384 = arith.addf %add3A_383, %exp3A_381 : vector<16xf32>
        %div3A_385 = arith.divf %add3A_365, %add3A_384 : vector<16xf32>
        %swap3A_386 = arith.index_cast %scan3A_243 : i32 to index
        %swap3A_387 = arith.constant 64 : index
        %swap3A_388 = tpu.vector_load %arg11[%swap3A_386, %swap3A_387] {strides = array<i32>} : memref<40x128xf32, #tpu.memory_space<vmem>>, vector<1x16xf32>,
        %swap3A_389 = vector.shape_cast %swap3A_388 : vector<1x16xf32> to vector<16xf32>
        %swap3A_390 = vector.shape_cast %div3A_385 : vector<16xf32> to vector<1x16xf32>
        tpu.vector_store %arg11[%swap3A_386, %swap3A_387], %swap3A_390 {strides = array<i32>} : memref<40x128xf32, #tpu.memory_space<vmem>>, vector<1x16xf32>,
        %neg3A_391 = arith.constant 0.000000e+00 : f32
        %neg3A_392 = vector.broadcast %neg3A_391 : f32 to vector<16xf32>
        %neg3A_393 = arith.subf %neg3A_392, %add3A_377 : vector<16xf32>
        %exp3A_394 = math.exp %neg3A_393 : vector<16xf32>
        %add3A_395 = arith.constant 1.000000e+00 : f32
        %add3A_396 = vector.broadcast %add3A_395 : f32 to vector<16xf32>
        %add3A_397 = arith.addf %add3A_396, %exp3A_394 : vector<16xf32>
        %div3A_398 = arith.divf %add3A_377, %add3A_397 : vector<16xf32>
        %swap3A_399 = arith.index_cast %scan3A_243 : i32 to index
        %swap3A_400 = arith.constant 80 : index
        %swap3A_401 = tpu.vector_load %arg11[%swap3A_399, %swap3A_400] {strides = array<i32>} : memref<40x128xf32, #tpu.memory_space<vmem>>, vector<1x16xf32>,
        %swap3A_402 = vector.shape_cast %swap3A_401 : vector<1x16xf32> to vector<16xf32>
        %swap3A_403 = vector.shape_cast %div3A_398 : vector<16xf32> to vector<1x16xf32>
        tpu.vector_store %arg11[%swap3A_399, %swap3A_400], %swap3A_403 {strides = array<i32>} : memref<40x128xf32, #tpu.memory_space<vmem>>, vector<1x16xf32>,
        %get3A_404 = arith.index_cast %scan3A_243 : i32 to index
        %get3A_405 = arith.constant 48 : index
        %get3A_406 = tpu.vector_load %arg10[%get3A_404, %get3A_405] {strides = array<i32>} : memref<40x64xi32, #tpu.memory_space<vmem>>, vector<1x16xi32>,
        %get3A_407 = vector.shape_cast %get3A_406 : vector<1x16xi32> to vector<16xi32>
        %get3A_408 = arith.index_cast %scan3A_243 : i32 to index
        %get3A_409 = arith.constant 96 : index
        %get3A_410 = tpu.vector_load %arg8[%get3A_408, %get3A_409] {strides = array<i32>} : memref<40x128xf32, #tpu.memory_space<vmem>>, vector<1x16xf32>,
        %get3A_411 = vector.shape_cast %get3A_410 : vector<1x16xf32> to vector<16xf32>
        %get3A_412 = arith.index_cast %scan3A_243 : i32 to index
        %get3A_413 = arith.constant 96 : index
        %get3A_414 = tpu.vector_load %arg9[%get3A_412, %get3A_413] {strides = array<i32>} : memref<40x128xf32, #tpu.memory_space<vmem>>, vector<1x16xf32>,
        %get3A_415 = vector.shape_cast %get3A_414 : vector<1x16xf32> to vector<16xf32>
        %add3A_416 = arith.addf %get3A_411, %get3A_415 : vector<16xf32>
        %shift_left3A_417 = arith.constant 16 : i32
        %shift_left3A_418 = vector.broadcast %shift_left3A_417 : i32 to vector<16xi32>
        %shift_left3A_419 = arith.shli %get3A_407, %shift_left3A_418 : vector<16xi32>
        %bitcast_convert_type3A_420 = tpu.bitcast %shift_left3A_419 : vector<16xi32> -> vector<16xf32>
        %add3A_421 = arith.addf %add3A_416, %bitcast_convert_type3A_420 : vector<16xf32>
        %get3A_422 = arith.index_cast %scan3A_243 : i32 to index
        %get3A_423 = arith.constant 112 : index
        %get3A_424 = tpu.vector_load %arg8[%get3A_422, %get3A_423] {strides = array<i32>} : memref<40x128xf32, #tpu.memory_space<vmem>>, vector<1x16xf32>,
        %get3A_425 = vector.shape_cast %get3A_424 : vector<1x16xf32> to vector<16xf32>
        %get3A_426 = arith.index_cast %scan3A_243 : i32 to index
        %get3A_427 = arith.constant 112 : index
        %get3A_428 = tpu.vector_load %arg9[%get3A_426, %get3A_427] {strides = array<i32>} : memref<40x128xf32, #tpu.memory_space<vmem>>, vector<1x16xf32>,
        %get3A_429 = vector.shape_cast %get3A_428 : vector<1x16xf32> to vector<16xf32>
        %add3A_430 = arith.addf %get3A_425, %get3A_429 : vector<16xf32>
        %and3A_431 = arith.andi %get3A_407, %broadcast_in_dim3A_179 : vector<16xi32>
        %bitcast_convert_type3A_432 = tpu.bitcast %and3A_431 : vector<16xi32> -> vector<16xf32>
        %add3A_433 = arith.addf %add3A_430, %bitcast_convert_type3A_432 : vector<16xf32>
        %neg3A_434 = arith.constant 0.000000e+00 : f32
        %neg3A_435 = vector.broadcast %neg3A_434 : f32 to vector<16xf32>
        %neg3A_436 = arith.subf %neg3A_435, %add3A_421 : vector<16xf32>
        %exp3A_437 = math.exp %neg3A_436 : vector<16xf32>
        %add3A_438 = arith.constant 1.000000e+00 : f32
        %add3A_439 = vector.broadcast %add3A_438 : f32 to vector<16xf32>
        %add3A_440 = arith.addf %add3A_439, %exp3A_437 : vector<16xf32>
        %div3A_441 = arith.divf %add3A_421, %add3A_440 : vector<16xf32>
        %swap3A_442 = arith.index_cast %scan3A_243 : i32 to index
        %swap3A_443 = arith.constant 96 : index
        %swap3A_444 = tpu.vector_load %arg11[%swap3A_442, %swap3A_443] {strides = array<i32>} : memref<40x128xf32, #tpu.memory_space<vmem>>, vector<1x16xf32>,
        %swap3A_445 = vector.shape_cast %swap3A_444 : vector<1x16xf32> to vector<16xf32>
        %swap3A_446 = vector.shape_cast %div3A_441 : vector<16xf32> to vector<1x16xf32>
        tpu.vector_store %arg11[%swap3A_442, %swap3A_443], %swap3A_446 {strides = array<i32>} : memref<40x128xf32, #tpu.memory_space<vmem>>, vector<1x16xf32>,
        %neg3A_447 = arith.constant 0.000000e+00 : f32
        %neg3A_448 = vector.broadcast %neg3A_447 : f32 to vector<16xf32>
        %neg3A_449 = arith.subf %neg3A_448, %add3A_433 : vector<16xf32>
        %exp3A_450 = math.exp %neg3A_449 : vector<16xf32>
        %add3A_451 = arith.constant 1.000000e+00 : f32
        %add3A_452 = vector.broadcast %add3A_451 : f32 to vector<16xf32>
        %add3A_453 = arith.addf %add3A_452, %exp3A_450 : vector<16xf32>
        %div3A_454 = arith.divf %add3A_433, %add3A_453 : vector<16xf32>
        %swap3A_455 = arith.index_cast %scan3A_243 : i32 to index
        %swap3A_456 = arith.constant 112 : index
        %swap3A_457 = tpu.vector_load %arg11[%swap3A_455, %swap3A_456] {strides = array<i32>} : memref<40x128xf32, #tpu.memory_space<vmem>>, vector<1x16xf32>,
        %swap3A_458 = vector.shape_cast %swap3A_457 : vector<1x16xf32> to vector<16xf32>
        %swap3A_459 = vector.shape_cast %div3A_454 : vector<16xf32> to vector<1x16xf32>
        tpu.vector_store %arg11[%swap3A_455, %swap3A_456], %swap3A_459 {strides = array<i32>} : memref<40x128xf32, #tpu.memory_space<vmem>>, vector<1x16xf32>,
      }
      %scan3A_185 = arith.constant 40 : i32
      %run_scoped3A_186 = arith.constant 1 : i32
      "tpu.region"() ({
        %run_scoped3A_243 = tpu.sem_alloc : memref<!tpu.dma_semaphore, #tpu.memory_space<semaphore_mem>>
        %dma_start3A_244 = arith.constant 0 : i32
        %dma_start3A_245 = tpu.memref_slice %arg7[%run_scoped3A_186, %dma_start3A_244] : memref<2x40xi32, #tpu.memory_space<vmem>> -> memref<1x40xi32, #tpu.memory_space<vmem>>
        %dma_start3A_246 = tpu.memref_squeeze %dma_start3A_245 : memref<1x40xi32, #tpu.memory_space<vmem>> -> memref<40xi32, #tpu.memory_space<vmem>>
        %dma_start3A_247 = arith.constant 0 : i32
        %dma_start3A_248 = arith.constant 0 : i32
        %dma_start3A_249 = tpu.memref_slice %arg17[%dma_start3A_247, %dma_start3A_248] : memref<10240x128xf32, #tpu.memory_space<vmem_shared>> -> memref<10240x128xf32, #tpu.memory_space<vmem_shared>>
        tpu.enqueue_indirect_dma source(%arg11 : memref<40x128xf32, #tpu.memory_space<vmem>>) target(%dma_start3A_249 : memref<10240x128xf32, #tpu.memory_space<vmem_shared>>) offsets(%dma_start3A_246 : memref<40xi32, #tpu.memory_space<vmem>>) semaphore(%run_scoped3A_243 : memref<!tpu.dma_semaphore, #tpu.memory_space<semaphore_mem>>) {add = true}
        %dma_wait3A_250 = arith.constant 0 : i32
        %dma_wait3A_251 = tpu.memref_slice %arg7[%run_scoped3A_186, %dma_wait3A_250] : memref<2x40xi32, #tpu.memory_space<vmem>> -> memref<1x40xi32, #tpu.memory_space<vmem>>
        %dma_wait3A_252 = tpu.memref_squeeze %dma_wait3A_251 : memref<1x40xi32, #tpu.memory_space<vmem>> -> memref<40xi32, #tpu.memory_space<vmem>>
        %dma_wait3A_253 = arith.constant 0 : i32
        %dma_wait3A_254 = arith.constant 0 : i32
        %dma_wait3A_255 = tpu.memref_slice %arg17[%dma_wait3A_253, %dma_wait3A_254] : memref<10240x128xf32, #tpu.memory_space<vmem_shared>> -> memref<10240x128xf32, #tpu.memory_space<vmem_shared>>
        tpu.wait_indirect_dma semaphore(%run_scoped3A_243 : memref<!tpu.dma_semaphore, #tpu.memory_space<semaphore_mem>>) src(%arg11 : memref<40x128xf32, #tpu.memory_space<vmem>>) dst(%dma_wait3A_255 : memref<10240x128xf32, #tpu.memory_space<vmem_shared>>)
        tpu.yield
      }) : () -> ()
      %add3A_187 = arith.constant 2 : i32
      %add3A_188 = arith.addi %mul3A_130, %add3A_187 : i32
      %mul3A_189 = arith.constant 250 : i32
      %mul3A_190 = arith.muli %add3A, %mul3A_189 : i32
      %add3A_191 = arith.addi %mul3A_190, %add3A_188 : i32
      %mul3A_192 = arith.constant 40 : i32
      %mul3A_193 = arith.muli %add3A_188, %mul3A_192 : i32
      %add3A_194 = arith.addi %mul3A_2, %mul3A_193 : i32
      %multiple_of3A_195 = tpu.assume_multiple %add3A_194, 8 : i32
      "tpu.region"() ({
        %run_scoped3A_243 = tpu.sem_alloc : memref<!tpu.dma_semaphore, #tpu.memory_space<semaphore_mem>>
        %dma_start3A_244 = arith.constant 0 : i32
        %dma_start3A_245 = arith.constant 0 : i32
        %dma_start3A_246 = tpu.memref_slice %arg5[%dma_start3A_244, %add3A_191, %dma_start3A_245] : memref<2x8000x40xi32, #tpu.memory_space<hbm>> -> memref<2x1x40xi32, #tpu.memory_space<hbm>>
        %dma_start3A_247 = tpu.memref_squeeze %dma_start3A_246 : memref<2x1x40xi32, #tpu.memory_space<hbm>> -> memref<2x40xi32, #tpu.memory_space<hbm>>
        %dma_start3A_248 = arith.constant 0 : i32
        %dma_start3A_249 = arith.constant 0 : i32
        %dma_start3A_250 = tpu.memref_slice %arg5[%dma_start3A_248, %add3A_191, %dma_start3A_249] : memref<2x8000x40xi32, #tpu.memory_space<hbm>> -> memref<2x1x40xi32, #tpu.memory_space<hbm>>
        %dma_start3A_251 = tpu.memref_squeeze %dma_start3A_250 : memref<2x1x40xi32, #tpu.memory_space<hbm>> -> memref<2x40xi32, #tpu.memory_space<hbm>>
        tpu.enqueue_dma source(%dma_start3A_251 : memref<2x40xi32, #tpu.memory_space<hbm>>) target(%arg7 : memref<2x40xi32, #tpu.memory_space<vmem>>) target_semaphore(%run_scoped3A_243 : memref<!tpu.dma_semaphore, #tpu.memory_space<semaphore_mem>>)
        %dma_wait3A_252 = arith.constant 0 : i32
        %dma_wait3A_253 = arith.constant 0 : i32
        %dma_wait3A_254 = tpu.memref_slice %arg5[%dma_wait3A_252, %add3A_191, %dma_wait3A_253] : memref<2x8000x40xi32, #tpu.memory_space<hbm>> -> memref<2x1x40xi32, #tpu.memory_space<hbm>>
        %dma_wait3A_255 = tpu.memref_squeeze %dma_wait3A_254 : memref<2x1x40xi32, #tpu.memory_space<hbm>> -> memref<2x40xi32, #tpu.memory_space<hbm>>
        %dma_wait3A_256 = arith.constant 0 : i32
        %dma_wait3A_257 = arith.constant 0 : i32
        %dma_wait3A_258 = tpu.memref_slice %arg5[%dma_wait3A_256, %add3A_191, %dma_wait3A_257] : memref<2x8000x40xi32, #tpu.memory_space<hbm>> -> memref<2x1x40xi32, #tpu.memory_space<hbm>>
        %dma_wait3A_259 = tpu.memref_squeeze %dma_wait3A_258 : memref<2x1x40xi32, #tpu.memory_space<hbm>> -> memref<2x40xi32, #tpu.memory_space<hbm>>
        tpu.wait_dma2 semaphore(%run_scoped3A_243 : memref<!tpu.dma_semaphore, #tpu.memory_space<semaphore_mem>>) src(%dma_wait3A_259 : memref<2x40xi32, #tpu.memory_space<hbm>>) dst(%arg7 : memref<2x40xi32, #tpu.memory_space<vmem>>)
        tpu.yield
      }) : () -> ()
      %dma_start3A_196 = arith.constant 0 : i32
      %dma_start3A_197 = arith.constant 0 : i32
      %dma_start3A_198 = tpu.memref_slice %arg7[%dma_start3A_196, %dma_start3A_197] : memref<2x40xi32, #tpu.memory_space<vmem>> -> memref<1x40xi32, #tpu.memory_space<vmem>>
      %dma_start3A_199 = tpu.memref_squeeze %dma_start3A_198 : memref<1x40xi32, #tpu.memory_space<vmem>> -> memref<40xi32, #tpu.memory_space<vmem>>
      %dma_start3A_200 = arith.constant 0 : i32
      %dma_start3A_201 = arith.constant 0 : i32
      %dma_start3A_202 = tpu.memref_slice %arg2[%dma_start3A_200, %dma_start3A_201] : memref<10000x128xf32, #tpu.memory_space<hbm>> -> memref<10000x128xf32, #tpu.memory_space<hbm>>
      tpu.enqueue_indirect_dma source(%dma_start3A_202 : memref<10000x128xf32, #tpu.memory_space<hbm>>) target(%arg8 : memref<40x128xf32, #tpu.memory_space<vmem>>) offsets(%dma_start3A_199 : memref<40xi32, #tpu.memory_space<vmem>>) semaphore(%arg18 : memref<!tpu.dma_semaphore, #tpu.memory_space<semaphore_mem>>)
      %dma_start3A_203 = arith.constant 1 : i32
      %dma_start3A_204 = arith.constant 0 : i32
      %dma_start3A_205 = tpu.memref_slice %arg7[%dma_start3A_203, %dma_start3A_204] : memref<2x40xi32, #tpu.memory_space<vmem>> -> memref<1x40xi32, #tpu.memory_space<vmem>>
      %dma_start3A_206 = tpu.memref_squeeze %dma_start3A_205 : memref<1x40xi32, #tpu.memory_space<vmem>> -> memref<40xi32, #tpu.memory_space<vmem>>
      %dma_start3A_207 = arith.constant 0 : i32
      %dma_start3A_208 = arith.constant 0 : i32
      %dma_start3A_209 = tpu.memref_slice %arg3[%dma_start3A_207, %dma_start3A_208] : memref<10000x128xf32, #tpu.memory_space<hbm>> -> memref<10000x128xf32, #tpu.memory_space<hbm>>
      tpu.enqueue_indirect_dma source(%dma_start3A_209 : memref<10000x128xf32, #tpu.memory_space<hbm>>) target(%arg9 : memref<40x128xf32, #tpu.memory_space<vmem>>) offsets(%dma_start3A_206 : memref<40xi32, #tpu.memory_space<vmem>>) semaphore(%arg19 : memref<!tpu.dma_semaphore, #tpu.memory_space<semaphore_mem>>)
      %dma_start3A_210 = arith.constant 0 : i32
      %dma_start3A_211 = tpu.memref_slice %arg4[%multiple_of3A_195, %dma_start3A_210] : memref<320000x64xi32, #tpu.memory_space<hbm>> -> memref<40x64xi32, #tpu.memory_space<hbm>>
      %dma_start3A_212 = arith.constant 0 : i32
      %dma_start3A_213 = tpu.memref_slice %arg4[%multiple_of3A_195, %dma_start3A_212] : memref<320000x64xi32, #tpu.memory_space<hbm>> -> memref<40x64xi32, #tpu.memory_space<hbm>>
      tpu.enqueue_dma source(%dma_start3A_213 : memref<40x64xi32, #tpu.memory_space<hbm>>) target(%arg10 : memref<40x64xi32, #tpu.memory_space<vmem>>) target_semaphore(%arg20 : memref<!tpu.dma_semaphore, #tpu.memory_space<semaphore_mem>>)
      %dma_wait3A_214 = arith.constant 0 : i32
      %dma_wait3A_215 = arith.constant 0 : i32
      %dma_wait3A_216 = tpu.memref_slice %arg12[%dma_wait3A_214, %dma_wait3A_215] : memref<2x40xi32, #tpu.memory_space<vmem>> -> memref<1x40xi32, #tpu.memory_space<vmem>>
      %dma_wait3A_217 = tpu.memref_squeeze %dma_wait3A_216 : memref<1x40xi32, #tpu.memory_space<vmem>> -> memref<40xi32, #tpu.memory_space<vmem>>
      %dma_wait3A_218 = arith.constant 0 : i32
      %dma_wait3A_219 = arith.constant 0 : i32
      %dma_wait3A_220 = tpu.memref_slice %arg2[%dma_wait3A_218, %dma_wait3A_219] : memref<10000x128xf32, #tpu.memory_space<hbm>> -> memref<10000x128xf32, #tpu.memory_space<hbm>>
      tpu.wait_indirect_dma semaphore(%arg21 : memref<!tpu.dma_semaphore, #tpu.memory_space<semaphore_mem>>) src(%dma_wait3A_220 : memref<10000x128xf32, #tpu.memory_space<hbm>>) dst(%arg13 : memref<40x128xf32, #tpu.memory_space<vmem>>)
      %dma_wait3A_221 = arith.constant 1 : i32
      %dma_wait3A_222 = arith.constant 0 : i32
      %dma_wait3A_223 = tpu.memref_slice %arg12[%dma_wait3A_221, %dma_wait3A_222] : memref<2x40xi32, #tpu.memory_space<vmem>> -> memref<1x40xi32, #tpu.memory_space<vmem>>
      %dma_wait3A_224 = tpu.memref_squeeze %dma_wait3A_223 : memref<1x40xi32, #tpu.memory_space<vmem>> -> memref<40xi32, #tpu.memory_space<vmem>>
      %dma_wait3A_225 = arith.constant 0 : i32
      %dma_wait3A_226 = arith.constant 0 : i32
      %dma_wait3A_227 = tpu.memref_slice %arg3[%dma_wait3A_225, %dma_wait3A_226] : memref<10000x128xf32, #tpu.memory_space<hbm>> -> memref<10000x128xf32, #tpu.memory_space<hbm>>
      tpu.wait_indirect_dma semaphore(%arg22 : memref<!tpu.dma_semaphore, #tpu.memory_space<semaphore_mem>>) src(%dma_wait3A_227 : memref<10000x128xf32, #tpu.memory_space<hbm>>) dst(%arg14 : memref<40x128xf32, #tpu.memory_space<vmem>>)
      %dma_wait3A_228 = arith.constant 0 : i32
      %dma_wait3A_229 = arith.constant 0 : i32
      %dma_wait3A_230 = tpu.memref_slice %arg4[%dma_wait3A_228, %dma_wait3A_229] : memref<320000x64xi32, #tpu.memory_space<hbm>> -> memref<40x64xi32, #tpu.memory_space<hbm>>
      %dma_wait3A_231 = arith.constant 0 : i32
      %dma_wait3A_232 = arith.constant 0 : i32
      %dma_wait3A_233 = tpu.memref_slice %arg4[%dma_wait3A_231, %dma_wait3A_232] : memref<320000x64xi32, #tpu.memory_space<hbm>> -> memref<40x64xi32, #tpu.memory_space<hbm>>
      tpu.wait_dma2 semaphore(%arg23 : memref<!tpu.dma_semaphore, #tpu.memory_space<semaphore_mem>>) src(%dma_wait3A_233 : memref<40x64xi32, #tpu.memory_space<hbm>>) dst(%arg15 : memref<40x64xi32, #tpu.memory_space<vmem>>)
      %broadcast_in_dim3A_234 = arith.constant -65536 : i32
      %broadcast_in_dim3A_235 = vector.broadcast %broadcast_in_dim3A_234 : i32 to vector<16xi32>
      %scan3A_236 = arith.constant 0 : i32
      %scan3A_237 = arith.constant 0 : i32
      %scan3A_238 = arith.constant 40 : i32
      %scan3A_239 = arith.addi %scan3A_237, %scan3A_238 : i32
      %scan3A_240 = arith.constant 1 : i32
      scf.for %scan3A_243 = %scan3A_237 to %scan3A_239 step %scan3A_240  : i32 {
        %get3A = arith.index_cast %scan3A_243 : i32 to index
        %get3A_244 = arith.constant 0 : index
        %get3A_245 = tpu.vector_load %arg15[%get3A, %get3A_244] {strides = array<i32>} : memref<40x64xi32, #tpu.memory_space<vmem>>, vector<1x16xi32>,
        %get3A_246 = vector.shape_cast %get3A_245 : vector<1x16xi32> to vector<16xi32>
        %get3A_247 = arith.index_cast %scan3A_243 : i32 to index
        %get3A_248 = arith.constant 0 : index
        %get3A_249 = tpu.vector_load %arg13[%get3A_247, %get3A_248] {strides = array<i32>} : memref<40x128xf32, #tpu.memory_space<vmem>>, vector<1x16xf32>,
        %get3A_250 = vector.shape_cast %get3A_249 : vector<1x16xf32> to vector<16xf32>
        %get3A_251 = arith.index_cast %scan3A_243 : i32 to index
        %get3A_252 = arith.constant 0 : index
        %get3A_253 = tpu.vector_load %arg14[%get3A_251, %get3A_252] {strides = array<i32>} : memref<40x128xf32, #tpu.memory_space<vmem>>, vector<1x16xf32>,
        %get3A_254 = vector.shape_cast %get3A_253 : vector<1x16xf32> to vector<16xf32>
        %add3A_255 = arith.addf %get3A_250, %get3A_254 : vector<16xf32>
        %shift_left3A = arith.constant 16 : i32
        %shift_left3A_256 = vector.broadcast %shift_left3A : i32 to vector<16xi32>
        %shift_left3A_257 = arith.shli %get3A_246, %shift_left3A_256 : vector<16xi32>
        %bitcast_convert_type3A = tpu.bitcast %shift_left3A_257 : vector<16xi32> -> vector<16xf32>
        %add3A_258 = arith.addf %add3A_255, %bitcast_convert_type3A : vector<16xf32>
        %get3A_259 = arith.index_cast %scan3A_243 : i32 to index
        %get3A_260 = arith.constant 16 : index
        %get3A_261 = tpu.vector_load %arg13[%get3A_259, %get3A_260] {strides = array<i32>} : memref<40x128xf32, #tpu.memory_space<vmem>>, vector<1x16xf32>,
        %get3A_262 = vector.shape_cast %get3A_261 : vector<1x16xf32> to vector<16xf32>
        %get3A_263 = arith.index_cast %scan3A_243 : i32 to index
        %get3A_264 = arith.constant 16 : index
        %get3A_265 = tpu.vector_load %arg14[%get3A_263, %get3A_264] {strides = array<i32>} : memref<40x128xf32, #tpu.memory_space<vmem>>, vector<1x16xf32>,
        %get3A_266 = vector.shape_cast %get3A_265 : vector<1x16xf32> to vector<16xf32>
        %add3A_267 = arith.addf %get3A_262, %get3A_266 : vector<16xf32>
        %and3A = arith.andi %get3A_246, %broadcast_in_dim3A_235 : vector<16xi32>
        %bitcast_convert_type3A_268 = tpu.bitcast %and3A : vector<16xi32> -> vector<16xf32>
        %add3A_269 = arith.addf %add3A_267, %bitcast_convert_type3A_268 : vector<16xf32>
        %neg3A = arith.constant 0.000000e+00 : f32
        %neg3A_270 = vector.broadcast %neg3A : f32 to vector<16xf32>
        %neg3A_271 = arith.subf %neg3A_270, %add3A_258 : vector<16xf32>
        %exp3A = math.exp %neg3A_271 : vector<16xf32>
        %add3A_272 = arith.constant 1.000000e+00 : f32
        %add3A_273 = vector.broadcast %add3A_272 : f32 to vector<16xf32>
        %add3A_274 = arith.addf %add3A_273, %exp3A : vector<16xf32>
        %div3A = arith.divf %add3A_258, %add3A_274 : vector<16xf32>
        %swap3A = arith.index_cast %scan3A_243 : i32 to index
        %swap3A_275 = arith.constant 0 : index
        %swap3A_276 = tpu.vector_load %arg16[%swap3A, %swap3A_275] {strides = array<i32>} : memref<40x128xf32, #tpu.memory_space<vmem>>, vector<1x16xf32>,
        %swap3A_277 = vector.shape_cast %swap3A_276 : vector<1x16xf32> to vector<16xf32>
        %swap3A_278 = vector.shape_cast %div3A : vector<16xf32> to vector<1x16xf32>
        tpu.vector_store %arg16[%swap3A, %swap3A_275], %swap3A_278 {strides = array<i32>} : memref<40x128xf32, #tpu.memory_space<vmem>>, vector<1x16xf32>,
        %neg3A_279 = arith.constant 0.000000e+00 : f32
        %neg3A_280 = vector.broadcast %neg3A_279 : f32 to vector<16xf32>
        %neg3A_281 = arith.subf %neg3A_280, %add3A_269 : vector<16xf32>
        %exp3A_282 = math.exp %neg3A_281 : vector<16xf32>
        %add3A_283 = arith.constant 1.000000e+00 : f32
        %add3A_284 = vector.broadcast %add3A_283 : f32 to vector<16xf32>
        %add3A_285 = arith.addf %add3A_284, %exp3A_282 : vector<16xf32>
        %div3A_286 = arith.divf %add3A_269, %add3A_285 : vector<16xf32>
        %swap3A_287 = arith.index_cast %scan3A_243 : i32 to index
        %swap3A_288 = arith.constant 16 : index
        %swap3A_289 = tpu.vector_load %arg16[%swap3A_287, %swap3A_288] {strides = array<i32>} : memref<40x128xf32, #tpu.memory_space<vmem>>, vector<1x16xf32>,
        %swap3A_290 = vector.shape_cast %swap3A_289 : vector<1x16xf32> to vector<16xf32>
        %swap3A_291 = vector.shape_cast %div3A_286 : vector<16xf32> to vector<1x16xf32>
        tpu.vector_store %arg16[%swap3A_287, %swap3A_288], %swap3A_291 {strides = array<i32>} : memref<40x128xf32, #tpu.memory_space<vmem>>, vector<1x16xf32>,
        %get3A_292 = arith.index_cast %scan3A_243 : i32 to index
        %get3A_293 = arith.constant 16 : index
        %get3A_294 = tpu.vector_load %arg15[%get3A_292, %get3A_293] {strides = array<i32>} : memref<40x64xi32, #tpu.memory_space<vmem>>, vector<1x16xi32>,
        %get3A_295 = vector.shape_cast %get3A_294 : vector<1x16xi32> to vector<16xi32>
        %get3A_296 = arith.index_cast %scan3A_243 : i32 to index
        %get3A_297 = arith.constant 32 : index
        %get3A_298 = tpu.vector_load %arg13[%get3A_296, %get3A_297] {strides = array<i32>} : memref<40x128xf32, #tpu.memory_space<vmem>>, vector<1x16xf32>,
        %get3A_299 = vector.shape_cast %get3A_298 : vector<1x16xf32> to vector<16xf32>
        %get3A_300 = arith.index_cast %scan3A_243 : i32 to index
        %get3A_301 = arith.constant 32 : index
        %get3A_302 = tpu.vector_load %arg14[%get3A_300, %get3A_301] {strides = array<i32>} : memref<40x128xf32, #tpu.memory_space<vmem>>, vector<1x16xf32>,
        %get3A_303 = vector.shape_cast %get3A_302 : vector<1x16xf32> to vector<16xf32>
        %add3A_304 = arith.addf %get3A_299, %get3A_303 : vector<16xf32>
        %shift_left3A_305 = arith.constant 16 : i32
        %shift_left3A_306 = vector.broadcast %shift_left3A_305 : i32 to vector<16xi32>
        %shift_left3A_307 = arith.shli %get3A_295, %shift_left3A_306 : vector<16xi32>
        %bitcast_convert_type3A_308 = tpu.bitcast %shift_left3A_307 : vector<16xi32> -> vector<16xf32>
        %add3A_309 = arith.addf %add3A_304, %bitcast_convert_type3A_308 : vector<16xf32>
        %get3A_310 = arith.index_cast %scan3A_243 : i32 to index
        %get3A_311 = arith.constant 48 : index
        %get3A_312 = tpu.vector_load %arg13[%get3A_310, %get3A_311] {strides = array<i32>} : memref<40x128xf32, #tpu.memory_space<vmem>>, vector<1x16xf32>,
        %get3A_313 = vector.shape_cast %get3A_312 : vector<1x16xf32> to vector<16xf32>
        %get3A_314 = arith.index_cast %scan3A_243 : i32 to index
        %get3A_315 = arith.constant 48 : index
        %get3A_316 = tpu.vector_load %arg14[%get3A_314, %get3A_315] {strides = array<i32>} : memref<40x128xf32, #tpu.memory_space<vmem>>, vector<1x16xf32>,
        %get3A_317 = vector.shape_cast %get3A_316 : vector<1x16xf32> to vector<16xf32>
        %add3A_318 = arith.addf %get3A_313, %get3A_317 : vector<16xf32>
        %and3A_319 = arith.andi %get3A_295, %broadcast_in_dim3A_235 : vector<16xi32>
        %bitcast_convert_type3A_320 = tpu.bitcast %and3A_319 : vector<16xi32> -> vector<16xf32>
        %add3A_321 = arith.addf %add3A_318, %bitcast_convert_type3A_320 : vector<16xf32>
        %neg3A_322 = arith.constant 0.000000e+00 : f32
        %neg3A_323 = vector.broadcast %neg3A_322 : f32 to vector<16xf32>
        %neg3A_324 = arith.subf %neg3A_323, %add3A_309 : vector<16xf32>
        %exp3A_325 = math.exp %neg3A_324 : vector<16xf32>
        %add3A_326 = arith.constant 1.000000e+00 : f32
        %add3A_327 = vector.broadcast %add3A_326 : f32 to vector<16xf32>
        %add3A_328 = arith.addf %add3A_327, %exp3A_325 : vector<16xf32>
        %div3A_329 = arith.divf %add3A_309, %add3A_328 : vector<16xf32>
        %swap3A_330 = arith.index_cast %scan3A_243 : i32 to index
        %swap3A_331 = arith.constant 32 : index
        %swap3A_332 = tpu.vector_load %arg16[%swap3A_330, %swap3A_331] {strides = array<i32>} : memref<40x128xf32, #tpu.memory_space<vmem>>, vector<1x16xf32>,
        %swap3A_333 = vector.shape_cast %swap3A_332 : vector<1x16xf32> to vector<16xf32>
        %swap3A_334 = vector.shape_cast %div3A_329 : vector<16xf32> to vector<1x16xf32>
        tpu.vector_store %arg16[%swap3A_330, %swap3A_331], %swap3A_334 {strides = array<i32>} : memref<40x128xf32, #tpu.memory_space<vmem>>, vector<1x16xf32>,
        %neg3A_335 = arith.constant 0.000000e+00 : f32
        %neg3A_336 = vector.broadcast %neg3A_335 : f32 to vector<16xf32>
        %neg3A_337 = arith.subf %neg3A_336, %add3A_321 : vector<16xf32>
        %exp3A_338 = math.exp %neg3A_337 : vector<16xf32>
        %add3A_339 = arith.constant 1.000000e+00 : f32
        %add3A_340 = vector.broadcast %add3A_339 : f32 to vector<16xf32>
        %add3A_341 = arith.addf %add3A_340, %exp3A_338 : vector<16xf32>
        %div3A_342 = arith.divf %add3A_321, %add3A_341 : vector<16xf32>
        %swap3A_343 = arith.index_cast %scan3A_243 : i32 to index
        %swap3A_344 = arith.constant 48 : index
        %swap3A_345 = tpu.vector_load %arg16[%swap3A_343, %swap3A_344] {strides = array<i32>} : memref<40x128xf32, #tpu.memory_space<vmem>>, vector<1x16xf32>,
        %swap3A_346 = vector.shape_cast %swap3A_345 : vector<1x16xf32> to vector<16xf32>
        %swap3A_347 = vector.shape_cast %div3A_342 : vector<16xf32> to vector<1x16xf32>
        tpu.vector_store %arg16[%swap3A_343, %swap3A_344], %swap3A_347 {strides = array<i32>} : memref<40x128xf32, #tpu.memory_space<vmem>>, vector<1x16xf32>,
        %get3A_348 = arith.index_cast %scan3A_243 : i32 to index
        %get3A_349 = arith.constant 32 : index
        %get3A_350 = tpu.vector_load %arg15[%get3A_348, %get3A_349] {strides = array<i32>} : memref<40x64xi32, #tpu.memory_space<vmem>>, vector<1x16xi32>,
        %get3A_351 = vector.shape_cast %get3A_350 : vector<1x16xi32> to vector<16xi32>
        %get3A_352 = arith.index_cast %scan3A_243 : i32 to index
        %get3A_353 = arith.constant 64 : index
        %get3A_354 = tpu.vector_load %arg13[%get3A_352, %get3A_353] {strides = array<i32>} : memref<40x128xf32, #tpu.memory_space<vmem>>, vector<1x16xf32>,
        %get3A_355 = vector.shape_cast %get3A_354 : vector<1x16xf32> to vector<16xf32>
        %get3A_356 = arith.index_cast %scan3A_243 : i32 to index
        %get3A_357 = arith.constant 64 : index
        %get3A_358 = tpu.vector_load %arg14[%get3A_356, %get3A_357] {strides = array<i32>} : memref<40x128xf32, #tpu.memory_space<vmem>>, vector<1x16xf32>,
        %get3A_359 = vector.shape_cast %get3A_358 : vector<1x16xf32> to vector<16xf32>
        %add3A_360 = arith.addf %get3A_355, %get3A_359 : vector<16xf32>
        %shift_left3A_361 = arith.constant 16 : i32
        %shift_left3A_362 = vector.broadcast %shift_left3A_361 : i32 to vector<16xi32>
        %shift_left3A_363 = arith.shli %get3A_351, %shift_left3A_362 : vector<16xi32>
        %bitcast_convert_type3A_364 = tpu.bitcast %shift_left3A_363 : vector<16xi32> -> vector<16xf32>
        %add3A_365 = arith.addf %add3A_360, %bitcast_convert_type3A_364 : vector<16xf32>
        %get3A_366 = arith.index_cast %scan3A_243 : i32 to index
        %get3A_367 = arith.constant 80 : index
        %get3A_368 = tpu.vector_load %arg13[%get3A_366, %get3A_367] {strides = array<i32>} : memref<40x128xf32, #tpu.memory_space<vmem>>, vector<1x16xf32>,
        %get3A_369 = vector.shape_cast %get3A_368 : vector<1x16xf32> to vector<16xf32>
        %get3A_370 = arith.index_cast %scan3A_243 : i32 to index
        %get3A_371 = arith.constant 80 : index
        %get3A_372 = tpu.vector_load %arg14[%get3A_370, %get3A_371] {strides = array<i32>} : memref<40x128xf32, #tpu.memory_space<vmem>>, vector<1x16xf32>,
        %get3A_373 = vector.shape_cast %get3A_372 : vector<1x16xf32> to vector<16xf32>
        %add3A_374 = arith.addf %get3A_369, %get3A_373 : vector<16xf32>
        %and3A_375 = arith.andi %get3A_351, %broadcast_in_dim3A_235 : vector<16xi32>
        %bitcast_convert_type3A_376 = tpu.bitcast %and3A_375 : vector<16xi32> -> vector<16xf32>
        %add3A_377 = arith.addf %add3A_374, %bitcast_convert_type3A_376 : vector<16xf32>
        %neg3A_378 = arith.constant 0.000000e+00 : f32
        %neg3A_379 = vector.broadcast %neg3A_378 : f32 to vector<16xf32>
        %neg3A_380 = arith.subf %neg3A_379, %add3A_365 : vector<16xf32>
        %exp3A_381 = math.exp %neg3A_380 : vector<16xf32>
        %add3A_382 = arith.constant 1.000000e+00 : f32
        %add3A_383 = vector.broadcast %add3A_382 : f32 to vector<16xf32>
        %add3A_384 = arith.addf %add3A_383, %exp3A_381 : vector<16xf32>
        %div3A_385 = arith.divf %add3A_365, %add3A_384 : vector<16xf32>
        %swap3A_386 = arith.index_cast %scan3A_243 : i32 to index
        %swap3A_387 = arith.constant 64 : index
        %swap3A_388 = tpu.vector_load %arg16[%swap3A_386, %swap3A_387] {strides = array<i32>} : memref<40x128xf32, #tpu.memory_space<vmem>>, vector<1x16xf32>,
        %swap3A_389 = vector.shape_cast %swap3A_388 : vector<1x16xf32> to vector<16xf32>
        %swap3A_390 = vector.shape_cast %div3A_385 : vector<16xf32> to vector<1x16xf32>
        tpu.vector_store %arg16[%swap3A_386, %swap3A_387], %swap3A_390 {strides = array<i32>} : memref<40x128xf32, #tpu.memory_space<vmem>>, vector<1x16xf32>,
        %neg3A_391 = arith.constant 0.000000e+00 : f32
        %neg3A_392 = vector.broadcast %neg3A_391 : f32 to vector<16xf32>
        %neg3A_393 = arith.subf %neg3A_392, %add3A_377 : vector<16xf32>
        %exp3A_394 = math.exp %neg3A_393 : vector<16xf32>
        %add3A_395 = arith.constant 1.000000e+00 : f32
        %add3A_396 = vector.broadcast %add3A_395 : f32 to vector<16xf32>
        %add3A_397 = arith.addf %add3A_396, %exp3A_394 : vector<16xf32>
        %div3A_398 = arith.divf %add3A_377, %add3A_397 : vector<16xf32>
        %swap3A_399 = arith.index_cast %scan3A_243 : i32 to index
        %swap3A_400 = arith.constant 80 : index
        %swap3A_401 = tpu.vector_load %arg16[%swap3A_399, %swap3A_400] {strides = array<i32>} : memref<40x128xf32, #tpu.memory_space<vmem>>, vector<1x16xf32>,
        %swap3A_402 = vector.shape_cast %swap3A_401 : vector<1x16xf32> to vector<16xf32>
        %swap3A_403 = vector.shape_cast %div3A_398 : vector<16xf32> to vector<1x16xf32>
        tpu.vector_store %arg16[%swap3A_399, %swap3A_400], %swap3A_403 {strides = array<i32>} : memref<40x128xf32, #tpu.memory_space<vmem>>, vector<1x16xf32>,
        %get3A_404 = arith.index_cast %scan3A_243 : i32 to index
        %get3A_405 = arith.constant 48 : index
        %get3A_406 = tpu.vector_load %arg15[%get3A_404, %get3A_405] {strides = array<i32>} : memref<40x64xi32, #tpu.memory_space<vmem>>, vector<1x16xi32>,
        %get3A_407 = vector.shape_cast %get3A_406 : vector<1x16xi32> to vector<16xi32>
        %get3A_408 = arith.index_cast %scan3A_243 : i32 to index
        %get3A_409 = arith.constant 96 : index
        %get3A_410 = tpu.vector_load %arg13[%get3A_408, %get3A_409] {strides = array<i32>} : memref<40x128xf32, #tpu.memory_space<vmem>>, vector<1x16xf32>,
        %get3A_411 = vector.shape_cast %get3A_410 : vector<1x16xf32> to vector<16xf32>
        %get3A_412 = arith.index_cast %scan3A_243 : i32 to index
        %get3A_413 = arith.constant 96 : index
        %get3A_414 = tpu.vector_load %arg14[%get3A_412, %get3A_413] {strides = array<i32>} : memref<40x128xf32, #tpu.memory_space<vmem>>, vector<1x16xf32>,
        %get3A_415 = vector.shape_cast %get3A_414 : vector<1x16xf32> to vector<16xf32>
        %add3A_416 = arith.addf %get3A_411, %get3A_415 : vector<16xf32>
        %shift_left3A_417 = arith.constant 16 : i32
        %shift_left3A_418 = vector.broadcast %shift_left3A_417 : i32 to vector<16xi32>
        %shift_left3A_419 = arith.shli %get3A_407, %shift_left3A_418 : vector<16xi32>
        %bitcast_convert_type3A_420 = tpu.bitcast %shift_left3A_419 : vector<16xi32> -> vector<16xf32>
        %add3A_421 = arith.addf %add3A_416, %bitcast_convert_type3A_420 : vector<16xf32>
        %get3A_422 = arith.index_cast %scan3A_243 : i32 to index
        %get3A_423 = arith.constant 112 : index
        %get3A_424 = tpu.vector_load %arg13[%get3A_422, %get3A_423] {strides = array<i32>} : memref<40x128xf32, #tpu.memory_space<vmem>>, vector<1x16xf32>,
        %get3A_425 = vector.shape_cast %get3A_424 : vector<1x16xf32> to vector<16xf32>
        %get3A_426 = arith.index_cast %scan3A_243 : i32 to index
        %get3A_427 = arith.constant 112 : index
        %get3A_428 = tpu.vector_load %arg14[%get3A_426, %get3A_427] {strides = array<i32>} : memref<40x128xf32, #tpu.memory_space<vmem>>, vector<1x16xf32>,
        %get3A_429 = vector.shape_cast %get3A_428 : vector<1x16xf32> to vector<16xf32>
        %add3A_430 = arith.addf %get3A_425, %get3A_429 : vector<16xf32>
        %and3A_431 = arith.andi %get3A_407, %broadcast_in_dim3A_235 : vector<16xi32>
        %bitcast_convert_type3A_432 = tpu.bitcast %and3A_431 : vector<16xi32> -> vector<16xf32>
        %add3A_433 = arith.addf %add3A_430, %bitcast_convert_type3A_432 : vector<16xf32>
        %neg3A_434 = arith.constant 0.000000e+00 : f32
        %neg3A_435 = vector.broadcast %neg3A_434 : f32 to vector<16xf32>
        %neg3A_436 = arith.subf %neg3A_435, %add3A_421 : vector<16xf32>
        %exp3A_437 = math.exp %neg3A_436 : vector<16xf32>
        %add3A_438 = arith.constant 1.000000e+00 : f32
        %add3A_439 = vector.broadcast %add3A_438 : f32 to vector<16xf32>
        %add3A_440 = arith.addf %add3A_439, %exp3A_437 : vector<16xf32>
        %div3A_441 = arith.divf %add3A_421, %add3A_440 : vector<16xf32>
        %swap3A_442 = arith.index_cast %scan3A_243 : i32 to index
        %swap3A_443 = arith.constant 96 : index
        %swap3A_444 = tpu.vector_load %arg16[%swap3A_442, %swap3A_443] {strides = array<i32>} : memref<40x128xf32, #tpu.memory_space<vmem>>, vector<1x16xf32>,
        %swap3A_445 = vector.shape_cast %swap3A_444 : vector<1x16xf32> to vector<16xf32>
        %swap3A_446 = vector.shape_cast %div3A_441 : vector<16xf32> to vector<1x16xf32>
        tpu.vector_store %arg16[%swap3A_442, %swap3A_443], %swap3A_446 {strides = array<i32>} : memref<40x128xf32, #tpu.memory_space<vmem>>, vector<1x16xf32>,
        %neg3A_447 = arith.constant 0.000000e+00 : f32
        %neg3A_448 = vector.broadcast %neg3A_447 : f32 to vector<16xf32>
        %neg3A_449 = arith.subf %neg3A_448, %add3A_433 : vector<16xf32>
        %exp3A_450 = math.exp %neg3A_449 : vector<16xf32>
        %add3A_451 = arith.constant 1.000000e+00 : f32
        %add3A_452 = vector.broadcast %add3A_451 : f32 to vector<16xf32>
        %add3A_453 = arith.addf %add3A_452, %exp3A_450 : vector<16xf32>
        %div3A_454 = arith.divf %add3A_433, %add3A_453 : vector<16xf32>
        %swap3A_455 = arith.index_cast %scan3A_243 : i32 to index
        %swap3A_456 = arith.constant 112 : index
        %swap3A_457 = tpu.vector_load %arg16[%swap3A_455, %swap3A_456] {strides = array<i32>} : memref<40x128xf32, #tpu.memory_space<vmem>>, vector<1x16xf32>,
        %swap3A_458 = vector.shape_cast %swap3A_457 : vector<1x16xf32> to vector<16xf32>
        %swap3A_459 = vector.shape_cast %div3A_454 : vector<16xf32> to vector<1x16xf32>
        tpu.vector_store %arg16[%swap3A_455, %swap3A_456], %swap3A_459 {strides = array<i32>} : memref<40x128xf32, #tpu.memory_space<vmem>>, vector<1x16xf32>,
      }
      %scan3A_241 = arith.constant 40 : i32
      %run_scoped3A_242 = arith.constant 1 : i32
      "tpu.region"() ({
        %run_scoped3A_243 = tpu.sem_alloc : memref<!tpu.dma_semaphore, #tpu.memory_space<semaphore_mem>>
        %dma_start3A_244 = arith.constant 0 : i32
        %dma_start3A_245 = tpu.memref_slice %arg12[%run_scoped3A_242, %dma_start3A_244] : memref<2x40xi32, #tpu.memory_space<vmem>> -> memref<1x40xi32, #tpu.memory_space<vmem>>
        %dma_start3A_246 = tpu.memref_squeeze %dma_start3A_245 : memref<1x40xi32, #tpu.memory_space<vmem>> -> memref<40xi32, #tpu.memory_space<vmem>>
        %dma_start3A_247 = arith.constant 0 : i32
        %dma_start3A_248 = arith.constant 0 : i32
        %dma_start3A_249 = tpu.memref_slice %arg17[%dma_start3A_247, %dma_start3A_248] : memref<10240x128xf32, #tpu.memory_space<vmem_shared>> -> memref<10240x128xf32, #tpu.memory_space<vmem_shared>>
        tpu.enqueue_indirect_dma source(%arg16 : memref<40x128xf32, #tpu.memory_space<vmem>>) target(%dma_start3A_249 : memref<10240x128xf32, #tpu.memory_space<vmem_shared>>) offsets(%dma_start3A_246 : memref<40xi32, #tpu.memory_space<vmem>>) semaphore(%run_scoped3A_243 : memref<!tpu.dma_semaphore, #tpu.memory_space<semaphore_mem>>) {add = true}
        %dma_wait3A_250 = arith.constant 0 : i32
        %dma_wait3A_251 = tpu.memref_slice %arg12[%run_scoped3A_242, %dma_wait3A_250] : memref<2x40xi32, #tpu.memory_space<vmem>> -> memref<1x40xi32, #tpu.memory_space<vmem>>
        %dma_wait3A_252 = tpu.memref_squeeze %dma_wait3A_251 : memref<1x40xi32, #tpu.memory_space<vmem>> -> memref<40xi32, #tpu.memory_space<vmem>>
        %dma_wait3A_253 = arith.constant 0 : i32
        %dma_wait3A_254 = arith.constant 0 : i32
        %dma_wait3A_255 = tpu.memref_slice %arg17[%dma_wait3A_253, %dma_wait3A_254] : memref<10240x128xf32, #tpu.memory_space<vmem_shared>> -> memref<10240x128xf32, #tpu.memory_space<vmem_shared>>
        tpu.wait_indirect_dma semaphore(%run_scoped3A_243 : memref<!tpu.dma_semaphore, #tpu.memory_space<semaphore_mem>>) src(%arg16 : memref<40x128xf32, #tpu.memory_space<vmem>>) dst(%dma_wait3A_255 : memref<10240x128xf32, #tpu.memory_space<vmem_shared>>)
        tpu.yield
      }) : () -> ()
    }
    %scan3A_42 = arith.constant 124 : i32
    %mul3A_43 = arith.constant 250 : i32
    %mul3A_44 = arith.muli %add3A, %mul3A_43 : i32
    %add3A_45 = arith.constant 249 : i32
    %add3A_46 = arith.addi %mul3A_44, %add3A_45 : i32
    %add3A_47 = arith.constant 9960 : i32
    %add3A_48 = arith.addi %mul3A_2, %add3A_47 : i32
    %multiple_of3A_49 = tpu.assume_multiple %add3A_48, 8 : i32
    "tpu.region"() ({
      %run_scoped3A_128 = tpu.sem_alloc : memref<!tpu.dma_semaphore, #tpu.memory_space<semaphore_mem>>
      %dma_start3A_129 = arith.constant 0 : i32
      %dma_start3A_130 = arith.constant 0 : i32
      %dma_start3A_131 = tpu.memref_slice %arg5[%dma_start3A_129, %add3A_46, %dma_start3A_130] : memref<2x8000x40xi32, #tpu.memory_space<hbm>> -> memref<2x1x40xi32, #tpu.memory_space<hbm>>
      %dma_start3A_132 = tpu.memref_squeeze %dma_start3A_131 : memref<2x1x40xi32, #tpu.memory_space<hbm>> -> memref<2x40xi32, #tpu.memory_space<hbm>>
      %dma_start3A_133 = arith.constant 0 : i32
      %dma_start3A_134 = arith.constant 0 : i32
      %dma_start3A_135 = tpu.memref_slice %arg5[%dma_start3A_133, %add3A_46, %dma_start3A_134] : memref<2x8000x40xi32, #tpu.memory_space<hbm>> -> memref<2x1x40xi32, #tpu.memory_space<hbm>>
      %dma_start3A_136 = tpu.memref_squeeze %dma_start3A_135 : memref<2x1x40xi32, #tpu.memory_space<hbm>> -> memref<2x40xi32, #tpu.memory_space<hbm>>
      tpu.enqueue_dma source(%dma_start3A_136 : memref<2x40xi32, #tpu.memory_space<hbm>>) target(%arg12 : memref<2x40xi32, #tpu.memory_space<vmem>>) target_semaphore(%run_scoped3A_128 : memref<!tpu.dma_semaphore, #tpu.memory_space<semaphore_mem>>)
      %dma_wait3A_137 = arith.constant 0 : i32
      %dma_wait3A_138 = arith.constant 0 : i32
      %dma_wait3A_139 = tpu.memref_slice %arg5[%dma_wait3A_137, %add3A_46, %dma_wait3A_138] : memref<2x8000x40xi32, #tpu.memory_space<hbm>> -> memref<2x1x40xi32, #tpu.memory_space<hbm>>
      %dma_wait3A_140 = tpu.memref_squeeze %dma_wait3A_139 : memref<2x1x40xi32, #tpu.memory_space<hbm>> -> memref<2x40xi32, #tpu.memory_space<hbm>>
      %dma_wait3A_141 = arith.constant 0 : i32
      %dma_wait3A_142 = arith.constant 0 : i32
      %dma_wait3A_143 = tpu.memref_slice %arg5[%dma_wait3A_141, %add3A_46, %dma_wait3A_142] : memref<2x8000x40xi32, #tpu.memory_space<hbm>> -> memref<2x1x40xi32, #tpu.memory_space<hbm>>
      %dma_wait3A_144 = tpu.memref_squeeze %dma_wait3A_143 : memref<2x1x40xi32, #tpu.memory_space<hbm>> -> memref<2x40xi32, #tpu.memory_space<hbm>>
      tpu.wait_dma2 semaphore(%run_scoped3A_128 : memref<!tpu.dma_semaphore, #tpu.memory_space<semaphore_mem>>) src(%dma_wait3A_144 : memref<2x40xi32, #tpu.memory_space<hbm>>) dst(%arg12 : memref<2x40xi32, #tpu.memory_space<vmem>>)
      tpu.yield
    }) : () -> ()
    %dma_start3A_50 = arith.constant 0 : i32
    %dma_start3A_51 = arith.constant 0 : i32
    %dma_start3A_52 = tpu.memref_slice %arg12[%dma_start3A_50, %dma_start3A_51] : memref<2x40xi32, #tpu.memory_space<vmem>> -> memref<1x40xi32, #tpu.memory_space<vmem>>
    %dma_start3A_53 = tpu.memref_squeeze %dma_start3A_52 : memref<1x40xi32, #tpu.memory_space<vmem>> -> memref<40xi32, #tpu.memory_space<vmem>>
    %dma_start3A_54 = arith.constant 0 : i32
    %dma_start3A_55 = arith.constant 0 : i32
    %dma_start3A_56 = tpu.memref_slice %arg2[%dma_start3A_54, %dma_start3A_55] : memref<10000x128xf32, #tpu.memory_space<hbm>> -> memref<10000x128xf32, #tpu.memory_space<hbm>>
    tpu.enqueue_indirect_dma source(%dma_start3A_56 : memref<10000x128xf32, #tpu.memory_space<hbm>>) target(%arg13 : memref<40x128xf32, #tpu.memory_space<vmem>>) offsets(%dma_start3A_53 : memref<40xi32, #tpu.memory_space<vmem>>) semaphore(%arg21 : memref<!tpu.dma_semaphore, #tpu.memory_space<semaphore_mem>>)
    %dma_start3A_57 = arith.constant 1 : i32
    %dma_start3A_58 = arith.constant 0 : i32
    %dma_start3A_59 = tpu.memref_slice %arg12[%dma_start3A_57, %dma_start3A_58] : memref<2x40xi32, #tpu.memory_space<vmem>> -> memref<1x40xi32, #tpu.memory_space<vmem>>
    %dma_start3A_60 = tpu.memref_squeeze %dma_start3A_59 : memref<1x40xi32, #tpu.memory_space<vmem>> -> memref<40xi32, #tpu.memory_space<vmem>>
    %dma_start3A_61 = arith.constant 0 : i32
    %dma_start3A_62 = arith.constant 0 : i32
    %dma_start3A_63 = tpu.memref_slice %arg3[%dma_start3A_61, %dma_start3A_62] : memref<10000x128xf32, #tpu.memory_space<hbm>> -> memref<10000x128xf32, #tpu.memory_space<hbm>>
    tpu.enqueue_indirect_dma source(%dma_start3A_63 : memref<10000x128xf32, #tpu.memory_space<hbm>>) target(%arg14 : memref<40x128xf32, #tpu.memory_space<vmem>>) offsets(%dma_start3A_60 : memref<40xi32, #tpu.memory_space<vmem>>) semaphore(%arg22 : memref<!tpu.dma_semaphore, #tpu.memory_space<semaphore_mem>>)
    %dma_start3A_64 = arith.constant 0 : i32
    %dma_start3A_65 = tpu.memref_slice %arg4[%multiple_of3A_49, %dma_start3A_64] : memref<320000x64xi32, #tpu.memory_space<hbm>> -> memref<40x64xi32, #tpu.memory_space<hbm>>
    %dma_start3A_66 = arith.constant 0 : i32
    %dma_start3A_67 = tpu.memref_slice %arg4[%multiple_of3A_49, %dma_start3A_66] : memref<320000x64xi32, #tpu.memory_space<hbm>> -> memref<40x64xi32, #tpu.memory_space<hbm>>
    tpu.enqueue_dma source(%dma_start3A_67 : memref<40x64xi32, #tpu.memory_space<hbm>>) target(%arg15 : memref<40x64xi32, #tpu.memory_space<vmem>>) target_semaphore(%arg23 : memref<!tpu.dma_semaphore, #tpu.memory_space<semaphore_mem>>)
    %dma_wait3A = arith.constant 0 : i32
    %dma_wait3A_68 = arith.constant 0 : i32
    %dma_wait3A_69 = tpu.memref_slice %arg7[%dma_wait3A, %dma_wait3A_68] : memref<2x40xi32, #tpu.memory_space<vmem>> -> memref<1x40xi32, #tpu.memory_space<vmem>>
    %dma_wait3A_70 = tpu.memref_squeeze %dma_wait3A_69 : memref<1x40xi32, #tpu.memory_space<vmem>> -> memref<40xi32, #tpu.memory_space<vmem>>
    %dma_wait3A_71 = arith.constant 0 : i32
    %dma_wait3A_72 = arith.constant 0 : i32
    %dma_wait3A_73 = tpu.memref_slice %arg2[%dma_wait3A_71, %dma_wait3A_72] : memref<10000x128xf32, #tpu.memory_space<hbm>> -> memref<10000x128xf32, #tpu.memory_space<hbm>>
    tpu.wait_indirect_dma semaphore(%arg18 : memref<!tpu.dma_semaphore, #tpu.memory_space<semaphore_mem>>) src(%dma_wait3A_73 : memref<10000x128xf32, #tpu.memory_space<hbm>>) dst(%arg8 : memref<40x128xf32, #tpu.memory_space<vmem>>)
    %dma_wait3A_74 = arith.constant 1 : i32
    %dma_wait3A_75 = arith.constant 0 : i32
    %dma_wait3A_76 = tpu.memref_slice %arg7[%dma_wait3A_74, %dma_wait3A_75] : memref<2x40xi32, #tpu.memory_space<vmem>> -> memref<1x40xi32, #tpu.memory_space<vmem>>
    %dma_wait3A_77 = tpu.memref_squeeze %dma_wait3A_76 : memref<1x40xi32, #tpu.memory_space<vmem>> -> memref<40xi32, #tpu.memory_space<vmem>>
    %dma_wait3A_78 = arith.constant 0 : i32
    %dma_wait3A_79 = arith.constant 0 : i32
    %dma_wait3A_80 = tpu.memref_slice %arg3[%dma_wait3A_78, %dma_wait3A_79] : memref<10000x128xf32, #tpu.memory_space<hbm>> -> memref<10000x128xf32, #tpu.memory_space<hbm>>
    tpu.wait_indirect_dma semaphore(%arg19 : memref<!tpu.dma_semaphore, #tpu.memory_space<semaphore_mem>>) src(%dma_wait3A_80 : memref<10000x128xf32, #tpu.memory_space<hbm>>) dst(%arg9 : memref<40x128xf32, #tpu.memory_space<vmem>>)
    %dma_wait3A_81 = arith.constant 0 : i32
    %dma_wait3A_82 = arith.constant 0 : i32
    %dma_wait3A_83 = tpu.memref_slice %arg4[%dma_wait3A_81, %dma_wait3A_82] : memref<320000x64xi32, #tpu.memory_space<hbm>> -> memref<40x64xi32, #tpu.memory_space<hbm>>
    %dma_wait3A_84 = arith.constant 0 : i32
    %dma_wait3A_85 = arith.constant 0 : i32
    %dma_wait3A_86 = tpu.memref_slice %arg4[%dma_wait3A_84, %dma_wait3A_85] : memref<320000x64xi32, #tpu.memory_space<hbm>> -> memref<40x64xi32, #tpu.memory_space<hbm>>
    tpu.wait_dma2 semaphore(%arg20 : memref<!tpu.dma_semaphore, #tpu.memory_space<semaphore_mem>>) src(%dma_wait3A_86 : memref<40x64xi32, #tpu.memory_space<hbm>>) dst(%arg10 : memref<40x64xi32, #tpu.memory_space<vmem>>)
    %broadcast_in_dim3A = arith.constant -65536 : i32
    %broadcast_in_dim3A_87 = vector.broadcast %broadcast_in_dim3A : i32 to vector<16xi32>
    %scan3A_88 = arith.constant 0 : i32
    %scan3A_89 = arith.constant 0 : i32
    %scan3A_90 = arith.constant 40 : i32
    %scan3A_91 = arith.addi %scan3A_89, %scan3A_90 : i32
    %scan3A_92 = arith.constant 1 : i32
    scf.for %scan3A_128 = %scan3A_89 to %scan3A_91 step %scan3A_92  : i32 {
      %get3A = arith.index_cast %scan3A_128 : i32 to index
      %get3A_129 = arith.constant 0 : index
      %get3A_130 = tpu.vector_load %arg10[%get3A, %get3A_129] {strides = array<i32>} : memref<40x64xi32, #tpu.memory_space<vmem>>, vector<1x16xi32>,
      %get3A_131 = vector.shape_cast %get3A_130 : vector<1x16xi32> to vector<16xi32>
      %get3A_132 = arith.index_cast %scan3A_128 : i32 to index
      %get3A_133 = arith.constant 0 : index
      %get3A_134 = tpu.vector_load %arg8[%get3A_132, %get3A_133] {strides = array<i32>} : memref<40x128xf32, #tpu.memory_space<vmem>>, vector<1x16xf32>,
      %get3A_135 = vector.shape_cast %get3A_134 : vector<1x16xf32> to vector<16xf32>
      %get3A_136 = arith.index_cast %scan3A_128 : i32 to index
      %get3A_137 = arith.constant 0 : index
      %get3A_138 = tpu.vector_load %arg9[%get3A_136, %get3A_137] {strides = array<i32>} : memref<40x128xf32, #tpu.memory_space<vmem>>, vector<1x16xf32>,
      %get3A_139 = vector.shape_cast %get3A_138 : vector<1x16xf32> to vector<16xf32>
      %add3A_140 = arith.addf %get3A_135, %get3A_139 : vector<16xf32>
      %shift_left3A = arith.constant 16 : i32
      %shift_left3A_141 = vector.broadcast %shift_left3A : i32 to vector<16xi32>
      %shift_left3A_142 = arith.shli %get3A_131, %shift_left3A_141 : vector<16xi32>
      %bitcast_convert_type3A = tpu.bitcast %shift_left3A_142 : vector<16xi32> -> vector<16xf32>
      %add3A_143 = arith.addf %add3A_140, %bitcast_convert_type3A : vector<16xf32>
      %get3A_144 = arith.index_cast %scan3A_128 : i32 to index
      %get3A_145 = arith.constant 16 : index
      %get3A_146 = tpu.vector_load %arg8[%get3A_144, %get3A_145] {strides = array<i32>} : memref<40x128xf32, #tpu.memory_space<vmem>>, vector<1x16xf32>,
      %get3A_147 = vector.shape_cast %get3A_146 : vector<1x16xf32> to vector<16xf32>
      %get3A_148 = arith.index_cast %scan3A_128 : i32 to index
      %get3A_149 = arith.constant 16 : index
      %get3A_150 = tpu.vector_load %arg9[%get3A_148, %get3A_149] {strides = array<i32>} : memref<40x128xf32, #tpu.memory_space<vmem>>, vector<1x16xf32>,
      %get3A_151 = vector.shape_cast %get3A_150 : vector<1x16xf32> to vector<16xf32>
      %add3A_152 = arith.addf %get3A_147, %get3A_151 : vector<16xf32>
      %and3A = arith.andi %get3A_131, %broadcast_in_dim3A_87 : vector<16xi32>
      %bitcast_convert_type3A_153 = tpu.bitcast %and3A : vector<16xi32> -> vector<16xf32>
      %add3A_154 = arith.addf %add3A_152, %bitcast_convert_type3A_153 : vector<16xf32>
      %neg3A = arith.constant 0.000000e+00 : f32
      %neg3A_155 = vector.broadcast %neg3A : f32 to vector<16xf32>
      %neg3A_156 = arith.subf %neg3A_155, %add3A_143 : vector<16xf32>
      %exp3A = math.exp %neg3A_156 : vector<16xf32>
      %add3A_157 = arith.constant 1.000000e+00 : f32
      %add3A_158 = vector.broadcast %add3A_157 : f32 to vector<16xf32>
      %add3A_159 = arith.addf %add3A_158, %exp3A : vector<16xf32>
      %div3A = arith.divf %add3A_143, %add3A_159 : vector<16xf32>
      %swap3A = arith.index_cast %scan3A_128 : i32 to index
      %swap3A_160 = arith.constant 0 : index
      %swap3A_161 = tpu.vector_load %arg11[%swap3A, %swap3A_160] {strides = array<i32>} : memref<40x128xf32, #tpu.memory_space<vmem>>, vector<1x16xf32>,
      %swap3A_162 = vector.shape_cast %swap3A_161 : vector<1x16xf32> to vector<16xf32>
      %swap3A_163 = vector.shape_cast %div3A : vector<16xf32> to vector<1x16xf32>
      tpu.vector_store %arg11[%swap3A, %swap3A_160], %swap3A_163 {strides = array<i32>} : memref<40x128xf32, #tpu.memory_space<vmem>>, vector<1x16xf32>,
      %neg3A_164 = arith.constant 0.000000e+00 : f32
      %neg3A_165 = vector.broadcast %neg3A_164 : f32 to vector<16xf32>
      %neg3A_166 = arith.subf %neg3A_165, %add3A_154 : vector<16xf32>
      %exp3A_167 = math.exp %neg3A_166 : vector<16xf32>
      %add3A_168 = arith.constant 1.000000e+00 : f32
      %add3A_169 = vector.broadcast %add3A_168 : f32 to vector<16xf32>
      %add3A_170 = arith.addf %add3A_169, %exp3A_167 : vector<16xf32>
      %div3A_171 = arith.divf %add3A_154, %add3A_170 : vector<16xf32>
      %swap3A_172 = arith.index_cast %scan3A_128 : i32 to index
      %swap3A_173 = arith.constant 16 : index
      %swap3A_174 = tpu.vector_load %arg11[%swap3A_172, %swap3A_173] {strides = array<i32>} : memref<40x128xf32, #tpu.memory_space<vmem>>, vector<1x16xf32>,
      %swap3A_175 = vector.shape_cast %swap3A_174 : vector<1x16xf32> to vector<16xf32>
      %swap3A_176 = vector.shape_cast %div3A_171 : vector<16xf32> to vector<1x16xf32>
      tpu.vector_store %arg11[%swap3A_172, %swap3A_173], %swap3A_176 {strides = array<i32>} : memref<40x128xf32, #tpu.memory_space<vmem>>, vector<1x16xf32>,
      %get3A_177 = arith.index_cast %scan3A_128 : i32 to index
      %get3A_178 = arith.constant 16 : index
      %get3A_179 = tpu.vector_load %arg10[%get3A_177, %get3A_178] {strides = array<i32>} : memref<40x64xi32, #tpu.memory_space<vmem>>, vector<1x16xi32>,
      %get3A_180 = vector.shape_cast %get3A_179 : vector<1x16xi32> to vector<16xi32>
      %get3A_181 = arith.index_cast %scan3A_128 : i32 to index
      %get3A_182 = arith.constant 32 : index
      %get3A_183 = tpu.vector_load %arg8[%get3A_181, %get3A_182] {strides = array<i32>} : memref<40x128xf32, #tpu.memory_space<vmem>>, vector<1x16xf32>,
      %get3A_184 = vector.shape_cast %get3A_183 : vector<1x16xf32> to vector<16xf32>
      %get3A_185 = arith.index_cast %scan3A_128 : i32 to index
      %get3A_186 = arith.constant 32 : index
      %get3A_187 = tpu.vector_load %arg9[%get3A_185, %get3A_186] {strides = array<i32>} : memref<40x128xf32, #tpu.memory_space<vmem>>, vector<1x16xf32>,
      %get3A_188 = vector.shape_cast %get3A_187 : vector<1x16xf32> to vector<16xf32>
      %add3A_189 = arith.addf %get3A_184, %get3A_188 : vector<16xf32>
      %shift_left3A_190 = arith.constant 16 : i32
      %shift_left3A_191 = vector.broadcast %shift_left3A_190 : i32 to vector<16xi32>
      %shift_left3A_192 = arith.shli %get3A_180, %shift_left3A_191 : vector<16xi32>
      %bitcast_convert_type3A_193 = tpu.bitcast %shift_left3A_192 : vector<16xi32> -> vector<16xf32>
      %add3A_194 = arith.addf %add3A_189, %bitcast_convert_type3A_193 : vector<16xf32>
      %get3A_195 = arith.index_cast %scan3A_128 : i32 to index
      %get3A_196 = arith.constant 48 : index
      %get3A_197 = tpu.vector_load %arg8[%get3A_195, %get3A_196] {strides = array<i32>} : memref<40x128xf32, #tpu.memory_space<vmem>>, vector<1x16xf32>,
      %get3A_198 = vector.shape_cast %get3A_197 : vector<1x16xf32> to vector<16xf32>
      %get3A_199 = arith.index_cast %scan3A_128 : i32 to index
      %get3A_200 = arith.constant 48 : index
      %get3A_201 = tpu.vector_load %arg9[%get3A_199, %get3A_200] {strides = array<i32>} : memref<40x128xf32, #tpu.memory_space<vmem>>, vector<1x16xf32>,
      %get3A_202 = vector.shape_cast %get3A_201 : vector<1x16xf32> to vector<16xf32>
      %add3A_203 = arith.addf %get3A_198, %get3A_202 : vector<16xf32>
      %and3A_204 = arith.andi %get3A_180, %broadcast_in_dim3A_87 : vector<16xi32>
      %bitcast_convert_type3A_205 = tpu.bitcast %and3A_204 : vector<16xi32> -> vector<16xf32>
      %add3A_206 = arith.addf %add3A_203, %bitcast_convert_type3A_205 : vector<16xf32>
      %neg3A_207 = arith.constant 0.000000e+00 : f32
      %neg3A_208 = vector.broadcast %neg3A_207 : f32 to vector<16xf32>
      %neg3A_209 = arith.subf %neg3A_208, %add3A_194 : vector<16xf32>
      %exp3A_210 = math.exp %neg3A_209 : vector<16xf32>
      %add3A_211 = arith.constant 1.000000e+00 : f32
      %add3A_212 = vector.broadcast %add3A_211 : f32 to vector<16xf32>
      %add3A_213 = arith.addf %add3A_212, %exp3A_210 : vector<16xf32>
      %div3A_214 = arith.divf %add3A_194, %add3A_213 : vector<16xf32>
      %swap3A_215 = arith.index_cast %scan3A_128 : i32 to index
      %swap3A_216 = arith.constant 32 : index
      %swap3A_217 = tpu.vector_load %arg11[%swap3A_215, %swap3A_216] {strides = array<i32>} : memref<40x128xf32, #tpu.memory_space<vmem>>, vector<1x16xf32>,
      %swap3A_218 = vector.shape_cast %swap3A_217 : vector<1x16xf32> to vector<16xf32>
      %swap3A_219 = vector.shape_cast %div3A_214 : vector<16xf32> to vector<1x16xf32>
      tpu.vector_store %arg11[%swap3A_215, %swap3A_216], %swap3A_219 {strides = array<i32>} : memref<40x128xf32, #tpu.memory_space<vmem>>, vector<1x16xf32>,
      %neg3A_220 = arith.constant 0.000000e+00 : f32
      %neg3A_221 = vector.broadcast %neg3A_220 : f32 to vector<16xf32>
      %neg3A_222 = arith.subf %neg3A_221, %add3A_206 : vector<16xf32>
      %exp3A_223 = math.exp %neg3A_222 : vector<16xf32>
      %add3A_224 = arith.constant 1.000000e+00 : f32
      %add3A_225 = vector.broadcast %add3A_224 : f32 to vector<16xf32>
      %add3A_226 = arith.addf %add3A_225, %exp3A_223 : vector<16xf32>
      %div3A_227 = arith.divf %add3A_206, %add3A_226 : vector<16xf32>
      %swap3A_228 = arith.index_cast %scan3A_128 : i32 to index
      %swap3A_229 = arith.constant 48 : index
      %swap3A_230 = tpu.vector_load %arg11[%swap3A_228, %swap3A_229] {strides = array<i32>} : memref<40x128xf32, #tpu.memory_space<vmem>>, vector<1x16xf32>,
      %swap3A_231 = vector.shape_cast %swap3A_230 : vector<1x16xf32> to vector<16xf32>
      %swap3A_232 = vector.shape_cast %div3A_227 : vector<16xf32> to vector<1x16xf32>
      tpu.vector_store %arg11[%swap3A_228, %swap3A_229], %swap3A_232 {strides = array<i32>} : memref<40x128xf32, #tpu.memory_space<vmem>>, vector<1x16xf32>,
      %get3A_233 = arith.index_cast %scan3A_128 : i32 to index
      %get3A_234 = arith.constant 32 : index
      %get3A_235 = tpu.vector_load %arg10[%get3A_233, %get3A_234] {strides = array<i32>} : memref<40x64xi32, #tpu.memory_space<vmem>>, vector<1x16xi32>,
      %get3A_236 = vector.shape_cast %get3A_235 : vector<1x16xi32> to vector<16xi32>
      %get3A_237 = arith.index_cast %scan3A_128 : i32 to index
      %get3A_238 = arith.constant 64 : index
      %get3A_239 = tpu.vector_load %arg8[%get3A_237, %get3A_238] {strides = array<i32>} : memref<40x128xf32, #tpu.memory_space<vmem>>, vector<1x16xf32>,
      %get3A_240 = vector.shape_cast %get3A_239 : vector<1x16xf32> to vector<16xf32>
      %get3A_241 = arith.index_cast %scan3A_128 : i32 to index
      %get3A_242 = arith.constant 64 : index
      %get3A_243 = tpu.vector_load %arg9[%get3A_241, %get3A_242] {strides = array<i32>} : memref<40x128xf32, #tpu.memory_space<vmem>>, vector<1x16xf32>,
      %get3A_244 = vector.shape_cast %get3A_243 : vector<1x16xf32> to vector<16xf32>
      %add3A_245 = arith.addf %get3A_240, %get3A_244 : vector<16xf32>
      %shift_left3A_246 = arith.constant 16 : i32
      %shift_left3A_247 = vector.broadcast %shift_left3A_246 : i32 to vector<16xi32>
      %shift_left3A_248 = arith.shli %get3A_236, %shift_left3A_247 : vector<16xi32>
      %bitcast_convert_type3A_249 = tpu.bitcast %shift_left3A_248 : vector<16xi32> -> vector<16xf32>
      %add3A_250 = arith.addf %add3A_245, %bitcast_convert_type3A_249 : vector<16xf32>
      %get3A_251 = arith.index_cast %scan3A_128 : i32 to index
      %get3A_252 = arith.constant 80 : index
      %get3A_253 = tpu.vector_load %arg8[%get3A_251, %get3A_252] {strides = array<i32>} : memref<40x128xf32, #tpu.memory_space<vmem>>, vector<1x16xf32>,
      %get3A_254 = vector.shape_cast %get3A_253 : vector<1x16xf32> to vector<16xf32>
      %get3A_255 = arith.index_cast %scan3A_128 : i32 to index
      %get3A_256 = arith.constant 80 : index
      %get3A_257 = tpu.vector_load %arg9[%get3A_255, %get3A_256] {strides = array<i32>} : memref<40x128xf32, #tpu.memory_space<vmem>>, vector<1x16xf32>,
      %get3A_258 = vector.shape_cast %get3A_257 : vector<1x16xf32> to vector<16xf32>
      %add3A_259 = arith.addf %get3A_254, %get3A_258 : vector<16xf32>
      %and3A_260 = arith.andi %get3A_236, %broadcast_in_dim3A_87 : vector<16xi32>
      %bitcast_convert_type3A_261 = tpu.bitcast %and3A_260 : vector<16xi32> -> vector<16xf32>
      %add3A_262 = arith.addf %add3A_259, %bitcast_convert_type3A_261 : vector<16xf32>
      %neg3A_263 = arith.constant 0.000000e+00 : f32
      %neg3A_264 = vector.broadcast %neg3A_263 : f32 to vector<16xf32>
      %neg3A_265 = arith.subf %neg3A_264, %add3A_250 : vector<16xf32>
      %exp3A_266 = math.exp %neg3A_265 : vector<16xf32>
      %add3A_267 = arith.constant 1.000000e+00 : f32
      %add3A_268 = vector.broadcast %add3A_267 : f32 to vector<16xf32>
      %add3A_269 = arith.addf %add3A_268, %exp3A_266 : vector<16xf32>
      %div3A_270 = arith.divf %add3A_250, %add3A_269 : vector<16xf32>
      %swap3A_271 = arith.index_cast %scan3A_128 : i32 to index
      %swap3A_272 = arith.constant 64 : index
      %swap3A_273 = tpu.vector_load %arg11[%swap3A_271, %swap3A_272] {strides = array<i32>} : memref<40x128xf32, #tpu.memory_space<vmem>>, vector<1x16xf32>,
      %swap3A_274 = vector.shape_cast %swap3A_273 : vector<1x16xf32> to vector<16xf32>
      %swap3A_275 = vector.shape_cast %div3A_270 : vector<16xf32> to vector<1x16xf32>
      tpu.vector_store %arg11[%swap3A_271, %swap3A_272], %swap3A_275 {strides = array<i32>} : memref<40x128xf32, #tpu.memory_space<vmem>>, vector<1x16xf32>,
      %neg3A_276 = arith.constant 0.000000e+00 : f32
      %neg3A_277 = vector.broadcast %neg3A_276 : f32 to vector<16xf32>
      %neg3A_278 = arith.subf %neg3A_277, %add3A_262 : vector<16xf32>
      %exp3A_279 = math.exp %neg3A_278 : vector<16xf32>
      %add3A_280 = arith.constant 1.000000e+00 : f32
      %add3A_281 = vector.broadcast %add3A_280 : f32 to vector<16xf32>
      %add3A_282 = arith.addf %add3A_281, %exp3A_279 : vector<16xf32>
      %div3A_283 = arith.divf %add3A_262, %add3A_282 : vector<16xf32>
      %swap3A_284 = arith.index_cast %scan3A_128 : i32 to index
      %swap3A_285 = arith.constant 80 : index
      %swap3A_286 = tpu.vector_load %arg11[%swap3A_284, %swap3A_285] {strides = array<i32>} : memref<40x128xf32, #tpu.memory_space<vmem>>, vector<1x16xf32>,
      %swap3A_287 = vector.shape_cast %swap3A_286 : vector<1x16xf32> to vector<16xf32>
      %swap3A_288 = vector.shape_cast %div3A_283 : vector<16xf32> to vector<1x16xf32>
      tpu.vector_store %arg11[%swap3A_284, %swap3A_285], %swap3A_288 {strides = array<i32>} : memref<40x128xf32, #tpu.memory_space<vmem>>, vector<1x16xf32>,
      %get3A_289 = arith.index_cast %scan3A_128 : i32 to index
      %get3A_290 = arith.constant 48 : index
      %get3A_291 = tpu.vector_load %arg10[%get3A_289, %get3A_290] {strides = array<i32>} : memref<40x64xi32, #tpu.memory_space<vmem>>, vector<1x16xi32>,
      %get3A_292 = vector.shape_cast %get3A_291 : vector<1x16xi32> to vector<16xi32>
      %get3A_293 = arith.index_cast %scan3A_128 : i32 to index
      %get3A_294 = arith.constant 96 : index
      %get3A_295 = tpu.vector_load %arg8[%get3A_293, %get3A_294] {strides = array<i32>} : memref<40x128xf32, #tpu.memory_space<vmem>>, vector<1x16xf32>,
      %get3A_296 = vector.shape_cast %get3A_295 : vector<1x16xf32> to vector<16xf32>
      %get3A_297 = arith.index_cast %scan3A_128 : i32 to index
      %get3A_298 = arith.constant 96 : index
      %get3A_299 = tpu.vector_load %arg9[%get3A_297, %get3A_298] {strides = array<i32>} : memref<40x128xf32, #tpu.memory_space<vmem>>, vector<1x16xf32>,
      %get3A_300 = vector.shape_cast %get3A_299 : vector<1x16xf32> to vector<16xf32>
      %add3A_301 = arith.addf %get3A_296, %get3A_300 : vector<16xf32>
      %shift_left3A_302 = arith.constant 16 : i32
      %shift_left3A_303 = vector.broadcast %shift_left3A_302 : i32 to vector<16xi32>
      %shift_left3A_304 = arith.shli %get3A_292, %shift_left3A_303 : vector<16xi32>
      %bitcast_convert_type3A_305 = tpu.bitcast %shift_left3A_304 : vector<16xi32> -> vector<16xf32>
      %add3A_306 = arith.addf %add3A_301, %bitcast_convert_type3A_305 : vector<16xf32>
      %get3A_307 = arith.index_cast %scan3A_128 : i32 to index
      %get3A_308 = arith.constant 112 : index
      %get3A_309 = tpu.vector_load %arg8[%get3A_307, %get3A_308] {strides = array<i32>} : memref<40x128xf32, #tpu.memory_space<vmem>>, vector<1x16xf32>,
      %get3A_310 = vector.shape_cast %get3A_309 : vector<1x16xf32> to vector<16xf32>
      %get3A_311 = arith.index_cast %scan3A_128 : i32 to index
      %get3A_312 = arith.constant 112 : index
      %get3A_313 = tpu.vector_load %arg9[%get3A_311, %get3A_312] {strides = array<i32>} : memref<40x128xf32, #tpu.memory_space<vmem>>, vector<1x16xf32>,
      %get3A_314 = vector.shape_cast %get3A_313 : vector<1x16xf32> to vector<16xf32>
      %add3A_315 = arith.addf %get3A_310, %get3A_314 : vector<16xf32>
      %and3A_316 = arith.andi %get3A_292, %broadcast_in_dim3A_87 : vector<16xi32>
      %bitcast_convert_type3A_317 = tpu.bitcast %and3A_316 : vector<16xi32> -> vector<16xf32>
      %add3A_318 = arith.addf %add3A_315, %bitcast_convert_type3A_317 : vector<16xf32>
      %neg3A_319 = arith.constant 0.000000e+00 : f32
      %neg3A_320 = vector.broadcast %neg3A_319 : f32 to vector<16xf32>
      %neg3A_321 = arith.subf %neg3A_320, %add3A_306 : vector<16xf32>
      %exp3A_322 = math.exp %neg3A_321 : vector<16xf32>
      %add3A_323 = arith.constant 1.000000e+00 : f32
      %add3A_324 = vector.broadcast %add3A_323 : f32 to vector<16xf32>
      %add3A_325 = arith.addf %add3A_324, %exp3A_322 : vector<16xf32>
      %div3A_326 = arith.divf %add3A_306, %add3A_325 : vector<16xf32>
      %swap3A_327 = arith.index_cast %scan3A_128 : i32 to index
      %swap3A_328 = arith.constant 96 : index
      %swap3A_329 = tpu.vector_load %arg11[%swap3A_327, %swap3A_328] {strides = array<i32>} : memref<40x128xf32, #tpu.memory_space<vmem>>, vector<1x16xf32>,
      %swap3A_330 = vector.shape_cast %swap3A_329 : vector<1x16xf32> to vector<16xf32>
      %swap3A_331 = vector.shape_cast %div3A_326 : vector<16xf32> to vector<1x16xf32>
      tpu.vector_store %arg11[%swap3A_327, %swap3A_328], %swap3A_331 {strides = array<i32>} : memref<40x128xf32, #tpu.memory_space<vmem>>, vector<1x16xf32>,
      %neg3A_332 = arith.constant 0.000000e+00 : f32
      %neg3A_333 = vector.broadcast %neg3A_332 : f32 to vector<16xf32>
      %neg3A_334 = arith.subf %neg3A_333, %add3A_318 : vector<16xf32>
      %exp3A_335 = math.exp %neg3A_334 : vector<16xf32>
      %add3A_336 = arith.constant 1.000000e+00 : f32
      %add3A_337 = vector.broadcast %add3A_336 : f32 to vector<16xf32>
      %add3A_338 = arith.addf %add3A_337, %exp3A_335 : vector<16xf32>
      %div3A_339 = arith.divf %add3A_318, %add3A_338 : vector<16xf32>
      %swap3A_340 = arith.index_cast %scan3A_128 : i32 to index
      %swap3A_341 = arith.constant 112 : index
      %swap3A_342 = tpu.vector_load %arg11[%swap3A_340, %swap3A_341] {strides = array<i32>} : memref<40x128xf32, #tpu.memory_space<vmem>>, vector<1x16xf32>,
      %swap3A_343 = vector.shape_cast %swap3A_342 : vector<1x16xf32> to vector<16xf32>
      %swap3A_344 = vector.shape_cast %div3A_339 : vector<16xf32> to vector<1x16xf32>
      tpu.vector_store %arg11[%swap3A_340, %swap3A_341], %swap3A_344 {strides = array<i32>} : memref<40x128xf32, #tpu.memory_space<vmem>>, vector<1x16xf32>,
    }
    %scan3A_93 = arith.constant 40 : i32
    %run_scoped3A = arith.constant 1 : i32
    "tpu.region"() ({
      %run_scoped3A_128 = tpu.sem_alloc : memref<!tpu.dma_semaphore, #tpu.memory_space<semaphore_mem>>
      %dma_start3A_129 = arith.constant 0 : i32
      %dma_start3A_130 = tpu.memref_slice %arg7[%run_scoped3A, %dma_start3A_129] : memref<2x40xi32, #tpu.memory_space<vmem>> -> memref<1x40xi32, #tpu.memory_space<vmem>>
      %dma_start3A_131 = tpu.memref_squeeze %dma_start3A_130 : memref<1x40xi32, #tpu.memory_space<vmem>> -> memref<40xi32, #tpu.memory_space<vmem>>
      %dma_start3A_132 = arith.constant 0 : i32
      %dma_start3A_133 = arith.constant 0 : i32
      %dma_start3A_134 = tpu.memref_slice %arg17[%dma_start3A_132, %dma_start3A_133] : memref<10240x128xf32, #tpu.memory_space<vmem_shared>> -> memref<10240x128xf32, #tpu.memory_space<vmem_shared>>
      tpu.enqueue_indirect_dma source(%arg11 : memref<40x128xf32, #tpu.memory_space<vmem>>) target(%dma_start3A_134 : memref<10240x128xf32, #tpu.memory_space<vmem_shared>>) offsets(%dma_start3A_131 : memref<40xi32, #tpu.memory_space<vmem>>) semaphore(%run_scoped3A_128 : memref<!tpu.dma_semaphore, #tpu.memory_space<semaphore_mem>>) {add = true}
      %dma_wait3A_135 = arith.constant 0 : i32
      %dma_wait3A_136 = tpu.memref_slice %arg7[%run_scoped3A, %dma_wait3A_135] : memref<2x40xi32, #tpu.memory_space<vmem>> -> memref<1x40xi32, #tpu.memory_space<vmem>>
      %dma_wait3A_137 = tpu.memref_squeeze %dma_wait3A_136 : memref<1x40xi32, #tpu.memory_space<vmem>> -> memref<40xi32, #tpu.memory_space<vmem>>
      %dma_wait3A_138 = arith.constant 0 : i32
      %dma_wait3A_139 = arith.constant 0 : i32
      %dma_wait3A_140 = tpu.memref_slice %arg17[%dma_wait3A_138, %dma_wait3A_139] : memref<10240x128xf32, #tpu.memory_space<vmem_shared>> -> memref<10240x128xf32, #tpu.memory_space<vmem_shared>>
      tpu.wait_indirect_dma semaphore(%run_scoped3A_128 : memref<!tpu.dma_semaphore, #tpu.memory_space<semaphore_mem>>) src(%arg11 : memref<40x128xf32, #tpu.memory_space<vmem>>) dst(%dma_wait3A_140 : memref<10240x128xf32, #tpu.memory_space<vmem_shared>>)
      tpu.yield
    }) : () -> ()
    %dma_wait3A_94 = arith.constant 0 : i32
    %dma_wait3A_95 = arith.constant 0 : i32
    %dma_wait3A_96 = tpu.memref_slice %arg12[%dma_wait3A_94, %dma_wait3A_95] : memref<2x40xi32, #tpu.memory_space<vmem>> -> memref<1x40xi32, #tpu.memory_space<vmem>>
    %dma_wait3A_97 = tpu.memref_squeeze %dma_wait3A_96 : memref<1x40xi32, #tpu.memory_space<vmem>> -> memref<40xi32, #tpu.memory_space<vmem>>
    %dma_wait3A_98 = arith.constant 0 : i32
    %dma_wait3A_99 = arith.constant 0 : i32
    %dma_wait3A_100 = tpu.memref_slice %arg2[%dma_wait3A_98, %dma_wait3A_99] : memref<10000x128xf32, #tpu.memory_space<hbm>> -> memref<10000x128xf32, #tpu.memory_space<hbm>>
    tpu.wait_indirect_dma semaphore(%arg21 : memref<!tpu.dma_semaphore, #tpu.memory_space<semaphore_mem>>) src(%dma_wait3A_100 : memref<10000x128xf32, #tpu.memory_space<hbm>>) dst(%arg13 : memref<40x128xf32, #tpu.memory_space<vmem>>)
    %dma_wait3A_101 = arith.constant 1 : i32
    %dma_wait3A_102 = arith.constant 0 : i32
    %dma_wait3A_103 = tpu.memref_slice %arg12[%dma_wait3A_101, %dma_wait3A_102] : memref<2x40xi32, #tpu.memory_space<vmem>> -> memref<1x40xi32, #tpu.memory_space<vmem>>
    %dma_wait3A_104 = tpu.memref_squeeze %dma_wait3A_103 : memref<1x40xi32, #tpu.memory_space<vmem>> -> memref<40xi32, #tpu.memory_space<vmem>>
    %dma_wait3A_105 = arith.constant 0 : i32
    %dma_wait3A_106 = arith.constant 0 : i32
    %dma_wait3A_107 = tpu.memref_slice %arg3[%dma_wait3A_105, %dma_wait3A_106] : memref<10000x128xf32, #tpu.memory_space<hbm>> -> memref<10000x128xf32, #tpu.memory_space<hbm>>
    tpu.wait_indirect_dma semaphore(%arg22 : memref<!tpu.dma_semaphore, #tpu.memory_space<semaphore_mem>>) src(%dma_wait3A_107 : memref<10000x128xf32, #tpu.memory_space<hbm>>) dst(%arg14 : memref<40x128xf32, #tpu.memory_space<vmem>>)
    %dma_wait3A_108 = arith.constant 0 : i32
    %dma_wait3A_109 = arith.constant 0 : i32
    %dma_wait3A_110 = tpu.memref_slice %arg4[%dma_wait3A_108, %dma_wait3A_109] : memref<320000x64xi32, #tpu.memory_space<hbm>> -> memref<40x64xi32, #tpu.memory_space<hbm>>
    %dma_wait3A_111 = arith.constant 0 : i32
    %dma_wait3A_112 = arith.constant 0 : i32
    %dma_wait3A_113 = tpu.memref_slice %arg4[%dma_wait3A_111, %dma_wait3A_112] : memref<320000x64xi32, #tpu.memory_space<hbm>> -> memref<40x64xi32, #tpu.memory_space<hbm>>
    tpu.wait_dma2 semaphore(%arg23 : memref<!tpu.dma_semaphore, #tpu.memory_space<semaphore_mem>>) src(%dma_wait3A_113 : memref<40x64xi32, #tpu.memory_space<hbm>>) dst(%arg15 : memref<40x64xi32, #tpu.memory_space<vmem>>)
    %broadcast_in_dim3A_114 = arith.constant -65536 : i32
    %broadcast_in_dim3A_115 = vector.broadcast %broadcast_in_dim3A_114 : i32 to vector<16xi32>
    %scan3A_116 = arith.constant 0 : i32
    %scan3A_117 = arith.constant 0 : i32
    %scan3A_118 = arith.constant 40 : i32
    %scan3A_119 = arith.addi %scan3A_117, %scan3A_118 : i32
    %scan3A_120 = arith.constant 1 : i32
    scf.for %scan3A_128 = %scan3A_117 to %scan3A_119 step %scan3A_120  : i32 {
      %get3A = arith.index_cast %scan3A_128 : i32 to index
      %get3A_129 = arith.constant 0 : index
      %get3A_130 = tpu.vector_load %arg15[%get3A, %get3A_129] {strides = array<i32>} : memref<40x64xi32, #tpu.memory_space<vmem>>, vector<1x16xi32>,
      %get3A_131 = vector.shape_cast %get3A_130 : vector<1x16xi32> to vector<16xi32>
      %get3A_132 = arith.index_cast %scan3A_128 : i32 to index
      %get3A_133 = arith.constant 0 : index
      %get3A_134 = tpu.vector_load %arg13[%get3A_132, %get3A_133] {strides = array<i32>} : memref<40x128xf32, #tpu.memory_space<vmem>>, vector<1x16xf32>,
      %get3A_135 = vector.shape_cast %get3A_134 : vector<1x16xf32> to vector<16xf32>
      %get3A_136 = arith.index_cast %scan3A_128 : i32 to index
      %get3A_137 = arith.constant 0 : index
      %get3A_138 = tpu.vector_load %arg14[%get3A_136, %get3A_137] {strides = array<i32>} : memref<40x128xf32, #tpu.memory_space<vmem>>, vector<1x16xf32>,
      %get3A_139 = vector.shape_cast %get3A_138 : vector<1x16xf32> to vector<16xf32>
      %add3A_140 = arith.addf %get3A_135, %get3A_139 : vector<16xf32>
      %shift_left3A = arith.constant 16 : i32
      %shift_left3A_141 = vector.broadcast %shift_left3A : i32 to vector<16xi32>
      %shift_left3A_142 = arith.shli %get3A_131, %shift_left3A_141 : vector<16xi32>
      %bitcast_convert_type3A = tpu.bitcast %shift_left3A_142 : vector<16xi32> -> vector<16xf32>
      %add3A_143 = arith.addf %add3A_140, %bitcast_convert_type3A : vector<16xf32>
      %get3A_144 = arith.index_cast %scan3A_128 : i32 to index
      %get3A_145 = arith.constant 16 : index
      %get3A_146 = tpu.vector_load %arg13[%get3A_144, %get3A_145] {strides = array<i32>} : memref<40x128xf32, #tpu.memory_space<vmem>>, vector<1x16xf32>,
      %get3A_147 = vector.shape_cast %get3A_146 : vector<1x16xf32> to vector<16xf32>
      %get3A_148 = arith.index_cast %scan3A_128 : i32 to index
      %get3A_149 = arith.constant 16 : index
      %get3A_150 = tpu.vector_load %arg14[%get3A_148, %get3A_149] {strides = array<i32>} : memref<40x128xf32, #tpu.memory_space<vmem>>, vector<1x16xf32>,
      %get3A_151 = vector.shape_cast %get3A_150 : vector<1x16xf32> to vector<16xf32>
      %add3A_152 = arith.addf %get3A_147, %get3A_151 : vector<16xf32>
      %and3A = arith.andi %get3A_131, %broadcast_in_dim3A_115 : vector<16xi32>
      %bitcast_convert_type3A_153 = tpu.bitcast %and3A : vector<16xi32> -> vector<16xf32>
      %add3A_154 = arith.addf %add3A_152, %bitcast_convert_type3A_153 : vector<16xf32>
      %neg3A = arith.constant 0.000000e+00 : f32
      %neg3A_155 = vector.broadcast %neg3A : f32 to vector<16xf32>
      %neg3A_156 = arith.subf %neg3A_155, %add3A_143 : vector<16xf32>
      %exp3A = math.exp %neg3A_156 : vector<16xf32>
      %add3A_157 = arith.constant 1.000000e+00 : f32
      %add3A_158 = vector.broadcast %add3A_157 : f32 to vector<16xf32>
      %add3A_159 = arith.addf %add3A_158, %exp3A : vector<16xf32>
      %div3A = arith.divf %add3A_143, %add3A_159 : vector<16xf32>
      %swap3A = arith.index_cast %scan3A_128 : i32 to index
      %swap3A_160 = arith.constant 0 : index
      %swap3A_161 = tpu.vector_load %arg16[%swap3A, %swap3A_160] {strides = array<i32>} : memref<40x128xf32, #tpu.memory_space<vmem>>, vector<1x16xf32>,
      %swap3A_162 = vector.shape_cast %swap3A_161 : vector<1x16xf32> to vector<16xf32>
      %swap3A_163 = vector.shape_cast %div3A : vector<16xf32> to vector<1x16xf32>
      tpu.vector_store %arg16[%swap3A, %swap3A_160], %swap3A_163 {strides = array<i32>} : memref<40x128xf32, #tpu.memory_space<vmem>>, vector<1x16xf32>,
      %neg3A_164 = arith.constant 0.000000e+00 : f32
      %neg3A_165 = vector.broadcast %neg3A_164 : f32 to vector<16xf32>
      %neg3A_166 = arith.subf %neg3A_165, %add3A_154 : vector<16xf32>
      %exp3A_167 = math.exp %neg3A_166 : vector<16xf32>
      %add3A_168 = arith.constant 1.000000e+00 : f32
      %add3A_169 = vector.broadcast %add3A_168 : f32 to vector<16xf32>
      %add3A_170 = arith.addf %add3A_169, %exp3A_167 : vector<16xf32>
      %div3A_171 = arith.divf %add3A_154, %add3A_170 : vector<16xf32>
      %swap3A_172 = arith.index_cast %scan3A_128 : i32 to index
      %swap3A_173 = arith.constant 16 : index
      %swap3A_174 = tpu.vector_load %arg16[%swap3A_172, %swap3A_173] {strides = array<i32>} : memref<40x128xf32, #tpu.memory_space<vmem>>, vector<1x16xf32>,
      %swap3A_175 = vector.shape_cast %swap3A_174 : vector<1x16xf32> to vector<16xf32>
      %swap3A_176 = vector.shape_cast %div3A_171 : vector<16xf32> to vector<1x16xf32>
      tpu.vector_store %arg16[%swap3A_172, %swap3A_173], %swap3A_176 {strides = array<i32>} : memref<40x128xf32, #tpu.memory_space<vmem>>, vector<1x16xf32>,
      %get3A_177 = arith.index_cast %scan3A_128 : i32 to index
      %get3A_178 = arith.constant 16 : index
      %get3A_179 = tpu.vector_load %arg15[%get3A_177, %get3A_178] {strides = array<i32>} : memref<40x64xi32, #tpu.memory_space<vmem>>, vector<1x16xi32>,
      %get3A_180 = vector.shape_cast %get3A_179 : vector<1x16xi32> to vector<16xi32>
      %get3A_181 = arith.index_cast %scan3A_128 : i32 to index
      %get3A_182 = arith.constant 32 : index
      %get3A_183 = tpu.vector_load %arg13[%get3A_181, %get3A_182] {strides = array<i32>} : memref<40x128xf32, #tpu.memory_space<vmem>>, vector<1x16xf32>,
      %get3A_184 = vector.shape_cast %get3A_183 : vector<1x16xf32> to vector<16xf32>
      %get3A_185 = arith.index_cast %scan3A_128 : i32 to index
      %get3A_186 = arith.constant 32 : index
      %get3A_187 = tpu.vector_load %arg14[%get3A_185, %get3A_186] {strides = array<i32>} : memref<40x128xf32, #tpu.memory_space<vmem>>, vector<1x16xf32>,
      %get3A_188 = vector.shape_cast %get3A_187 : vector<1x16xf32> to vector<16xf32>
      %add3A_189 = arith.addf %get3A_184, %get3A_188 : vector<16xf32>
      %shift_left3A_190 = arith.constant 16 : i32
      %shift_left3A_191 = vector.broadcast %shift_left3A_190 : i32 to vector<16xi32>
      %shift_left3A_192 = arith.shli %get3A_180, %shift_left3A_191 : vector<16xi32>
      %bitcast_convert_type3A_193 = tpu.bitcast %shift_left3A_192 : vector<16xi32> -> vector<16xf32>
      %add3A_194 = arith.addf %add3A_189, %bitcast_convert_type3A_193 : vector<16xf32>
      %get3A_195 = arith.index_cast %scan3A_128 : i32 to index
      %get3A_196 = arith.constant 48 : index
      %get3A_197 = tpu.vector_load %arg13[%get3A_195, %get3A_196] {strides = array<i32>} : memref<40x128xf32, #tpu.memory_space<vmem>>, vector<1x16xf32>,
      %get3A_198 = vector.shape_cast %get3A_197 : vector<1x16xf32> to vector<16xf32>
      %get3A_199 = arith.index_cast %scan3A_128 : i32 to index
      %get3A_200 = arith.constant 48 : index
      %get3A_201 = tpu.vector_load %arg14[%get3A_199, %get3A_200] {strides = array<i32>} : memref<40x128xf32, #tpu.memory_space<vmem>>, vector<1x16xf32>,
      %get3A_202 = vector.shape_cast %get3A_201 : vector<1x16xf32> to vector<16xf32>
      %add3A_203 = arith.addf %get3A_198, %get3A_202 : vector<16xf32>
      %and3A_204 = arith.andi %get3A_180, %broadcast_in_dim3A_115 : vector<16xi32>
      %bitcast_convert_type3A_205 = tpu.bitcast %and3A_204 : vector<16xi32> -> vector<16xf32>
      %add3A_206 = arith.addf %add3A_203, %bitcast_convert_type3A_205 : vector<16xf32>
      %neg3A_207 = arith.constant 0.000000e+00 : f32
      %neg3A_208 = vector.broadcast %neg3A_207 : f32 to vector<16xf32>
      %neg3A_209 = arith.subf %neg3A_208, %add3A_194 : vector<16xf32>
      %exp3A_210 = math.exp %neg3A_209 : vector<16xf32>
      %add3A_211 = arith.constant 1.000000e+00 : f32
      %add3A_212 = vector.broadcast %add3A_211 : f32 to vector<16xf32>
      %add3A_213 = arith.addf %add3A_212, %exp3A_210 : vector<16xf32>
      %div3A_214 = arith.divf %add3A_194, %add3A_213 : vector<16xf32>
      %swap3A_215 = arith.index_cast %scan3A_128 : i32 to index
      %swap3A_216 = arith.constant 32 : index
      %swap3A_217 = tpu.vector_load %arg16[%swap3A_215, %swap3A_216] {strides = array<i32>} : memref<40x128xf32, #tpu.memory_space<vmem>>, vector<1x16xf32>,
      %swap3A_218 = vector.shape_cast %swap3A_217 : vector<1x16xf32> to vector<16xf32>
      %swap3A_219 = vector.shape_cast %div3A_214 : vector<16xf32> to vector<1x16xf32>
      tpu.vector_store %arg16[%swap3A_215, %swap3A_216], %swap3A_219 {strides = array<i32>} : memref<40x128xf32, #tpu.memory_space<vmem>>, vector<1x16xf32>,
      %neg3A_220 = arith.constant 0.000000e+00 : f32
      %neg3A_221 = vector.broadcast %neg3A_220 : f32 to vector<16xf32>
      %neg3A_222 = arith.subf %neg3A_221, %add3A_206 : vector<16xf32>
      %exp3A_223 = math.exp %neg3A_222 : vector<16xf32>
      %add3A_224 = arith.constant 1.000000e+00 : f32
      %add3A_225 = vector.broadcast %add3A_224 : f32 to vector<16xf32>
      %add3A_226 = arith.addf %add3A_225, %exp3A_223 : vector<16xf32>
      %div3A_227 = arith.divf %add3A_206, %add3A_226 : vector<16xf32>
      %swap3A_228 = arith.index_cast %scan3A_128 : i32 to index
      %swap3A_229 = arith.constant 48 : index
      %swap3A_230 = tpu.vector_load %arg16[%swap3A_228, %swap3A_229] {strides = array<i32>} : memref<40x128xf32, #tpu.memory_space<vmem>>, vector<1x16xf32>,
      %swap3A_231 = vector.shape_cast %swap3A_230 : vector<1x16xf32> to vector<16xf32>
      %swap3A_232 = vector.shape_cast %div3A_227 : vector<16xf32> to vector<1x16xf32>
      tpu.vector_store %arg16[%swap3A_228, %swap3A_229], %swap3A_232 {strides = array<i32>} : memref<40x128xf32, #tpu.memory_space<vmem>>, vector<1x16xf32>,
      %get3A_233 = arith.index_cast %scan3A_128 : i32 to index
      %get3A_234 = arith.constant 32 : index
      %get3A_235 = tpu.vector_load %arg15[%get3A_233, %get3A_234] {strides = array<i32>} : memref<40x64xi32, #tpu.memory_space<vmem>>, vector<1x16xi32>,
      %get3A_236 = vector.shape_cast %get3A_235 : vector<1x16xi32> to vector<16xi32>
      %get3A_237 = arith.index_cast %scan3A_128 : i32 to index
      %get3A_238 = arith.constant 64 : index
      %get3A_239 = tpu.vector_load %arg13[%get3A_237, %get3A_238] {strides = array<i32>} : memref<40x128xf32, #tpu.memory_space<vmem>>, vector<1x16xf32>,
      %get3A_240 = vector.shape_cast %get3A_239 : vector<1x16xf32> to vector<16xf32>
      %get3A_241 = arith.index_cast %scan3A_128 : i32 to index
      %get3A_242 = arith.constant 64 : index
      %get3A_243 = tpu.vector_load %arg14[%get3A_241, %get3A_242] {strides = array<i32>} : memref<40x128xf32, #tpu.memory_space<vmem>>, vector<1x16xf32>,
      %get3A_244 = vector.shape_cast %get3A_243 : vector<1x16xf32> to vector<16xf32>
      %add3A_245 = arith.addf %get3A_240, %get3A_244 : vector<16xf32>
      %shift_left3A_246 = arith.constant 16 : i32
      %shift_left3A_247 = vector.broadcast %shift_left3A_246 : i32 to vector<16xi32>
      %shift_left3A_248 = arith.shli %get3A_236, %shift_left3A_247 : vector<16xi32>
      %bitcast_convert_type3A_249 = tpu.bitcast %shift_left3A_248 : vector<16xi32> -> vector<16xf32>
      %add3A_250 = arith.addf %add3A_245, %bitcast_convert_type3A_249 : vector<16xf32>
      %get3A_251 = arith.index_cast %scan3A_128 : i32 to index
      %get3A_252 = arith.constant 80 : index
      %get3A_253 = tpu.vector_load %arg13[%get3A_251, %get3A_252] {strides = array<i32>} : memref<40x128xf32, #tpu.memory_space<vmem>>, vector<1x16xf32>,
      %get3A_254 = vector.shape_cast %get3A_253 : vector<1x16xf32> to vector<16xf32>
      %get3A_255 = arith.index_cast %scan3A_128 : i32 to index
      %get3A_256 = arith.constant 80 : index
      %get3A_257 = tpu.vector_load %arg14[%get3A_255, %get3A_256] {strides = array<i32>} : memref<40x128xf32, #tpu.memory_space<vmem>>, vector<1x16xf32>,
      %get3A_258 = vector.shape_cast %get3A_257 : vector<1x16xf32> to vector<16xf32>
      %add3A_259 = arith.addf %get3A_254, %get3A_258 : vector<16xf32>
      %and3A_260 = arith.andi %get3A_236, %broadcast_in_dim3A_115 : vector<16xi32>
      %bitcast_convert_type3A_261 = tpu.bitcast %and3A_260 : vector<16xi32> -> vector<16xf32>
      %add3A_262 = arith.addf %add3A_259, %bitcast_convert_type3A_261 : vector<16xf32>
      %neg3A_263 = arith.constant 0.000000e+00 : f32
      %neg3A_264 = vector.broadcast %neg3A_263 : f32 to vector<16xf32>
      %neg3A_265 = arith.subf %neg3A_264, %add3A_250 : vector<16xf32>
      %exp3A_266 = math.exp %neg3A_265 : vector<16xf32>
      %add3A_267 = arith.constant 1.000000e+00 : f32
      %add3A_268 = vector.broadcast %add3A_267 : f32 to vector<16xf32>
      %add3A_269 = arith.addf %add3A_268, %exp3A_266 : vector<16xf32>
      %div3A_270 = arith.divf %add3A_250, %add3A_269 : vector<16xf32>
      %swap3A_271 = arith.index_cast %scan3A_128 : i32 to index
      %swap3A_272 = arith.constant 64 : index
      %swap3A_273 = tpu.vector_load %arg16[%swap3A_271, %swap3A_272] {strides = array<i32>} : memref<40x128xf32, #tpu.memory_space<vmem>>, vector<1x16xf32>,
      %swap3A_274 = vector.shape_cast %swap3A_273 : vector<1x16xf32> to vector<16xf32>
      %swap3A_275 = vector.shape_cast %div3A_270 : vector<16xf32> to vector<1x16xf32>
      tpu.vector_store %arg16[%swap3A_271, %swap3A_272], %swap3A_275 {strides = array<i32>} : memref<40x128xf32, #tpu.memory_space<vmem>>, vector<1x16xf32>,
      %neg3A_276 = arith.constant 0.000000e+00 : f32
      %neg3A_277 = vector.broadcast %neg3A_276 : f32 to vector<16xf32>
      %neg3A_278 = arith.subf %neg3A_277, %add3A_262 : vector<16xf32>
      %exp3A_279 = math.exp %neg3A_278 : vector<16xf32>
      %add3A_280 = arith.constant 1.000000e+00 : f32
      %add3A_281 = vector.broadcast %add3A_280 : f32 to vector<16xf32>
      %add3A_282 = arith.addf %add3A_281, %exp3A_279 : vector<16xf32>
      %div3A_283 = arith.divf %add3A_262, %add3A_282 : vector<16xf32>
      %swap3A_284 = arith.index_cast %scan3A_128 : i32 to index
      %swap3A_285 = arith.constant 80 : index
      %swap3A_286 = tpu.vector_load %arg16[%swap3A_284, %swap3A_285] {strides = array<i32>} : memref<40x128xf32, #tpu.memory_space<vmem>>, vector<1x16xf32>,
      %swap3A_287 = vector.shape_cast %swap3A_286 : vector<1x16xf32> to vector<16xf32>
      %swap3A_288 = vector.shape_cast %div3A_283 : vector<16xf32> to vector<1x16xf32>
      tpu.vector_store %arg16[%swap3A_284, %swap3A_285], %swap3A_288 {strides = array<i32>} : memref<40x128xf32, #tpu.memory_space<vmem>>, vector<1x16xf32>,
      %get3A_289 = arith.index_cast %scan3A_128 : i32 to index
      %get3A_290 = arith.constant 48 : index
      %get3A_291 = tpu.vector_load %arg15[%get3A_289, %get3A_290] {strides = array<i32>} : memref<40x64xi32, #tpu.memory_space<vmem>>, vector<1x16xi32>,
      %get3A_292 = vector.shape_cast %get3A_291 : vector<1x16xi32> to vector<16xi32>
      %get3A_293 = arith.index_cast %scan3A_128 : i32 to index
      %get3A_294 = arith.constant 96 : index
      %get3A_295 = tpu.vector_load %arg13[%get3A_293, %get3A_294] {strides = array<i32>} : memref<40x128xf32, #tpu.memory_space<vmem>>, vector<1x16xf32>,
      %get3A_296 = vector.shape_cast %get3A_295 : vector<1x16xf32> to vector<16xf32>
      %get3A_297 = arith.index_cast %scan3A_128 : i32 to index
      %get3A_298 = arith.constant 96 : index
      %get3A_299 = tpu.vector_load %arg14[%get3A_297, %get3A_298] {strides = array<i32>} : memref<40x128xf32, #tpu.memory_space<vmem>>, vector<1x16xf32>,
      %get3A_300 = vector.shape_cast %get3A_299 : vector<1x16xf32> to vector<16xf32>
      %add3A_301 = arith.addf %get3A_296, %get3A_300 : vector<16xf32>
      %shift_left3A_302 = arith.constant 16 : i32
      %shift_left3A_303 = vector.broadcast %shift_left3A_302 : i32 to vector<16xi32>
      %shift_left3A_304 = arith.shli %get3A_292, %shift_left3A_303 : vector<16xi32>
      %bitcast_convert_type3A_305 = tpu.bitcast %shift_left3A_304 : vector<16xi32> -> vector<16xf32>
      %add3A_306 = arith.addf %add3A_301, %bitcast_convert_type3A_305 : vector<16xf32>
      %get3A_307 = arith.index_cast %scan3A_128 : i32 to index
      %get3A_308 = arith.constant 112 : index
      %get3A_309 = tpu.vector_load %arg13[%get3A_307, %get3A_308] {strides = array<i32>} : memref<40x128xf32, #tpu.memory_space<vmem>>, vector<1x16xf32>,
      %get3A_310 = vector.shape_cast %get3A_309 : vector<1x16xf32> to vector<16xf32>
      %get3A_311 = arith.index_cast %scan3A_128 : i32 to index
      %get3A_312 = arith.constant 112 : index
      %get3A_313 = tpu.vector_load %arg14[%get3A_311, %get3A_312] {strides = array<i32>} : memref<40x128xf32, #tpu.memory_space<vmem>>, vector<1x16xf32>,
      %get3A_314 = vector.shape_cast %get3A_313 : vector<1x16xf32> to vector<16xf32>
      %add3A_315 = arith.addf %get3A_310, %get3A_314 : vector<16xf32>
      %and3A_316 = arith.andi %get3A_292, %broadcast_in_dim3A_115 : vector<16xi32>
      %bitcast_convert_type3A_317 = tpu.bitcast %and3A_316 : vector<16xi32> -> vector<16xf32>
      %add3A_318 = arith.addf %add3A_315, %bitcast_convert_type3A_317 : vector<16xf32>
      %neg3A_319 = arith.constant 0.000000e+00 : f32
      %neg3A_320 = vector.broadcast %neg3A_319 : f32 to vector<16xf32>
      %neg3A_321 = arith.subf %neg3A_320, %add3A_306 : vector<16xf32>
      %exp3A_322 = math.exp %neg3A_321 : vector<16xf32>
      %add3A_323 = arith.constant 1.000000e+00 : f32
      %add3A_324 = vector.broadcast %add3A_323 : f32 to vector<16xf32>
      %add3A_325 = arith.addf %add3A_324, %exp3A_322 : vector<16xf32>
      %div3A_326 = arith.divf %add3A_306, %add3A_325 : vector<16xf32>
      %swap3A_327 = arith.index_cast %scan3A_128 : i32 to index
      %swap3A_328 = arith.constant 96 : index
      %swap3A_329 = tpu.vector_load %arg16[%swap3A_327, %swap3A_328] {strides = array<i32>} : memref<40x128xf32, #tpu.memory_space<vmem>>, vector<1x16xf32>,
      %swap3A_330 = vector.shape_cast %swap3A_329 : vector<1x16xf32> to vector<16xf32>
      %swap3A_331 = vector.shape_cast %div3A_326 : vector<16xf32> to vector<1x16xf32>
      tpu.vector_store %arg16[%swap3A_327, %swap3A_328], %swap3A_331 {strides = array<i32>} : memref<40x128xf32, #tpu.memory_space<vmem>>, vector<1x16xf32>,
      %neg3A_332 = arith.constant 0.000000e+00 : f32
      %neg3A_333 = vector.broadcast %neg3A_332 : f32 to vector<16xf32>
      %neg3A_334 = arith.subf %neg3A_333, %add3A_318 : vector<16xf32>
      %exp3A_335 = math.exp %neg3A_334 : vector<16xf32>
      %add3A_336 = arith.constant 1.000000e+00 : f32
      %add3A_337 = vector.broadcast %add3A_336 : f32 to vector<16xf32>
      %add3A_338 = arith.addf %add3A_337, %exp3A_335 : vector<16xf32>
      %div3A_339 = arith.divf %add3A_318, %add3A_338 : vector<16xf32>
      %swap3A_340 = arith.index_cast %scan3A_128 : i32 to index
      %swap3A_341 = arith.constant 112 : index
      %swap3A_342 = tpu.vector_load %arg16[%swap3A_340, %swap3A_341] {strides = array<i32>} : memref<40x128xf32, #tpu.memory_space<vmem>>, vector<1x16xf32>,
      %swap3A_343 = vector.shape_cast %swap3A_342 : vector<1x16xf32> to vector<16xf32>
      %swap3A_344 = vector.shape_cast %div3A_339 : vector<16xf32> to vector<1x16xf32>
      tpu.vector_store %arg16[%swap3A_340, %swap3A_341], %swap3A_344 {strides = array<i32>} : memref<40x128xf32, #tpu.memory_space<vmem>>, vector<1x16xf32>,
    }
    %scan3A_121 = arith.constant 40 : i32
    %run_scoped3A_122 = arith.constant 1 : i32
    "tpu.region"() ({
      %run_scoped3A_128 = tpu.sem_alloc : memref<!tpu.dma_semaphore, #tpu.memory_space<semaphore_mem>>
      %dma_start3A_129 = arith.constant 0 : i32
      %dma_start3A_130 = tpu.memref_slice %arg12[%run_scoped3A_122, %dma_start3A_129] : memref<2x40xi32, #tpu.memory_space<vmem>> -> memref<1x40xi32, #tpu.memory_space<vmem>>
      %dma_start3A_131 = tpu.memref_squeeze %dma_start3A_130 : memref<1x40xi32, #tpu.memory_space<vmem>> -> memref<40xi32, #tpu.memory_space<vmem>>
      %dma_start3A_132 = arith.constant 0 : i32
      %dma_start3A_133 = arith.constant 0 : i32
      %dma_start3A_134 = tpu.memref_slice %arg17[%dma_start3A_132, %dma_start3A_133] : memref<10240x128xf32, #tpu.memory_space<vmem_shared>> -> memref<10240x128xf32, #tpu.memory_space<vmem_shared>>
      tpu.enqueue_indirect_dma source(%arg16 : memref<40x128xf32, #tpu.memory_space<vmem>>) target(%dma_start3A_134 : memref<10240x128xf32, #tpu.memory_space<vmem_shared>>) offsets(%dma_start3A_131 : memref<40xi32, #tpu.memory_space<vmem>>) semaphore(%run_scoped3A_128 : memref<!tpu.dma_semaphore, #tpu.memory_space<semaphore_mem>>) {add = true}
      %dma_wait3A_135 = arith.constant 0 : i32
      %dma_wait3A_136 = tpu.memref_slice %arg12[%run_scoped3A_122, %dma_wait3A_135] : memref<2x40xi32, #tpu.memory_space<vmem>> -> memref<1x40xi32, #tpu.memory_space<vmem>>
      %dma_wait3A_137 = tpu.memref_squeeze %dma_wait3A_136 : memref<1x40xi32, #tpu.memory_space<vmem>> -> memref<40xi32, #tpu.memory_space<vmem>>
      %dma_wait3A_138 = arith.constant 0 : i32
      %dma_wait3A_139 = arith.constant 0 : i32
      %dma_wait3A_140 = tpu.memref_slice %arg17[%dma_wait3A_138, %dma_wait3A_139] : memref<10240x128xf32, #tpu.memory_space<vmem_shared>> -> memref<10240x128xf32, #tpu.memory_space<vmem_shared>>
      tpu.wait_indirect_dma semaphore(%run_scoped3A_128 : memref<!tpu.dma_semaphore, #tpu.memory_space<semaphore_mem>>) src(%arg16 : memref<40x128xf32, #tpu.memory_space<vmem>>) dst(%dma_wait3A_140 : memref<10240x128xf32, #tpu.memory_space<vmem_shared>>)
      tpu.yield
    }) : () -> ()
    %barrier3A_123 = arith.constant 0 : index
    tpu.barrier barrier_id(%barrier3A_123)
    %mul3A_124 = arith.constant 640 : i32
    %mul3A_125 = arith.muli %arg1, %mul3A_124 : i32
    %mul3A_126 = arith.constant 640 : i32
    %mul3A_127 = arith.muli %arg1, %mul3A_126 : i32
    "tpu.region"() ({
      %run_scoped3A_128 = tpu.sem_alloc : memref<!tpu.dma_semaphore, #tpu.memory_space<semaphore_mem>>
      %dma_start3A_129 = arith.constant 0 : i32
      %dma_start3A_130 = tpu.memref_slice %arg6[%arg0, %mul3A_127, %dma_start3A_129] : memref<2x10240x128xf32, #tpu.memory_space<hbm>> -> memref<1x640x128xf32, #tpu.memory_space<hbm>>
      %dma_start3A_131 = tpu.memref_squeeze %dma_start3A_130 : memref<1x640x128xf32, #tpu.memory_space<hbm>> -> memref<640x128xf32, #tpu.memory_space<hbm>>
      %dma_start3A_132 = arith.constant 0 : i32
      %dma_start3A_133 = tpu.memref_slice %arg17[%mul3A_125, %dma_start3A_132] : memref<10240x128xf32, #tpu.memory_space<vmem_shared>> -> memref<640x128xf32, #tpu.memory_space<vmem_shared>>
      tpu.enqueue_dma source(%dma_start3A_133 : memref<640x128xf32, #tpu.memory_space<vmem_shared>>) target(%dma_start3A_131 : memref<640x128xf32, #tpu.memory_space<hbm>>) target_semaphore(%run_scoped3A_128 : memref<!tpu.dma_semaphore, #tpu.memory_space<semaphore_mem>>)
      %dma_wait3A_134 = arith.constant 0 : i32
      %dma_wait3A_135 = tpu.memref_slice %arg6[%arg0, %mul3A_127, %dma_wait3A_134] : memref<2x10240x128xf32, #tpu.memory_space<hbm>> -> memref<1x640x128xf32, #tpu.memory_space<hbm>>
      %dma_wait3A_136 = tpu.memref_squeeze %dma_wait3A_135 : memref<1x640x128xf32, #tpu.memory_space<hbm>> -> memref<640x128xf32, #tpu.memory_space<hbm>>
      %dma_wait3A_137 = arith.constant 0 : i32
      %dma_wait3A_138 = tpu.memref_slice %arg17[%mul3A_125, %dma_wait3A_137] : memref<10240x128xf32, #tpu.memory_space<vmem_shared>> -> memref<640x128xf32, #tpu.memory_space<vmem_shared>>
      tpu.wait_dma2 semaphore(%run_scoped3A_128 : memref<!tpu.dma_semaphore, #tpu.memory_space<semaphore_mem>>) src(%dma_wait3A_138 : memref<640x128xf32, #tpu.memory_space<vmem_shared>>) dst(%dma_wait3A_136 : memref<640x128xf32, #tpu.memory_space<hbm>>)
      tpu.yield
    }) : () -> ()
    return
  }
}

module attributes {stable_mosaic.version = 14 : i64} {
  func.func @_proj_nodes_body(%arg0: i32, %arg1: memref<1000x128xf32, #tpu.memory_space<vmem>>, %arg2: memref<128x128xf32, #tpu.memory_space<vmem>>, %arg3: memref<128x128xf32, #tpu.memory_space<vmem>>, %arg4: memref<1000x128xf32, #tpu.memory_space<vmem>>, %arg5: memref<1000x128xf32, #tpu.memory_space<vmem>>) attributes {dimension_semantics = [#tpu.dimension_semantics<arbitrary>], iteration_bounds = array<i64: 10>, scalar_prefetch = 0 : i64, scratch_operands = 0 : i64, tpu.core_type = #tpu.core_type<tc>, window_params = [{transform_indices = @transform_0, window_bounds = array<i64: 1000, 128>}, {pipeline_mode = #tpu.pipeline_mode<synchronous>, transform_indices = @transform_1, window_bounds = array<i64: 128, 128>}, {pipeline_mode = #tpu.pipeline_mode<synchronous>, transform_indices = @transform_2, window_bounds = array<i64: 128, 128>}, {transform_indices = @transform_3, window_bounds = array<i64: 1000, 128>}, {transform_indices = @transform_4, window_bounds = array<i64: 1000, 128>}]} {
    %get3A = arith.constant 0 : index
    %get3A_0 = arith.constant 0 : index
    %get3A_1 = vector.load %arg1[%get3A, %get3A_0] : memref<1000x128xf32, #tpu.memory_space<vmem>>, vector<1000x128xf32>
    %get3A_2 = arith.constant 0 : index
    %get3A_3 = arith.constant 0 : index
    %get3A_4 = vector.load %arg2[%get3A_2, %get3A_3] : memref<128x128xf32, #tpu.memory_space<vmem>>, vector<128x128xf32>
    %dot_general3A = arith.constant dense<0.000000e+00> : vector<1000x128xf32>
    %dot_general3A_5 = tpu.matmul %get3A_1, %get3A_4, %dot_general3A {dimension_numbers = #tpu.dot_dimension_numbers<[1], [0], [0], [1], [0, 0, 1, 1], [], []>, transpose_lhs_hint = false} : vector<1000x128xf32>, vector<128x128xf32>, vector<1000x128xf32> -> vector<1000x128xf32>
    %swap3A = arith.constant 0 : index
    %swap3A_6 = arith.constant 0 : index
    %swap3A_7 = vector.load %arg4[%swap3A, %swap3A_6] : memref<1000x128xf32, #tpu.memory_space<vmem>>, vector<1000x128xf32>
    tpu.vector_store %arg4[%swap3A, %swap3A_6], %dot_general3A_5 {strides = array<i32>} : memref<1000x128xf32, #tpu.memory_space<vmem>>, vector<1000x128xf32>,
    %get3A_8 = arith.constant 0 : index
    %get3A_9 = arith.constant 0 : index
    %get3A_10 = vector.load %arg3[%get3A_8, %get3A_9] : memref<128x128xf32, #tpu.memory_space<vmem>>, vector<128x128xf32>
    %dot_general3A_11 = arith.constant dense<0.000000e+00> : vector<1000x128xf32>
    %dot_general3A_12 = tpu.matmul %get3A_1, %get3A_10, %dot_general3A_11 {dimension_numbers = #tpu.dot_dimension_numbers<[1], [0], [0], [1], [0, 0, 1, 1], [], []>, transpose_lhs_hint = false} : vector<1000x128xf32>, vector<128x128xf32>, vector<1000x128xf32> -> vector<1000x128xf32>
    %swap3A_13 = arith.constant 0 : index
    %swap3A_14 = arith.constant 0 : index
    %swap3A_15 = vector.load %arg5[%swap3A_13, %swap3A_14] : memref<1000x128xf32, #tpu.memory_space<vmem>>, vector<1000x128xf32>
    tpu.vector_store %arg5[%swap3A_13, %swap3A_14], %dot_general3A_12 {strides = array<i32>} : memref<1000x128xf32, #tpu.memory_space<vmem>>, vector<1000x128xf32>,
    return
  }
  func.func @transform_0(%arg0: i32) -> (i32, i32) {
    %c0_i32 = arith.constant 0 : i32
    %c0_i32_0 = arith.constant 0 : i32
    return %arg0, %c0_i32 : i32, i32
  }
  func.func @transform_1(%arg0: i32) -> (i32, i32) {
    %c0_i32 = arith.constant 0 : i32
    %c0_i32_0 = arith.constant 0 : i32
    %c0_i32_1 = arith.constant 0 : i32
    return %c0_i32, %c0_i32_0 : i32, i32
  }
  func.func @transform_2(%arg0: i32) -> (i32, i32) {
    %c0_i32 = arith.constant 0 : i32
    %c0_i32_0 = arith.constant 0 : i32
    %c0_i32_1 = arith.constant 0 : i32
    return %c0_i32, %c0_i32_0 : i32, i32
  }
  func.func @transform_3(%arg0: i32) -> (i32, i32) {
    %c0_i32 = arith.constant 0 : i32
    %c0_i32_0 = arith.constant 0 : i32
    return %arg0, %c0_i32 : i32, i32
  }
  func.func @transform_4(%arg0: i32) -> (i32, i32) {
    %c0_i32 = arith.constant 0 : i32
    %c0_i32_0 = arith.constant 0 : i32
    return %arg0, %c0_i32 : i32, i32
  }
}

module attributes {stable_mosaic.version = 14 : i64} {
  func.func @_proj_edges_body(%arg0: i32, %arg1: memref<8000x16xf32, #tpu.memory_space<vmem>>, %arg2: memref<16x64xf32, #tpu.memory_space<vmem>>, %arg3: memref<16x64xf32, #tpu.memory_space<vmem>>, %arg4: memref<1x64xf32, #tpu.memory_space<vmem>>, %arg5: memref<1x64xf32, #tpu.memory_space<vmem>>, %arg6: memref<8000x64xi32, #tpu.memory_space<vmem>>) attributes {dimension_semantics = [#tpu.dimension_semantics<arbitrary>], iteration_bounds = array<i64: 40>, scalar_prefetch = 0 : i64, scratch_operands = 0 : i64, tpu.core_type = #tpu.core_type<tc>, window_params = [{transform_indices = @transform_0, window_bounds = array<i64: 8000, 16>}, {pipeline_mode = #tpu.pipeline_mode<synchronous>, transform_indices = @transform_1, window_bounds = array<i64: 16, 64>}, {pipeline_mode = #tpu.pipeline_mode<synchronous>, transform_indices = @transform_2, window_bounds = array<i64: 16, 64>}, {pipeline_mode = #tpu.pipeline_mode<synchronous>, transform_indices = @transform_3, window_bounds = array<i64: 1, 64>}, {pipeline_mode = #tpu.pipeline_mode<synchronous>, transform_indices = @transform_4, window_bounds = array<i64: 1, 64>}, {transform_indices = @transform_5, window_bounds = array<i64: 8000, 64>}]} {
    %get3A = arith.constant 0 : index
    %get3A_0 = arith.constant 0 : index
    %get3A_1 = vector.load %arg1[%get3A, %get3A_0] : memref<8000x16xf32, #tpu.memory_space<vmem>>, vector<8000x16xf32>
    %convert_element_type3A = arith.truncf %get3A_1 : vector<8000x16xf32> to vector<8000x16xbf16>
    %get3A_2 = arith.constant 0 : index
    %get3A_3 = arith.constant 0 : index
    %get3A_4 = vector.load %arg2[%get3A_2, %get3A_3] : memref<16x64xf32, #tpu.memory_space<vmem>>, vector<16x64xf32>
    %convert_element_type3A_5 = arith.truncf %get3A_4 : vector<16x64xf32> to vector<16x64xbf16>
    %dot_general3A = arith.constant dense<0.000000e+00> : vector<8000x64xf32>
    %dot_general3A_6 = tpu.matmul %convert_element_type3A, %convert_element_type3A_5, %dot_general3A {dimension_numbers = #tpu.dot_dimension_numbers<[1], [0], [0], [1], [0, 0, 1, 1], [], []>, transpose_lhs_hint = false} : vector<8000x16xbf16>, vector<16x64xbf16>, vector<8000x64xf32> -> vector<8000x64xf32>
    %get3A_7 = arith.constant 0 : index
    %get3A_8 = arith.constant 0 : index
    %get3A_9 = vector.load %arg4[%get3A_7, %get3A_8] : memref<1x64xf32, #tpu.memory_space<vmem>>, vector<1x64xf32>
    %add3A = vector.broadcast %get3A_9 : vector<1x64xf32> to vector<8000x64xf32>
    %add3A_10 = arith.addf %dot_general3A_6, %add3A : vector<8000x64xf32>
    %get3A_11 = arith.constant 0 : index
    %get3A_12 = arith.constant 0 : index
    %get3A_13 = vector.load %arg3[%get3A_11, %get3A_12] : memref<16x64xf32, #tpu.memory_space<vmem>>, vector<16x64xf32>
    %convert_element_type3A_14 = arith.truncf %get3A_13 : vector<16x64xf32> to vector<16x64xbf16>
    %dot_general3A_15 = arith.constant dense<0.000000e+00> : vector<8000x64xf32>
    %dot_general3A_16 = tpu.matmul %convert_element_type3A, %convert_element_type3A_14, %dot_general3A_15 {dimension_numbers = #tpu.dot_dimension_numbers<[1], [0], [0], [1], [0, 0, 1, 1], [], []>, transpose_lhs_hint = false} : vector<8000x16xbf16>, vector<16x64xbf16>, vector<8000x64xf32> -> vector<8000x64xf32>
    %get3A_17 = arith.constant 0 : index
    %get3A_18 = arith.constant 0 : index
    %get3A_19 = vector.load %arg5[%get3A_17, %get3A_18] : memref<1x64xf32, #tpu.memory_space<vmem>>, vector<1x64xf32>
    %add3A_20 = vector.broadcast %get3A_19 : vector<1x64xf32> to vector<8000x64xf32>
    %add3A_21 = arith.addf %dot_general3A_16, %add3A_20 : vector<8000x64xf32>
    %bitcast_convert_type3A = tpu.bitcast %add3A_10 : vector<8000x64xf32> -> vector<8000x64xi32>
    %add3A_22 = arith.constant 32768 : i32
    %add3A_23 = vector.broadcast %add3A_22 : i32 to vector<8000x64xi32>
    %add3A_24 = arith.addi %bitcast_convert_type3A, %add3A_23 : vector<8000x64xi32>
    %bitcast_convert_type3A_25 = tpu.bitcast %add3A_21 : vector<8000x64xf32> -> vector<8000x64xi32>
    %add3A_26 = arith.constant 32768 : i32
    %add3A_27 = vector.broadcast %add3A_26 : i32 to vector<8000x64xi32>
    %add3A_28 = arith.addi %bitcast_convert_type3A_25, %add3A_27 : vector<8000x64xi32>
    %shift_right_logical3A = arith.constant 16 : i32
    %shift_right_logical3A_29 = vector.broadcast %shift_right_logical3A : i32 to vector<8000x64xi32>
    %shift_right_logical3A_30 = arith.shrui %add3A_24, %shift_right_logical3A_29 : vector<8000x64xi32>
    %and3A = arith.constant -65536 : i32
    %and3A_31 = vector.broadcast %and3A : i32 to vector<8000x64xi32>
    %and3A_32 = arith.andi %add3A_28, %and3A_31 : vector<8000x64xi32>
    %or3A = arith.ori %shift_right_logical3A_30, %and3A_32 : vector<8000x64xi32>
    %swap3A = arith.constant 0 : index
    %swap3A_33 = arith.constant 0 : index
    %swap3A_34 = vector.load %arg6[%swap3A, %swap3A_33] : memref<8000x64xi32, #tpu.memory_space<vmem>>, vector<8000x64xi32>
    tpu.vector_store %arg6[%swap3A, %swap3A_33], %or3A {strides = array<i32>} : memref<8000x64xi32, #tpu.memory_space<vmem>>, vector<8000x64xi32>,
    return
  }
  func.func @transform_0(%arg0: i32) -> (i32, i32) {
    %c0_i32 = arith.constant 0 : i32
    %c0_i32_0 = arith.constant 0 : i32
    return %arg0, %c0_i32 : i32, i32
  }
  func.func @transform_1(%arg0: i32) -> (i32, i32) {
    %c0_i32 = arith.constant 0 : i32
    %c0_i32_0 = arith.constant 0 : i32
    %c0_i32_1 = arith.constant 0 : i32
    return %c0_i32, %c0_i32_0 : i32, i32
  }
  func.func @transform_2(%arg0: i32) -> (i32, i32) {
    %c0_i32 = arith.constant 0 : i32
    %c0_i32_0 = arith.constant 0 : i32
    %c0_i32_1 = arith.constant 0 : i32
    return %c0_i32, %c0_i32_0 : i32, i32
  }
  func.func @transform_3(%arg0: i32) -> (i32, i32) {
    %c0_i32 = arith.constant 0 : i32
    %c0_i32_0 = arith.constant 0 : i32
    %c0_i32_1 = arith.constant 0 : i32
    return %c0_i32, %c0_i32_0 : i32, i32
  }
  func.func @transform_4(%arg0: i32) -> (i32, i32) {
    %c0_i32 = arith.constant 0 : i32
    %c0_i32_0 = arith.constant 0 : i32
    %c0_i32_1 = arith.constant 0 : i32
    return %c0_i32, %c0_i32_0 : i32, i32
  }
  func.func @transform_5(%arg0: i32) -> (i32, i32) {
    %c0_i32 = arith.constant 0 : i32
    %c0_i32_0 = arith.constant 0 : i32
    return %arg0, %c0_i32 : i32, i32
  }
}

module attributes {stable_mosaic.version = 14 : i64} {
  func.func @_update_body(%arg0: i32, %arg1: memref<1000x128xf32, #tpu.memory_space<vmem>>, %arg2: memref<1000x128xf32, #tpu.memory_space<vmem>>, %arg3: memref<1000x128xf32, #tpu.memory_space<vmem>>, %arg4: memref<128x128xf32, #tpu.memory_space<vmem>>, %arg5: memref<128x128xf32, #tpu.memory_space<vmem>>, %arg6: memref<128x128xf32, #tpu.memory_space<vmem>>, %arg7: memref<1x128xf32, #tpu.memory_space<vmem>>, %arg8: memref<128x128xf32, #tpu.memory_space<vmem>>, %arg9: memref<1x128xf32, #tpu.memory_space<vmem>>, %arg10: memref<1x128xf32, #tpu.memory_space<vmem>>, %arg11: memref<1x128xf32, #tpu.memory_space<vmem>>, %arg12: memref<1000x1xf32, #tpu.memory_space<vmem>>, %arg13: memref<1000x128xf32, #tpu.memory_space<vmem>>) attributes {dimension_semantics = [#tpu.dimension_semantics<arbitrary>], iteration_bounds = array<i64: 10>, scalar_prefetch = 0 : i64, scratch_operands = 0 : i64, tpu.core_type = #tpu.core_type<tc>, window_params = [{transform_indices = @transform_0, window_bounds = array<i64: 1000, 128>}, {transform_indices = @transform_1, window_bounds = array<i64: 1000, 128>}, {transform_indices = @transform_2, window_bounds = array<i64: 1000, 128>}, {pipeline_mode = #tpu.pipeline_mode<synchronous>, transform_indices = @transform_3, window_bounds = array<i64: 128, 128>}, {pipeline_mode = #tpu.pipeline_mode<synchronous>, transform_indices = @transform_4, window_bounds = array<i64: 128, 128>}, {pipeline_mode = #tpu.pipeline_mode<synchronous>, transform_indices = @transform_5, window_bounds = array<i64: 128, 128>}, {pipeline_mode = #tpu.pipeline_mode<synchronous>, transform_indices = @transform_6, window_bounds = array<i64: 1, 128>}, {pipeline_mode = #tpu.pipeline_mode<synchronous>, transform_indices = @transform_7, window_bounds = array<i64: 128, 128>}, {pipeline_mode = #tpu.pipeline_mode<synchronous>, transform_indices = @transform_8, window_bounds = array<i64: 1, 128>}, {pipeline_mode = #tpu.pipeline_mode<synchronous>, transform_indices = @transform_9, window_bounds = array<i64: 1, 128>}, {pipeline_mode = #tpu.pipeline_mode<synchronous>, transform_indices = @transform_10, window_bounds = array<i64: 1, 128>}, {transform_indices = @transform_11, window_bounds = array<i64: 1000, 1>}, {transform_indices = @transform_12, window_bounds = array<i64: 1000, 128>}]} {
    %get3A = arith.constant 0 : index
    %get3A_0 = arith.constant 0 : index
    %get3A_1 = vector.load %arg1[%get3A, %get3A_0] : memref<1000x128xf32, #tpu.memory_space<vmem>>, vector<1000x128xf32>
    %get3A_2 = arith.constant 0 : index
    %get3A_3 = arith.constant 0 : index
    %get3A_4 = vector.load %arg2[%get3A_2, %get3A_3] : memref<1000x128xf32, #tpu.memory_space<vmem>>, vector<1000x128xf32>
    %get3A_5 = arith.constant 0 : index
    %get3A_6 = arith.constant 0 : index
    %get3A_7 = vector.load %arg3[%get3A_5, %get3A_6] : memref<1000x128xf32, #tpu.memory_space<vmem>>, vector<1000x128xf32>
    %add3A = arith.addf %get3A_4, %get3A_7 : vector<1000x128xf32>
    %get3A_8 = arith.constant 0 : index
    %get3A_9 = arith.constant 0 : index
    %get3A_10 = vector.load %arg4[%get3A_8, %get3A_9] : memref<128x128xf32, #tpu.memory_space<vmem>>, vector<128x128xf32>
    %dot_general3A = arith.constant dense<0.000000e+00> : vector<1000x128xf32>
    %dot_general3A_11 = tpu.matmul %add3A, %get3A_10, %dot_general3A {dimension_numbers = #tpu.dot_dimension_numbers<[1], [0], [0], [1], [0, 0, 1, 1], [], []>, transpose_lhs_hint = false} : vector<1000x128xf32>, vector<128x128xf32>, vector<1000x128xf32> -> vector<1000x128xf32>
    %get3A_12 = arith.constant 0 : index
    %get3A_13 = arith.constant 0 : index
    %get3A_14 = vector.load %arg5[%get3A_12, %get3A_13] : memref<128x128xf32, #tpu.memory_space<vmem>>, vector<128x128xf32>
    %dot_general3A_15 = arith.constant dense<0.000000e+00> : vector<1000x128xf32>
    %dot_general3A_16 = tpu.matmul %get3A_1, %get3A_14, %dot_general3A_15 {dimension_numbers = #tpu.dot_dimension_numbers<[1], [0], [0], [1], [0, 0, 1, 1], [], []>, transpose_lhs_hint = false} : vector<1000x128xf32>, vector<128x128xf32>, vector<1000x128xf32> -> vector<1000x128xf32>
    %get3A_17 = arith.constant 0 : index
    %get3A_18 = arith.constant 0 : index
    %get3A_19 = vector.load %arg6[%get3A_17, %get3A_18] : memref<128x128xf32, #tpu.memory_space<vmem>>, vector<128x128xf32>
    %dot_general3A_20 = arith.constant dense<0.000000e+00> : vector<1000x128xf32>
    %dot_general3A_21 = tpu.matmul %dot_general3A_11, %get3A_19, %dot_general3A_20 {dimension_numbers = #tpu.dot_dimension_numbers<[1], [0], [0], [1], [0, 0, 1, 1], [], []>, transpose_lhs_hint = false} : vector<1000x128xf32>, vector<128x128xf32>, vector<1000x128xf32> -> vector<1000x128xf32>
    %add3A_22 = arith.addf %dot_general3A_16, %dot_general3A_21 : vector<1000x128xf32>
    %get3A_23 = arith.constant 0 : index
    %get3A_24 = arith.constant 0 : index
    %get3A_25 = vector.load %arg7[%get3A_23, %get3A_24] : memref<1x128xf32, #tpu.memory_space<vmem>>, vector<1x128xf32>
    %add3A_26 = vector.broadcast %get3A_25 : vector<1x128xf32> to vector<1000x128xf32>
    %add3A_27 = arith.addf %add3A_22, %add3A_26 : vector<1000x128xf32>
    %neg3A = arith.constant 0.000000e+00 : f32
    %neg3A_28 = vector.broadcast %neg3A : f32 to vector<1000x128xf32>
    %neg3A_29 = arith.subf %neg3A_28, %add3A_27 : vector<1000x128xf32>
    %exp3A = math.exp %neg3A_29 : vector<1000x128xf32>
    %add3A_30 = arith.constant 1.000000e+00 : f32
    %add3A_31 = vector.broadcast %add3A_30 : f32 to vector<1000x128xf32>
    %add3A_32 = arith.addf %add3A_31, %exp3A : vector<1000x128xf32>
    %div3A = arith.divf %add3A_27, %add3A_32 : vector<1000x128xf32>
    %get3A_33 = arith.constant 0 : index
    %get3A_34 = arith.constant 0 : index
    %get3A_35 = vector.load %arg8[%get3A_33, %get3A_34] : memref<128x128xf32, #tpu.memory_space<vmem>>, vector<128x128xf32>
    %dot_general3A_36 = arith.constant dense<0.000000e+00> : vector<1000x128xf32>
    %dot_general3A_37 = tpu.matmul %div3A, %get3A_35, %dot_general3A_36 {dimension_numbers = #tpu.dot_dimension_numbers<[1], [0], [0], [1], [0, 0, 1, 1], [], []>, transpose_lhs_hint = false} : vector<1000x128xf32>, vector<128x128xf32>, vector<1000x128xf32> -> vector<1000x128xf32>
    %get3A_38 = arith.constant 0 : index
    %get3A_39 = arith.constant 0 : index
    %get3A_40 = vector.load %arg9[%get3A_38, %get3A_39] : memref<1x128xf32, #tpu.memory_space<vmem>>, vector<1x128xf32>
    %add3A_41 = vector.broadcast %get3A_40 : vector<1x128xf32> to vector<1000x128xf32>
    %add3A_42 = arith.addf %dot_general3A_37, %add3A_41 : vector<1000x128xf32>
    %add3A_43 = arith.addf %get3A_1, %add3A_42 : vector<1000x128xf32>
    %reduce_sum3A = arith.constant dense<0.000000e+00> : vector<1000xf32>
    %reduce_sum3A_44 = vector.multi_reduction <add>, %add3A_43, %reduce_sum3A [1] : vector<1000x128xf32> to vector<1000xf32>
    %broadcast_in_dim3A = vector.shape_cast %reduce_sum3A_44 : vector<1000xf32> to vector<1000x1xf32>
    %div3A_45 = arith.constant 1.280000e+02 : f32
    %div3A_46 = vector.broadcast %div3A_45 : f32 to vector<1000x1xf32>
    %div3A_47 = arith.divf %broadcast_in_dim3A, %div3A_46 : vector<1000x1xf32>
    %mul3A = arith.mulf %add3A_43, %add3A_43 : vector<1000x128xf32>
    %reduce_sum3A_48 = arith.constant dense<0.000000e+00> : vector<1000xf32>
    %reduce_sum3A_49 = vector.multi_reduction <add>, %mul3A, %reduce_sum3A_48 [1] : vector<1000x128xf32> to vector<1000xf32>
    %broadcast_in_dim3A_50 = vector.shape_cast %reduce_sum3A_49 : vector<1000xf32> to vector<1000x1xf32>
    %div3A_51 = arith.constant 1.280000e+02 : f32
    %div3A_52 = vector.broadcast %div3A_51 : f32 to vector<1000x1xf32>
    %div3A_53 = arith.divf %broadcast_in_dim3A_50, %div3A_52 : vector<1000x1xf32>
    %mul3A_54 = arith.mulf %div3A_47, %div3A_47 : vector<1000x1xf32>
    %sub3A = arith.subf %div3A_53, %mul3A_54 : vector<1000x1xf32>
    %sub3A_55 = vector.broadcast %div3A_47 : vector<1000x1xf32> to vector<1000x128xf32>
    %sub3A_56 = arith.subf %add3A_43, %sub3A_55 : vector<1000x128xf32>
    %add3A_57 = arith.constant 9.99999974E-6 : f32
    %add3A_58 = vector.broadcast %add3A_57 : f32 to vector<1000x1xf32>
    %add3A_59 = arith.addf %sub3A, %add3A_58 : vector<1000x1xf32>
    %rsqrt3A = math.rsqrt %add3A_59 : vector<1000x1xf32>
    %mul3A_60 = vector.broadcast %rsqrt3A : vector<1000x1xf32> to vector<1000x128xf32>
    %mul3A_61 = arith.mulf %sub3A_56, %mul3A_60 : vector<1000x128xf32>
    %get3A_62 = arith.constant 0 : index
    %get3A_63 = arith.constant 0 : index
    %get3A_64 = vector.load %arg10[%get3A_62, %get3A_63] : memref<1x128xf32, #tpu.memory_space<vmem>>, vector<1x128xf32>
    %mul3A_65 = vector.broadcast %get3A_64 : vector<1x128xf32> to vector<1000x128xf32>
    %mul3A_66 = arith.mulf %mul3A_61, %mul3A_65 : vector<1000x128xf32>
    %get3A_67 = arith.constant 0 : index
    %get3A_68 = arith.constant 0 : index
    %get3A_69 = vector.load %arg11[%get3A_67, %get3A_68] : memref<1x128xf32, #tpu.memory_space<vmem>>, vector<1x128xf32>
    %add3A_70 = vector.broadcast %get3A_69 : vector<1x128xf32> to vector<1000x128xf32>
    %add3A_71 = arith.addf %mul3A_66, %add3A_70 : vector<1000x128xf32>
    %get3A_72 = arith.constant 0 : index
    %get3A_73 = arith.constant 0 : index
    %get3A_74 = vector.load %arg12[%get3A_72, %get3A_73] : memref<1000x1xf32, #tpu.memory_space<vmem>>, vector<1000x1xf32>
    %mul3A_75 = vector.broadcast %get3A_74 : vector<1000x1xf32> to vector<1000x128xf32>
    %mul3A_76 = arith.mulf %add3A_71, %mul3A_75 : vector<1000x128xf32>
    %swap3A = arith.constant 0 : index
    %swap3A_77 = arith.constant 0 : index
    %swap3A_78 = vector.load %arg13[%swap3A, %swap3A_77] : memref<1000x128xf32, #tpu.memory_space<vmem>>, vector<1000x128xf32>
    tpu.vector_store %arg13[%swap3A, %swap3A_77], %mul3A_76 {strides = array<i32>} : memref<1000x128xf32, #tpu.memory_space<vmem>>, vector<1000x128xf32>,
    return
  }
  func.func @transform_0(%arg0: i32) -> (i32, i32) {
    %c0_i32 = arith.constant 0 : i32
    %c0_i32_0 = arith.constant 0 : i32
    return %arg0, %c0_i32 : i32, i32
  }
  func.func @transform_1(%arg0: i32) -> (i32, i32) {
    %c0_i32 = arith.constant 0 : i32
    %c0_i32_0 = arith.constant 0 : i32
    return %arg0, %c0_i32 : i32, i32
  }
  func.func @transform_2(%arg0: i32) -> (i32, i32) {
    %c0_i32 = arith.constant 0 : i32
    %c0_i32_0 = arith.constant 0 : i32
    return %arg0, %c0_i32 : i32, i32
  }
  func.func @transform_3(%arg0: i32) -> (i32, i32) {
    %c0_i32 = arith.constant 0 : i32
    %c0_i32_0 = arith.constant 0 : i32
    %c0_i32_1 = arith.constant 0 : i32
    return %c0_i32, %c0_i32_0 : i32, i32
  }
  func.func @transform_4(%arg0: i32) -> (i32, i32) {
    %c0_i32 = arith.constant 0 : i32
    %c0_i32_0 = arith.constant 0 : i32
    %c0_i32_1 = arith.constant 0 : i32
    return %c0_i32, %c0_i32_0 : i32, i32
  }
  func.func @transform_5(%arg0: i32) -> (i32, i32) {
    %c0_i32 = arith.constant 0 : i32
    %c0_i32_0 = arith.constant 0 : i32
    %c0_i32_1 = arith.constant 0 : i32
    return %c0_i32, %c0_i32_0 : i32, i32
  }
  func.func @transform_6(%arg0: i32) -> (i32, i32) {
    %c0_i32 = arith.constant 0 : i32
    %c0_i32_0 = arith.constant 0 : i32
    %c0_i32_1 = arith.constant 0 : i32
    return %c0_i32, %c0_i32_0 : i32, i32
  }
  func.func @transform_7(%arg0: i32) -> (i32, i32) {
    %c0_i32 = arith.constant 0 : i32
    %c0_i32_0 = arith.constant 0 : i32
    %c0_i32_1 = arith.constant 0 : i32
    return %c0_i32, %c0_i32_0 : i32, i32
  }
  func.func @transform_8(%arg0: i32) -> (i32, i32) {
    %c0_i32 = arith.constant 0 : i32
    %c0_i32_0 = arith.constant 0 : i32
    %c0_i32_1 = arith.constant 0 : i32
    return %c0_i32, %c0_i32_0 : i32, i32
  }
  func.func @transform_9(%arg0: i32) -> (i32, i32) {
    %c0_i32 = arith.constant 0 : i32
    %c0_i32_0 = arith.constant 0 : i32
    %c0_i32_1 = arith.constant 0 : i32
    return %c0_i32, %c0_i32_0 : i32, i32
  }
  func.func @transform_10(%arg0: i32) -> (i32, i32) {
    %c0_i32 = arith.constant 0 : i32
    %c0_i32_0 = arith.constant 0 : i32
    %c0_i32_1 = arith.constant 0 : i32
    return %c0_i32, %c0_i32_0 : i32, i32
  }
  func.func @transform_11(%arg0: i32) -> (i32, i32) {
    %c0_i32 = arith.constant 0 : i32
    %c0_i32_0 = arith.constant 0 : i32
    return %arg0, %c0_i32 : i32, i32
  }
  func.func @transform_12(%arg0: i32) -> (i32, i32) {
    %c0_i32 = arith.constant 0 : i32
    %c0_i32_0 = arith.constant 0 : i32
    return %arg0, %c0_i32 : i32, i32
  }
}

</mosaic_0001>

<sc_bundles>
// kernel: kernel.6.cloned.1.call-start
scs
__scs_entry_jumppad:
0x0: {  	(pc) =	sbr.rel $0x88, $3  }
0x1: {  	(tag) =	ssettag $0x0;
	lr =	simm.s32 $0x1  }
0x2: {  	[smem:$0x3F94] =	sst lr;
	_ =	strace $0xD0000000  }
0x3: {  	_ = 	snop  }
0x4: {  	_ = 	snop  }
0x5: {  	_ = 	snop  }
0x6: {  	_ = 	snop  }
0x7: {  	_ = 	snop  }
__scs_overlays_trampoline_lowered:
0x8: {  	[smem:$0x3FA3] =	sst s0  }
0x9: {  	[smem:$0x3FA4] =	sst s1  }
0xa: {  	[smem:$0x3FA5] =	sst s2  }
0xb: {  	[smem:$0x3FA6] =	sst s3  }
0xc: {  	[smem:$0x3FA7] =	sst s4  }
0xd: {  	[smem:$0x3FA8] =	sst s5  }
0xe: {  	[smem:$0x3FA9] =	sst s6  }
0xf: {  	[smem:$0x3FAA] =	sst s7  }
0x10: {  	[smem:$0x3FAB] =	sst s8  }
0x11: {  	[smem:$0x3FAC] =	sst s9;
	s0 =	simm.s32 @!p0 $0x0  }
0x12: {  	s1 =	sld [smem:$0x3F92];
	s0 =	simm.s32 @p0 $0x1  }
0x13: {  	[smem:$0x3FAD] =	sst s0;
	s0 =	simm.s32 @!p1 $0x0  }
0x14: {  	s2 =	sld [smem:$0x3F91];
	s0 =	simm.s32 @p1 $0x1  }
0x15: {  	[smem:$0x3FAE] =	sst s0;
	s0 =	simm.s32 @!p2 $0x0  }
0x16: {  	s3 =	sld [smem:$0x3FDB];
	s0 =	simm.s32 @p2 $0x1  }
0x17: {  	s4 =	simm.s32 $0x1BF5;
	[smem:$0x3FB0] =	sst s0  }
0x18: {  	s0 =	sld [smem:$0x3F93];
	_ =	swait.ge [sflag:s4], $0x0  }
0x19: {  	s7 =	sld [smem:$0x3F94]  }
0x1a: {  	s8 =	sadd.s32 $0xFFFFE003, lr  }
0x1b: {  	s9 =	sadd.s32 $0xFFFFFEF7, lr;
	s5 =	simm.s32 $0xFFFFFFFF;
	p2 =	slt.u32 s8, $0xFFFFF086  }
0x1c: {  	p1 =	slt.u32 s9, $0xF7A;
	s5 =	simm.s32 @!p2 $0x0  }
0x1d: {  	s5 =	simm.s32 @p1 $0x1;
	p0 =	seq.s32 s7, s2  }
0x1e: {  	s7 =	smul.u32 @!p0 $0xF7A, s2;
	p2 =	seq.s32 @!p0 s5, $0x0  }
0x1f: {  	s9 =	smul.u32 $0xF7A, s1;
	s8 =	simm.s32 @!p0 $0x1BF5;
	p2 =	por !p2, p0  }
0x20: {  	[sflag:s8] =	ssyncset.s32 @!p0 $0xFFFFF086;
	s6 =	sadd.s32 @!p0 s3, s7;
	s7 =	simm.s32 @!p0 $0x108  }
0x21: {  	s3 =	sadd.s32 s3, s9;
	s6 =	sadd.s32 @!p0 $0x88, s6;
	s7 =	simm.s32 @p2 $0x1082  }
0x22: {  	[simem:s7], [sflag:s8] =	dma.local @!p0 [hbm:s6], $0xF7A  }
0x23: {  	s9 =	sor.u32 $0xD0000000, s2;
	s6 =	simm.s32 $0x108;
	_ =	swait.ge @!p0 [sflag:s8], $0x0  }
0x24: {  	s3 =	sadd.s32 $0x88, s3;
	s6 =	simm.s32 @!p1 $0x1082;
	[sflag:s4] =	ssyncset.s32 $0xFFFFF086  }
0x25: {  	[simem:s6], [sflag:s4] =	dma.local [hbm:s3], $0xF7A  }
0x26: {  	[smem:$0x3F94] =	sst s1;
	(tag) =	ssettag s2;
	_ =	strace s9  }
0x27: {  	s1 =	sld [smem:$0x3FA4]  }
0x28: {  	s2 =	sld [smem:$0x3FA5]  }
0x29: {  	s4 =	sld [smem:$0x3FA7]  }
0x2a: {  	p0 =	seq.s32 s5, $0x0;
	s5 =	sld [smem:$0x3FA8]  }
0x2b: {  	s6 =	sld [smem:$0x3FA9]  }
0x2c: {  	s7 =	sld [smem:$0x3FAA]  }
0x2d: {  	s3 =	simm.s32 $0x108;
	s8 =	sld [smem:$0x3FAB]  }
0x2e: {  	s3 =	simm.s32 @!p0 $0x1082;
	s9 =	sld [smem:$0x3FAC]  }
0x2f: {  	lr =	sadd.s32 s0, s3;
	s0 =	sld [smem:$0x3FA3]  }
0x30: {  	s3 =	sld [smem:$0x3FA6]  }
0x31: {  	[smem:$0x3FAF] =	sst s10  }
0x32: {  	s10 =	sld [smem:$0x3FAD];
	_ =	sdelay $0x3  }
0x33: {  	p0 =	seq.s32 s10, $0x1;
	s10 =	sld [smem:$0x3FAF];
	_ =	sdelay $0x3  }
0x34: {  	[smem:$0x3FAF] =	sst s10  }
0x35: {  	s10 =	sld [smem:$0x3FAE];
	_ =	sdelay $0x3  }
0x36: {  	p1 =	seq.s32 s10, $0x1;
	s10 =	sld [smem:$0x3FAF];
	_ =	sdelay $0x3  }
0x37: {  	[smem:$0x3FAF] =	sst s10  }
0x38: {  	s10 =	sld [smem:$0x3FB0]  }
0x39: {  	_ = 	snop;
	(pc) =	sbr.ind lr, $3  }
0x3a: {  	_ = 	snop  }
0x3b: {  	_ = 	snop  }
0x3c: {  	p2 =	seq.s32 s10, $0x1;
	s10 =	sld [smem:$0x3FAF]  }
0x3d: {  	_ =	shalt  }
0x3e: {  	_ =	shalt  }
0x3f: {  	_ =	shalt  }
0x40: {  	_ =	shalt  }
0x41: {  	_ =	shalt  }
0x42: {  	_ =	shalt  }
0x43: {  	_ =	shalt  }
0x44: {  	_ =	shalt  }
0x45: {  	_ =	shalt  }
0x46: {  	_ =	shalt  }
0x47: {  	_ =	shalt  }
0x48: {  	_ =	shalt  }
0x49: {  	_ =	shalt  }
0x4a: {  	_ =	shalt  }
0x4b: {  	_ =	shalt  }
0x4c: {  	_ =	shalt  }
0x4d: {  	_ =	shalt  }
0x4e: {  	_ =	shalt  }
0x4f: {  	_ =	shalt  }
0x50: {  	_ =	shalt  }
0x51: {  	_ =	shalt  }
0x52: {  	_ =	shalt  }
0x53: {  	_ =	shalt  }
0x54: {  	_ =	shalt  }
0x55: {  	_ =	shalt  }
0x56: {  	_ =	shalt  }
0x57: {  	_ =	shalt  }
0x58: {  	_ =	shalt  }
0x59: {  	_ =	shalt  }
0x5a: {  	_ =	shalt  }
0x5b: {  	_ =	shalt  }
0x5c: {  	_ =	shalt  }
0x5d: {  	_ =	shalt  }
0x5e: {  	_ =	shalt  }
0x5f: {  	_ =	shalt  }
0x60: {  	_ =	shalt  }
0x61: {  	_ =	shalt  }
0x62: {  	_ =	shalt  }
0x63: {  	_ =	shalt  }
0x64: {  	_ =	shalt  }
0x65: {  	_ =	shalt  }
0x66: {  	_ =	shalt  }
0x67: {  	_ =	shalt  }
0x68: {  	_ =	shalt  }
0x69: {  	_ =	shalt  }
0x6a: {  	_ =	shalt  }
0x6b: {  	_ =	shalt  }
0x6c: {  	_ =	shalt  }
0x6d: {  	_ =	shalt  }
0x6e: {  	_ =	shalt  }
0x6f: {  	_ =	shalt  }
0x70: {  	_ =	shalt  }
0x71: {  	_ =	shalt  }
0x72: {  	_ =	shalt  }
0x73: {  	_ =	shalt  }
0x74: {  	_ =	shalt  }
0x75: {  	_ =	shalt  }
0x76: {  	_ =	shalt  }
0x77: {  	_ =	shalt  }
0x78: {  	_ =	shalt  }
0x79: {  	_ =	shalt  }
0x7a: {  	_ =	shalt  }
0x7b: {  	_ =	shalt  }
0x7c: {  	_ =	shalt  }
0x7d: {  	_ =	shalt  }
0x7e: {  	_ =	shalt  }
0x7f: {  	_ =	shalt  }
0x80: {  	_ =	shalt  }
0x81: {  	_ =	shalt  }
0x82: {  	_ =	shalt  }
0x83: {  	_ =	shalt  }
0x84: {  	_ =	shalt  }
0x85: {  	_ =	shalt  }
0x86: {  	_ =	shalt  }
0x87: {  	_ =	shalt  }
.Lfunc_end0:
.L_simem_size_0:
called_computation_lowered:
.L_overlay_start_0:
0x88: {  	s2 =	sld [smem:$0x3FD9]  }
0x89: {  	s3 =	sld [smem:$0x3FFE];
	_ =	sdelay $0x1  }
0x8a: {  	s1 =	srdreg.scid  }
0x8b: {  	s0 =	sand.u32 $0x1, s1  }
0x8c: {  	s17 =	sshll.u32 s0, $0xA;
	s2 =	sadd.s32 s3, s2  }
0x8d: {  	s2 =	sadd.s32 s2, s17  }
0x8e: {  	[smem:$0x3FBB] =	sst s2  }
0x8f: {  	_ = 	snop  }
0x90: {  	s2 =	sld [smem:$0x3FD0];
	(tm) =	ssettm $0x1  }
0x91: {  	s18 =	sld [smem:$0x3FFB];
	_ =	sdelay $0x3  }
0x92: {  	_ =	strace s18  }
0x93: {  	s3 =	sld [smem:$0x3FFC];
	_ =	sdelay $0x3  }
0x94: {  	_ =	strace s3  }
0x95: {  	s3 =	sld [smem:$0x3FFD];
	_ =	sdelay $0x3  }
0x96: {  	_ =	strace s3  }
0x97: {  	_ =	strace $0x8FFFFFFF  }
0x98: {  	s19 =	sld [smem:$0x3FDB];
	_ =	sdelay $0x1  }
0x99: {  	s4 =	simm.s32 $_scs_section_size  }
0x9a: {  	s5 =	simm.s32 $_size__tile_overlayer_lowered;
	s6 =	simm.s32 $_tile_overlayer_lowered  }
0x9b: {  	s22 =	simm.s32 $0x1BFF;
	s21 =	sshll.u32 s6, $0x1;
	s3 =	sadd.s32 s4, s19  }
0x9c: {  	s7 =	simm.s32 $0x0;
	s20 =	sshll.u32 s5, $0x1;
	s5 =	sadd.s32 s21, s3  }
0x9d: {  	[timem:s7], [sflag:s22] =	dma.local [hbm:s5], s20  }
0x9e: {  	_ =	swait.ge [sflag:s22], s20  }
0x9f: {  	s4 =	ssub.s32 $0x0, s20;
	[sflag:s22] =	ssyncset.done $0x0  }
0xa0: {  	[sflag:s22] =	ssyncadd.s32 s4;
	_ =	sdelay $0x1  }
0xa1: {  	s23 =	simm.s32 $0x1B8B  }
0xa2: {  	_ =	swait.ge [sflag:s23], $0x1  }
0xa3: {  	[sflag:s23] =	ssyncset.done $0x0  }
0xa4: {  	s25 =	simm.s32 $0x1B8E;
	s24 =	sld [smem:$0x3FFE];
	[sflag:s23] =	ssyncadd.s32 $0xFFFFFFFF  }
0xa5: {  	s26 =	simm.s32 $execute0_lowered;
	[smem:$0x3FD2] =	sst s25  }
0xa6: {  	s5 =	sshll.u32 s26, $0x1;
	_ =	strace $0x80000046;
	[dreg:$0x1] =	wrdreg $0xFFFFFFFF  }
0xa7: {  	s28 =	simm.s32 $_size_execute0_lowered;
	s3 =	sadd.s32 s3, s5;
	[dreg:$0x0] =	wrdreg $0x0  }
0xa8: {  	s5 =	sshll.u32 s28, $0x1;
	[dreg:$0x2] =	wrdreg s3  }
0xa9: {  	[dreg:$0x3] =	wrdreg s5  }
0xaa: {  	[dreg:$0x4] =	wrdreg $0xC0  }
0xab: {  	_ =	task [dreg:s7], $0x5FFFF  }
0xac: {  	[dreg:$0x1] =	wrdreg $0xFFFFFFFF  }
0xad: {  	[dreg:$0x0] =	wrdreg $0x60  }
0xae: {  	[dreg:$0x2] =	wrdreg s2  }
0xaf: {  	[dreg:$0x3] =	wrdreg s24  }
0xb0: {  	[dreg:$0x4] =	wrdreg $0xA2000  }
0xb1: {  	[dreg:$0x5] =	wrdreg $0x9  }
0xb2: {  	_ =	task.clear_ibuf [dreg:s7], $0x6FFFF;
	_ =	strace $0x90000046  }
0xb3: {  	s29 =	simm.s32 $0x9;
	_ =	strace $0x80000048  }
0xb4: {  	_ =	swait.ge [sflag:s29], $0x1  }
0xb5: {  	[sflag:s29] =	ssyncadd.s32 $0xFFFFFFFF  }
0xb6: {  	_ =	strace $0x90000048  }
0xb7: {  	_ =	sfence  }
0xb8: {  	s30 =	sld [smem:$0x0];
	_ =	sdelay $0x2  }
0xb9: {  	s31 =	sshll.u32 s1, $0xD;
	s1 =	sshrl.u32 s1, $0x2  }
0xba: {  	s3 =	sand.u32 $0x4000, s31;
	s1 =	sadd.s32 s1, s30  }
0xbb: {  	s0 =	sor.u32 s3, s0;
	s1 =	sshll.u32 s1, $0x11  }
0xbc: {  	s0 =	sor.u32 s1, s0  }
0xbd: {  	s0 =	sadd.s32 $0x8F2B, s0  }
0xbe: {  	[sflag:s0] =	ssyncadd.remote.s32 $0x1  }
0xbf: {  	_ =	sfence.sel $0xFFFF  }
0xc0: {  	[dreg:$0x0] =	wrdreg $0xFFFFFFFF;
	(pc) =	sbr.abs _section_cstart, $3  }
0xc1: {  	[dreg:$0x1] =	wrdreg $0xFFFFFFFF  }
0xc2: {  	_ =	task.clear_ibuf [dreg:s7], $0x2FFFF;
	_ =	strace $0x9FFFFFFF  }
0xc3: {  	(tm) =	ssettm $0x7FFFFFFF  }
tec
execute0_lowered:
.L_overlay_start_1:
0x0: {  	(tag) =	ssettag $0x1  }
0x1: {  	s1 =	rddreg [dreg:$0x0]  }
0x2: {  	s0 =	rddreg [dreg:$0x1]  }
0x3: {  	s2 =	rddreg [dreg:$0x2]  }
0x4: {  	s3 =	srdreg.scid;
	s15 =	simm.s32 $0x0;
	s14 =	stileid.u32  }
0x5: {  	s28 =	simm.s32 $0x5;
	s29 =	simm.s32 $0x6;
	s30 =	simm.s32 $0x8E00  }
0x6: {  	s31 =	simm.s32 $0x0;
	s3 =	sand.u32 $0x1, s3;
	s6 =	smul.u32 $0x14000, s14  }
0x7: {  	[smem:$0x7FF] =	sst s15;
	s5 =	sadd.s32 $0x523E00, s0;
	s24 =	smul.u32 $0x50000, s14  }
0x8: {  	s11 =	sshll.u32 s14, $0x8;
	s4 =	smul.u32 $0x140000, s3;
	_ =	strace $0x80000047  }
0x9: {  	s7 =	sshll.u32 s3, $0x4;
	s3 =	ssub.s32 $0x2, s3;
	s11 =	sand.u32 $0x300, s11  }
0xa: {  	s10 =	sor.u32 s14, s7;
	s7 =	sadd.s32 $0x4E5600, s0;
	s13 =	sshrl.u32 s3, $0x1  }
0xb: {  	s26 =	sshrl.u32 s24, $0x2;
	s4 =	sadd.s32 s6, s4;
	s22 =	smul.u32 $0x7D00, s10  }
0xc: {  	s6 =	sadd.s32 $0x54B000, s0;
	s8 =	smul.u32 $0x2710, s10;
	s16 =	sadd.s32 s26, s2  }
0xd: {  	s3 =	ssub.s32 s3, s13;
	s13 =	sadd.s32 $0x5000, s16;
	[dreg:$0xa] =	wrdreg s16  }
0xe: {  	s9 =	smul.u32 $0xFA, s10;
	s14 =	sadd.s32 $0x6400, s16;
	[dreg:$0xf] =	wrdreg s13  }
0xf: {  	s23 =	smul.u32 $0x27100, s10;
	s17 =	sadd.s32 $0x7800, s16;
	[dreg:$0x10] =	wrdreg s14  }
0x10: {  	s10 =	smul.u32 $0x138800, s10;
	s18 =	sadd.s32 $0x8C00, s16;
	[dreg:$0x11] =	wrdreg s17  }
0x11: {  	s4 =	sshrl.u32 s4, $0x3;
	s19 =	sadd.s32 $0xA000, s16;
	[dreg:$0x12] =	wrdreg s18  }
0x12: {  	s20 =	sadd.s32 $0xB400, s16;
	s21 =	sadd.s32 $0xC800, s16;
	[dreg:$0x13] =	wrdreg s19  }
0x13: {  	s24 =	sadd.s32 $0x10400, s16;
	s26 =	sadd.s32 $0x12C00, s16;
	[dreg:$0x14] =	wrdreg s20  }
0x14: {  	s0 =	sadd.s32 s4, s0;
	s12 =	sand.u32 $0xFFC00, s22;
	[dreg:$0x15] =	wrdreg s21  }
0x15: {  	s4 =	sshrl.u32 s22, $0x3;
	s10 =	sshrl.u32 s10, $0x3;
	[dreg:$0x18] =	wrdreg s24  }
0x16: {  	s22 =	sadd.s32 $0xDC00, s16;
	[dreg:$0x1a] =	wrdreg s26;
	s13 =	simm.s32 $0x28  }
0x17: {  	s18 =	simm.s32 $0x5100;
	s20 =	simm.s32 $0x5180;
	s21 =	simm.s32 $0x6600  }
0x18: {  	s11 =	sor.u32 s11, s12;
	s12 =	sadd.s32 s6, s23;
	[dreg:$0x16] =	wrdreg s22  }
0x19: {  	s24 =	simm.s32 $0x2;
	s0 =	sadd.s32 $0x3600, s0;
	[dreg:$0x6] =	wrdreg s12  }
0x1a: {  	s25 =	sadd.s32 s6, s10;
	s10 =	sadd.s32 $0x1400, s16;
	[dreg:$0x9] =	wrdreg s0  }
0x1b: {  	s4 =	sadd.s32 s7, s4;
	s23 =	sadd.s32 $0xF000, s16;
	[dreg:$0xc] =	wrdreg s10  }
0x1c: {  	s26 =	simm.s32 $0x4;
	s4 =	sadd.s32 $0xF90, s4;
	[dreg:$0x17] =	wrdreg s23  }
0x1d: {  	s11 =	sshrl.u32 s11, $0x3;
	s12 =	sadd.s32 $0x3C00, s16;
	[dreg:$0x7] =	wrdreg s4  }
0x1e: {  	s22 =	simm.s32 $0x7A00;
	s11 =	sadd.s32 s7, s11;
	[dreg:$0xe] =	wrdreg s12  }
0x1f: {  	s10 =	simm.s32 $0x7;
	s4 =	sadd.s32 $0x26E80, s25;
	[dreg:$0x5] =	wrdreg s11  }
0x20: {  	s23 =	simm.s32 $0x1;
	s25 =	sadd.s32 $0x11800, s16;
	[dreg:$0x8] =	wrdreg s4  }
0x21: {  	s12 =	simm.s32 $0xFA000;
	s4 =	smax.u32 s3, $0x1;
	[dreg:$0x19] =	wrdreg s25  }
0x22: {  	s11 =	sadd.s32 $0x2800, s16;
	s3 =	simm.s32 $0x3D00;
	[dreg:$0xb] =	wrdreg s4  }
0x23: {  	v0 =	vimm.f32 $0.0e+00;
	s25 =	simm.s32 $0x3;
	[dreg:$0xd] =	wrdreg s11;
	s11 =	simm.s32 $0x80  }
.LBB2_1:
0x24: {  	[dreg:$0x4] =	wrdreg s15;
	s0 =	simm.s32 $0x0;
	s4 =	simm.s32 $0x200  }
.LBB2_2:
0x25: {  	p0 =	sne.s32 s4, $0x4E00;
	[tilespmem:s0+$0x3D70] =	vst v0  }
0x26: {  	[tilespmem:s0+$0x3D00] =	vst v0  }
0x27: {  	[tilespmem:s0+$0x3D10] =	vst v0  }
.Ltmp0:
0x28: {  	[tilespmem:s0+$0x3D20] =	vst v0;
	(pc) =	sbr.rel @p0 .LBB2_2-.Ltmp0, $4  }
0x29: {  	[tilespmem:s0+$0x3D30] =	vst v0  }
0x2a: {  	[tilespmem:s0+$0x3D40] =	vst v0  }
0x2b: {  	[tilespmem:s0+$0x3D50] =	vst v0  }
0x2c: {  	[tilespmem:s0+$0x3D60] =	vst v0;
	s0 =	sshra.s32 s4, $0x2;
	s4 =	sadd.s32 $0x200, s4  }
0x2d: {  	[tilespmem:s0+$0x3D70] =	vst v0  }
0x2e: {  	[tilespmem:s0+$0x3D00] =	vst v0  }
0x2f: {  	[tilespmem:s0+$0x3D10] =	vst v0  }
0x30: {  	[tilespmem:s0+$0x3D20] =	vst v0  }
0x31: {  	[tilespmem:s0+$0x3D30] =	vst v0  }
0x32: {  	[tilespmem:s0+$0x3D40] =	vst v0  }
0x33: {  	[tilespmem:s0+$0x3D50] =	vst v0  }
0x34: {  	[tilespmem:s0+$0x3D60] =	vst v0  }
0x35: {  	[spmem:s16] =	stream.linear.scatter [tilespmem:s3], [sflag:$0x7], $0x1400, $0x38;
	[tilespmem:$0x1E200] =	vst v63  }
0x36: {  	_ =	swait.ge [sflag:s10], $0x1400  }
0x37: {  	[sflag:s10] =	ssyncset.done $0x0  }
0x38: {  	s19 =	rddreg [dreg:$0xc];
	[sflag:s10] =	ssyncadd.s32 $0xFFFFEC00  }
0x39: {  	[spmem:s19] =	stream.linear.scatter [tilespmem:s3], [sflag:$0x7], $0x1400, $0x38;
	[tilespmem:$0x1E200] =	vst v63  }
0x3a: {  	_ =	swait.ge [sflag:s10], $0x1400  }
0x3b: {  	[sflag:s10] =	ssyncset.done $0x0  }
0x3c: {  	s4 =	rddreg [dreg:$0xd];
	[sflag:s10] =	ssyncadd.s32 $0xFFFFEC00  }
0x3d: {  	[spmem:s4] =	stream.linear.scatter [tilespmem:s3], [sflag:$0x7], $0x1400, $0x38;
	[tilespmem:$0x1E200] =	vst v63  }
0x3e: {  	_ =	swait.ge [sflag:s10], $0x1400  }
0x3f: {  	[sflag:s10] =	ssyncset.done $0x0  }
0x40: {  	s14 =	rddreg [dreg:$0xe];
	[sflag:s10] =	ssyncadd.s32 $0xFFFFEC00  }
0x41: {  	[spmem:s14] =	stream.linear.scatter [tilespmem:s3], [sflag:$0x7], $0x1400, $0x38;
	[tilespmem:$0x1E200] =	vst v63  }
0x42: {  	_ =	swait.ge [sflag:s10], $0x1400  }
0x43: {  	[sflag:s10] =	ssyncset.done $0x0  }
0x44: {  	s15 =	rddreg [dreg:$0xf];
	[sflag:s10] =	ssyncadd.s32 $0xFFFFEC00  }
0x45: {  	[spmem:s15] =	stream.linear.scatter [tilespmem:s3], [sflag:$0x7], $0x1400, $0x38;
	[tilespmem:$0x1E200] =	vst v63  }
0x46: {  	_ =	swait.ge [sflag:s10], $0x1400  }
0x47: {  	[sflag:s10] =	ssyncset.done $0x0  }
0x48: {  	s16 =	rddreg [dreg:$0x10];
	[sflag:s10] =	ssyncadd.s32 $0xFFFFEC00  }
0x49: {  	[spmem:s16] =	stream.linear.scatter [tilespmem:s3], [sflag:$0x7], $0x1400, $0x38;
	[tilespmem:$0x1E200] =	vst v63  }
0x4a: {  	_ =	swait.ge [sflag:s10], $0x1400  }
0x4b: {  	[sflag:s10] =	ssyncset.done $0x0  }
0x4c: {  	s17 =	rddreg [dreg:$0x11];
	[sflag:s10] =	ssyncadd.s32 $0xFFFFEC00  }
0x4d: {  	[spmem:s17] =	stream.linear.scatter [tilespmem:s3], [sflag:$0x7], $0x1400, $0x38;
	[tilespmem:$0x1E200] =	vst v63  }
0x4e: {  	_ =	swait.ge [sflag:s10], $0x1400  }
0x4f: {  	[sflag:s10] =	ssyncset.done $0x0  }
0x50: {  	s19 =	rddreg [dreg:$0x12];
	[sflag:s10] =	ssyncadd.s32 $0xFFFFEC00  }
0x51: {  	[spmem:s19] =	stream.linear.scatter [tilespmem:s3], [sflag:$0x7], $0x1400, $0x38;
	[tilespmem:$0x1E200] =	vst v63  }
0x52: {  	_ =	swait.ge [sflag:s10], $0x1400  }
0x53: {  	[sflag:s10] =	ssyncset.done $0x0  }
0x54: {  	s4 =	rddreg [dreg:$0x13];
	[sflag:s10] =	ssyncadd.s32 $0xFFFFEC00  }
0x55: {  	[spmem:s4] =	stream.linear.scatter [tilespmem:s3], [sflag:$0x7], $0x1400, $0x38;
	[tilespmem:$0x1E200] =	vst v63  }
0x56: {  	_ =	swait.ge [sflag:s10], $0x1400  }
0x57: {  	[sflag:s10] =	ssyncset.done $0x0  }
0x58: {  	s14 =	rddreg [dreg:$0x14];
	[sflag:s10] =	ssyncadd.s32 $0xFFFFEC00  }
0x59: {  	[spmem:s14] =	stream.linear.scatter [tilespmem:s3], [sflag:$0x7], $0x1400, $0x38;
	[tilespmem:$0x1E200] =	vst v63  }
0x5a: {  	_ =	swait.ge [sflag:s10], $0x1400  }
0x5b: {  	[sflag:s10] =	ssyncset.done $0x0  }
0x5c: {  	s15 =	rddreg [dreg:$0x15];
	[sflag:s10] =	ssyncadd.s32 $0xFFFFEC00  }
0x5d: {  	[spmem:s15] =	stream.linear.scatter [tilespmem:s3], [sflag:$0x7], $0x1400, $0x38;
	[tilespmem:$0x1E200] =	vst v63  }
0x5e: {  	_ =	swait.ge [sflag:s10], $0x1400  }
0x5f: {  	[sflag:s10] =	ssyncset.done $0x0  }
0x60: {  	s16 =	rddreg [dreg:$0x16];
	[sflag:s10] =	ssyncadd.s32 $0xFFFFEC00  }
0x61: {  	[spmem:s16] =	stream.linear.scatter [tilespmem:s3], [sflag:$0x7], $0x1400, $0x38;
	[tilespmem:$0x1E200] =	vst v63  }
0x62: {  	_ =	swait.ge [sflag:s10], $0x1400  }
0x63: {  	[sflag:s10] =	ssyncset.done $0x0  }
0x64: {  	s17 =	rddreg [dreg:$0x17];
	[sflag:s10] =	ssyncadd.s32 $0xFFFFEC00  }
0x65: {  	[spmem:s17] =	stream.linear.scatter [tilespmem:s3], [sflag:$0x7], $0x1400, $0x38;
	[tilespmem:$0x1E200] =	vst v63  }
0x66: {  	_ =	swait.ge [sflag:s10], $0x1400  }
0x67: {  	[sflag:s10] =	ssyncset.done $0x0  }
0x68: {  	s19 =	rddreg [dreg:$0x18];
	[sflag:s10] =	ssyncadd.s32 $0xFFFFEC00  }
0x69: {  	[spmem:s19] =	stream.linear.scatter [tilespmem:s3], [sflag:$0x7], $0x1400, $0x38;
	[tilespmem:$0x1E200] =	vst v63  }
0x6a: {  	_ =	swait.ge [sflag:s10], $0x1400  }
0x6b: {  	[sflag:s10] =	ssyncset.done $0x0  }
0x6c: {  	s4 =	rddreg [dreg:$0x19];
	[sflag:s10] =	ssyncadd.s32 $0xFFFFEC00  }
0x6d: {  	[spmem:s4] =	stream.linear.scatter [tilespmem:s3], [sflag:$0x7], $0x1400, $0x38;
	[tilespmem:$0x1E200] =	vst v63  }
0x6e: {  	_ =	swait.ge [sflag:s10], $0x1400  }
0x6f: {  	[sflag:s10] =	ssyncset.done $0x0  }
0x70: {  	s14 =	rddreg [dreg:$0x1a];
	[sflag:s10] =	ssyncadd.s32 $0xFFFFEC00  }
0x71: {  	[spmem:s14] =	stream.linear.scatter [tilespmem:s3], [sflag:$0x7], $0x1400, $0x38;
	[tilespmem:$0x1E200] =	vst v63  }
0x72: {  	_ =	swait.ge [sflag:s10], $0x1400  }
0x73: {  	[sflag:s10] =	ssyncset.done $0x0  }
0x74: {  	[sflag:s10] =	ssyncadd.s32 $0xFFFFEC00  }
0x75: {  	[bflag:$0x0] =	sbarrier.arrive $0xFFFF  }
0x76: {  	s15 =	rddreg [dreg:$0x5]  }
0x77: {  	[tilespmem:s31], [sflag:$0x7] =	stream.strided.gather [hbm4b:s15+s11], $0x100, s12, s11, $0x38;
	[tilespmem:$0x1E200] =	vst v63  }
0x78: {  	_ =	swait.ge [sflag:s10], $0x100  }
0x79: {  	[sflag:s10] =	ssyncset.done $0x0  }
0x7a: {  	s16 =	simm.s32 $0x100;
	[sflag:s10] =	ssyncadd.s32 $0xFFFFFF00  }
0x7b: {  	[tilespmem:s16], [sflag:$0x1] =	stream.indirect.gather [hbm4b:s1+s13], $0x80, s31, s13, $0xb8;
	[tilespmem:$0x1E200] =	vst v63  }
0x7c: {  	s17 =	simm.s32 $0x1500  }
0x7d: {  	[tilespmem:s17], [sflag:$0x2] =	stream.indirect.gather [hbm4b:s5+s13], $0x80, s11, s13, $0xb8;
	[tilespmem:$0x1E200] =	vst v63  }
0x7e: {  	s0 =	simm.s32 $0x0;
	s4 =	simm.s32 $0x2900;
	s19 =	rddreg [dreg:$0x6]  }
0x7f: {  	[tilespmem:s4], [sflag:$0x3] =	stream.linear.gather [hbm4b:s19+s31], $0x1400, $0x38;
	[tilespmem:$0x1E200] =	vst v63  }
.LBB2_4:
0x80: {  	s4 =	sshllo.u32 s0, $0x1  }
0x81: {  	s14 =	sadd.s32 s9, s4  }
0x82: {  	s14 =	sshll.u32 s14, $0x4  }
0x83: {  	s14 =	sand.u32 $0xFFFFFF0, s14  }
0x84: {  	s14 =	sadd.s32 s7, s14  }
0x85: {  	[tilespmem:s18], [sflag:$0x7] =	stream.strided.gather [hbm4b:s14+s11], $0x100, s12, s11, $0x38;
	[tilespmem:$0x1E200] =	vst v63  }
0x86: {  	s4 =	smul.u32 $0x28, s4;
	_ =	swait.ge [sflag:s10], $0x100  }
0x87: {  	[sflag:s10] =	ssyncset.done $0x0  }
0x88: {  	s19 =	simm.s32 $0x5200;
	s4 =	sadd.s32 s8, s4;
	[sflag:s10] =	ssyncadd.s32 $0xFFFFFF00  }
0x89: {  	[tilespmem:s19], [sflag:$0x4] =	stream.indirect.gather [hbm4b:s1+s13], $0x80, s18, s13, $0xb8;
	[tilespmem:$0x1E200] =	vst v63  }
0x8a: {  	s4 =	sshll.u32 s4, $0x4  }
0x8b: {  	[tilespmem:s21], [sflag:$0x5] =	stream.indirect.gather [hbm4b:s5+s13], $0x80, s20, s13, $0xb8;
	[tilespmem:$0x1E200] =	vst v63  }
0x8c: {  	s4 =	sadd.s32 s6, s4  }
0x8d: {  	[tilespmem:s22], [sflag:$0x6] =	stream.linear.gather [hbm4b:s4+s31], $0x1400, $0x38;
	[tilespmem:$0x1E200] =	vst v63  }
0x8e: {  	_ =	swait.ge [sflag:s23], $0x1400  }
0x8f: {  	[sflag:s23] =	ssyncset.done $0x0  }
0x90: {  	[sflag:s23] =	ssyncadd.s32 $0xFFFFEC00  }
0x91: {  	_ =	swait.ge [sflag:s24], $0x1400  }
0x92: {  	[sflag:s24] =	ssyncset.done $0x0  }
0x93: {  	[sflag:s24] =	ssyncadd.s32 $0xFFFFEC00  }
0x94: {  	_ =	swait.ge [sflag:s25], $0x1400  }
0x95: {  	[sflag:s25] =	ssyncset.done $0x0  }
0x96: {  	s4 =	simm.s32 $0x0;
	[sflag:s25] =	ssyncadd.s32 $0xFFFFEC00  }
0x97: {  	v1 =	vld [tilespmem:s4+$0x170]  }
0x98: {  	v2 =	vld [tilespmem:s4+$0x2900]  }
0x99: {  	v3 =	vld [tilespmem:s4+$0x1510]  }
0x9a: {  	v4 =	vld [tilespmem:s4+$0x1570]  }
0x9b: {  	v5 =	vld [tilespmem:s4+$0x1560]  }
0x9c: {  	v6 =	vld [tilespmem:s4+$0x1500]  }
0x9d: {  	v7 =	vld [tilespmem:s4+$0x1540]  }
0x9e: {  	v8 =	vld [tilespmem:s4+$0x1520]  }
0x9f: {  	v9 =	vld [tilespmem:s4+$0x1530]  }
0xa0: {  	v10 =	vld [tilespmem:s4+$0x100]  }
0xa1: {  	v11 =	vld [tilespmem:s4+$0x110]  }
0xa2: {  	v12 =	vld [tilespmem:s4+$0x160]  }
0xa3: {  	v13 =	vld [tilespmem:s4+$0x140]  }
0xa4: {  	v15 =	vld [tilespmem:s4+$0x2920]  }
0xa5: {  	v18 =	vld [tilespmem:s4+$0x2930]  }
0xa6: {  	v14 =	vld [tilespmem:s4+$0x120]  }
0xa7: {  	v19 =	vld [tilespmem:s4+$0x2910]  }
0xa8: {  	v20 =	vld [tilespmem:s4+$0x130]  }
0xa9: {  	s15 =	simm.s32 $0x80;
	v21 =	vld [tilespmem:s4+$0x150];
	v5 =	vadd.f32 v5, v12  }
0xaa: {  	v22 =	vld [tilespmem:s15+$0x2900];
	v16 =	vshll.u32 v18, $0x10  }
0xab: {  	v24 =	vld [tilespmem:s15+$0x1510];
	v8 =	vadd.f32 v8, v14;
	v16 =	vadd.f32 v16, v5  }
0xac: {  	v25 =	vld [tilespmem:s15+$0x160];
	v14 =	vshll.u32 v19, $0x10  }
0xad: {  	v12 =	vld [tilespmem:s4+$0x1550];
	v23 =	vand.u32 $0xFFFF0000, v2;
	v14 =	vadd.f32 v14, v8;
	v8 =	vsub.f32 $0.0e+00, v16  }
0xae: {  	v2 =	vshll.u32 v2, $0x10;
	v4 =	vadd.f32 v4, v1;
	v1 =	vadd.f32 v6, v10;
	v6 =	vld [tilespmem:s15+$0x1570]  }
0xaf: {  	v7 =	vadd.f32 v7, v13;
	v13 =	vld [tilespmem:s15+$0x1560];
	v3 =	vadd.f32 v3, v11;
	v8 =	vmul.f32 $1.442695020e+00, v8  }
0xb0: {  	v5 =	vld [tilespmem:s15+$0x170];
	v17 =	vadd.f32 v2, v1;
	v1 =	vshll.u32 v15, $0x10;
	v10 =	vsub.f32 $0.0e+00, v14  }
0xb1: {  	v19 =	vand.u32 $0xFFFF0000, v19;
	v1 =	vadd.f32 v1, v7;
	v7 =	vld [tilespmem:s15+$0x1540];
	(erf) = vpow2.f32 v8  }
0xb2: {  	v26 =	vand.u32 $0xFFFF0000, v22;
	v12 =	vadd.f32 v12, v21;
	v21 =	vld [tilespmem:s15+$0x140];
	v10 =	vmul.f32 $1.442695020e+00, v10  }
0xb3: {  	v22 =	vshll.u32 v22, $0x10;
	v2 =	vld [tilespmem:s15+$0x1500];
	v8 =	vadd.f32 v23, v3;
	v3 =	vadd.f32 v9, v20  }
0xb4: {  	v9 =	vand.u32 $0xFFFF0000, v18;
	v18 =	vsub.f32 $0.0e+00, v1;
	v20 =	vld [tilespmem:s15+$0x100];
	(erf) = vpow2.f32 v10  }
0xb5: {  	v10 =	vand.u32 $0xFFFF0000, v15;
	v9 =	vadd.f32 v9, v4;
	v15 =	vld [tilespmem:s15+$0x110];
	v4 =	vsub.f32 $0.0e+00, v8  }
0xb6: {  	v27 =	vld [tilespmem:s15+$0x130];
	v6 =	vadd.f32 v6, v5;
	v23 =	vsub.f32 $0.0e+00, v17;
	v18 =	vmul.f32 $1.442695020e+00, v18  }
0xb7: {  	v11 =	vld [tilespmem:s15+$0x1530];
	v3 =	vadd.f32 v19, v3;
	v21 =	vadd.f32 v7, v21;
	v4 =	vmul.f32 $1.442695020e+00, v4  }
0xb8: {  	v23 =	vmul.f32 $1.442695020e+00, v23;
	v19 =	vld [tilespmem:s15+$0x2920];
	v7 =	vadd.f32 v13, v25;
	v5 =	vsub.f32 $0.0e+00, v9  }
0xb9: {  	v2 =	vadd.f32 v2, v20;
	v20 =	vsub.f32 $0.0e+00, v3;
	(erf) = vpow2.f32 v4  }
0xba: {  	v4 =	vadd.f32 v10, v12;
	v12 =	vadd.f32 v24, v15;
	(erf) = vpow2.f32 v23;
	v23 =	vld [tilespmem:s15+$0x2930];
	v10 =	vpop (erf)  }
0xbb: {  	v5 =	vmul.f32 $1.442695020e+00, v5;
	v15 =	vld [tilespmem:s15+$0x1520];
	v20 =	vmul.f32 $1.442695020e+00, v20;
	v24 =	vadd.f32 $1.000000000e+00, v10  }
0xbc: {  	(erf) = vpow2.f32 v18;
	v10 =	vadd.f32 v22, v2;
	v2 =	vadd.f32 v26, v12;
	v12 =	vld [tilespmem:s15+$0x120]  }
0xbd: {  	v13 =	vadd.f32 v11, v27;
	v11 =	vshll.u32 v19, $0x10;
	(erf) = vpow2.f32 v20;
	v22 =	vld [tilespmem:s15+$0x2910]  }
0xbe: {  	s14 =	simm.s32 $0x100;
	v18 =	vpop (erf);
	(erf) = vpow2.f32 v5;
	v5 =	vadd.f32 v11, v21  }
0xbf: {  	v28 =	vld [tilespmem:s14+$0x170];
	v25 =	vsub.f32 $0.0e+00, v4;
	v18 =	vadd.f32 $1.000000000e+00, v18;
	v20 =	vshll.u32 v23, $0x10  }
0xc0: {  	v30 =	vld [tilespmem:s14+$0x1560];
	v23 =	vand.u32 $0xFFFF0000, v23;
	v26 =	vsub.f32 $0.0e+00, v5;
	v7 =	vadd.f32 v20, v7  }
0xc1: {  	v19 =	vand.u32 $0xFFFF0000, v19;
	v6 =	vadd.f32 v23, v6;
	v11 =	vadd.f32 v15, v12;
	v12 =	vld [tilespmem:s14+$0x2900]  }
0xc2: {  	v34 =	vld [tilespmem:s14+$0x1500];
	v23 =	vmul.f32 $1.442695020e+00, v25;
	v15 =	vsub.f32 $0.0e+00, v7;
	v25 =	vshll.u32 v22, $0x10  }
0xc3: {  	v21 =	vld [tilespmem:s15+$0x150];
	v26 =	vmul.f32 $1.442695020e+00, v26;
	v27 =	vpop (erf);
	(erf) = vrcp.f32 v24;
	v11 =	vadd.f32 v25, v11  }
0xc4: {  	v31 =	vsub.f32 $0.0e+00, v2;
	v20 =	vld [tilespmem:s15+$0x1550];
	v24 =	vpop (erf);
	(erf) = vrcp.f32 v18;
	v15 =	vmul.f32 $1.442695020e+00, v15  }
0xc5: {  	v22 =	vand.u32 $0xFFFF0000, v22;
	v18 =	vld [tilespmem:s14+$0x1570];
	v24 =	vadd.f32 $1.000000000e+00, v24;
	v29 =	vsub.f32 $0.0e+00, v11  }
0xc6: {  	v35 =	vld [tilespmem:s14+$0x1540];
	(erf) = vpow2.f32 v15;
	v15 =	vsub.f32 $0.0e+00, v10;
	v32 =	vand.u32 $0xFFFF0000, v12  }
0xc7: {  	v37 =	vld [tilespmem:s14+$0x1530];
	(erf) = vrcp.f32 v24;
	v24 =	vadd.f32 $1.000000000e+00, v27;
	v29 =	vmul.f32 $1.442695020e+00, v29  }
0xc8: {  	v27 =	vshll.u32 v12, $0x10;
	v12 =	vmul.f32 $1.442695020e+00, v31;
	v31 =	vld [tilespmem:s14+$0x100];
	(erf) = vpow2.f32 v23  }
0xc9: {  	v13 =	vadd.f32 v22, v13;
	v25 =	vld [tilespmem:s14+$0x1510];
	v33 =	vpop (erf);
	v15 =	vmul.f32 $1.442695020e+00, v15;
	(erf) = vpow2.f32 v29  }
0xca: {  	v20 =	vadd.f32 v20, v21;
	v21 =	vpop (erf);
	v36 =	vadd.f32 v18, v28;
	v18 =	vld [tilespmem:s14+$0x110];
	(erf) = vrcp.f32 v24  }
0xcb: {  	v62 =	vld [tilespmem:s14+$0x160];
	v23 =	vpop (erf);
	v28 =	vadd.f32 $1.000000000e+00, v33;
	v24 =	vsub.f32 $0.0e+00, v6;
	(erf) = vpow2.f32 v12  }
0xcc: {  	v39 =	vld [tilespmem:s14+$0x140];
	v21 =	vadd.f32 $1.000000000e+00, v21;
	v23 =	vadd.f32 $1.000000000e+00, v23;
	v38 =	vpop (erf);
	(erf) = vpow2.f32 v15  }
0xcd: {  	v40 =	vld [tilespmem:s14+$0x2920];
	v12 =	vadd.f32 v19, v20;
	v20 =	vadd.f32 v34, v31;
	v15 =	vpop (erf);
	(erf) = vrcp.f32 v28  }
0xce: {  	v63 =	vld [tilespmem:s14+$0x130];
	v22 =	vsub.f32 $0.0e+00, v13;
	v19 =	vmul.f32 $1.442695020e+00, v24;
	v28 =	vmul.f32 v15, v14  }
0xcf: {  	v14 =	vadd.f32 v25, v18;
	v15 =	vadd.f32 v27, v20;
	v18 =	vld [tilespmem:s14+$0x2930];
	v24 =	vpop (erf);
	(erf) = vrcp.f32 v23  }
0xd0: {  	v20 =	vmul.f32 $1.442695020e+00, v22;
	v22 =	vld [tilespmem:s14+$0x1520];
	v33 =	vsub.f32 $0.0e+00, v12;
	v23 =	vpop (erf);
	(erf) = vrcp.f32 v21  }
0xd1: {  	v25 =	vadd.f32 $1.000000000e+00, v24;
	v14 =	vadd.f32 v32, v14;
	v24 =	vld [tilespmem:s14+$0x2910];
	[tilespmem:s4+$0x3D20] =	vst v28;
	(erf) = vpow2.f32 v26;
	v21 =	vpop (erf)  }
0xd2: {  	v32 =	vadd.f32 v30, v62;
	v17 =	vmul.f32 v23, v17;
	v31 =	vld [tilespmem:s14+$0x120];
	(erf) = vpow2.f32 v20;
	v23 =	vpop (erf)  }
0xd3: {  	(erf) = vpow2.f32 v19;
	v19 =	vshll.u32 v40, $0x10;
	v28 =	vadd.f32 $1.000000000e+00, v23;
	v23 =	vpop (erf)  }
0xd4: {  	v29 =	vadd.f32 $1.000000000e+00, v21;
	v21 =	vmul.f32 v38, v16;
	v16 =	vadd.f32 v35, v39;
	v27 =	vpop (erf)  }
0xd5: {  	v20 =	vadd.f32 v37, v63;
	[tilespmem:s4+$0x3D00] =	vst v17;
	v34 =	vshll.u32 v18, $0x10;
	v17 =	vand.u32 $0xFFFF0000, v18;
	v30 =	vpop (erf)  }
0xd6: {  	s16 =	sshll.u32 s0, $0x1;
	s17 =	simm.s32 $0x600;
	v18 =	vand.u32 $0xFFFF0000, v40;
	v16 =	vadd.f32 v19, v16;
	v26 =	vld [tilespmem:s14+$0x1550];
	v17 =	vadd.f32 v17, v36;
	v19 =	vpop (erf)  }
.LBB2_5:
0xd7: {  	s19 =	sshra.s32 s17, $0x2;
	p0 =	sne.s32 s17, $0x4E00;
	s17 =	sadd.s32 $0x200, s17;
	v40 =	vadd.f32 v22, v31;
	v31 =	vld [tilespmem:s14+$0x150];
	v33 =	vmul.f32 $1.442695020e+00, v33;
	v35 =	vmovc v7;
	v7 =	vadd.f32 v34, v32;
	v32 =	vmovc v10  }
0xd8: {  	v10 =	vshll.u32 v24, $0x10;
	v34 =	vld [tilespmem:s19+$0x170];
	v36 =	vsub.f32 $0.0e+00, v16;
	(erf) = vrcp.f32 v29;
	v29 =	vpop (erf)  }
0xd9: {  	v8 =	vmul.f32 v23, v8;
	v37 =	vld [tilespmem:s19+$0x2900];
	v38 =	vadd.f32 v10, v40;
	v10 =	vsub.f32 $0.0e+00, v7;
	v22 =	vpop (erf)  }
0xda: {  	v24 =	vand.u32 $0xFFFF0000, v24;
	v9 =	vmul.f32 v29, v9;
	v23 =	vld [tilespmem:s19+$0x1510];
	v36 =	vmul.f32 $1.442695020e+00, v36;
	v39 =	vpop (erf);
	[tilespmem:s4+$0x3D60] =	vst v21  }
0xdb: {  	v29 =	vsub.f32 $0.0e+00, v15;
	v21 =	vld [tilespmem:s19+$0x1570];
	v43 =	vmul.f32 $1.442695020e+00, v10;
	v40 =	vpop (erf);
	(erf) = vrcp.f32 v25;
	[tilespmem:s4+$0x3D10] =	vst v8  }
0xdc: {  	v45 =	vsub.f32 $0.0e+00, v38;
	v25 =	vadd.f32 $1.000000000e+00, v30;
	v41 =	vld [tilespmem:s19+$0x1560];
	(erf) = vrcp.f32 v28;
	v28 =	vpop (erf);
	[tilespmem:s4+$0x3D70] =	vst v9  }
0xdd: {  	v42 =	vsub.f32 $0.0e+00, v14;
	v46 =	vmul.f32 v22, v3;
	v3 =	vmovc v13;
	v30 =	vld [tilespmem:s19+$0x1500];
	(erf) = vpow2.f32 v43;
	v10 =	vmovc v15  }
0xde: {  	v8 =	vmovc v2;
	v2 =	vmovc v14;
	v13 =	vmul.f32 $1.442695020e+00, v45;
	v15 =	vadd.f32 v26, v31;
	v43 =	vand.u32 $0xFFFF0000, v37;
	v44 =	vld [tilespmem:s19+$0x1540]  }
0xdf: {  	v14 =	vmul.f32 $1.442695020e+00, v29;
	v26 =	vadd.f32 $1.000000000e+00, v27;
	v9 =	vmovc v6;
	v6 =	vmovc v17;
	v22 =	vld [tilespmem:s19+$0x1520];
	(erf) = vrcp.f32 v25;
	[tilespmem:s4+$0x3D30] =	vst v46  }
0xe0: {  	v17 =	vshll.u32 v37, $0x10;
	v25 =	vmul.f32 $1.442695020e+00, v42;
	v27 =	vld [tilespmem:s19+$0x1530];
	(erf) = vpow2.f32 v33  }
0xe1: {  	v37 =	vadd.f32 v21, v34;
	v29 =	vld [tilespmem:s19+$0x100];
	(erf) = vpow2.f32 v13;
	v13 =	vmul.f32 v19, v1;
	v1 =	vpop (erf)  }
0xe2: {  	v21 =	vadd.f32 $1.000000000e+00, v28;
	v19 =	vld [tilespmem:s19+$0x110];
	(erf) = vrcp.f32 v26;
	v26 =	vmul.f32 v1, v4;
	v4 =	vmovc v12;
	v1 =	vmovc v5  }
0xe3: {  	v31 =	vadd.f32 $1.000000000e+00, v39;
	v28 =	vsub.f32 $0.0e+00, v6;
	v5 =	vmovc v16;
	v33 =	vld [tilespmem:s19+$0x160];
	(erf) = vpow2.f32 v25;
	[tilespmem:s4+$0x3D40] =	vst v13  }
0xe4: {  	v13 =	vadd.f32 v24, v20;
	v16 =	vld [tilespmem:s19+$0x140];
	(erf) = vpow2.f32 v14;
	v14 =	vadd.f32 $1.000000000e+00, v40;
	v20 =	vpop (erf);
	[tilespmem:s4+$0x3D50] =	vst v26;
	s4 =	smov.u32 s15;
	s15 =	smov.u32 s14;
	s14 =	smov.u32 s19  }
0xe5: {  	v12 =	vadd.f32 v18, v15;
	v18 =	vmul.f32 $1.442695020e+00, v28;
	v39 =	vld [tilespmem:s14+$0x2920];
	v15 =	vpop (erf);
	(erf) = vrcp.f32 v31  }
0xe6: {  	v28 =	vsub.f32 $0.0e+00, v13;
	v26 =	vadd.f32 v30, v29;
	v30 =	vld [tilespmem:s14+$0x130];
	v25 =	vpop (erf);
	v29 =	vmul.f32 v15, v11  }
0xe7: {  	v11 =	vmovc v38;
	v19 =	vadd.f32 v23, v19;
	v24 =	vld [tilespmem:s14+$0x2910];
	v25 =	vadd.f32 $1.000000000e+00, v25;
	(erf) = vrcp.f32 v21  }
0xe8: {  	v21 =	vmul.f32 $1.442695020e+00, v28;
	v15 =	vadd.f32 v17, v26;
	v17 =	vld [tilespmem:s14+$0x2930];
	[tilespmem:s4+$0x3D20] =	vst v29;
	v23 =	vpop (erf);
	(erf) = vrcp.f32 v14  }
0xe9: {  	v14 =	vadd.f32 v43, v19;
	(erf) = vpow2.f32 v36;
	v19 =	vmul.f32 v23, v32;
	v23 =	vpop (erf)  }
.Ltmp1:
0xea: {  	v31 =	vld [tilespmem:s14+$0x120];
	v26 =	vpop (erf);
	(erf) = vpow2.f32 v21;
	v29 =	vadd.f32 $1.000000000e+00, v23;
	v21 =	vmul.f32 v20, v35;
	(pc) =	sbr.rel @p0 .LBB2_5-.Ltmp1, $4  }
0xeb: {  	v16 =	vadd.f32 v44, v16;
	v28 =	vadd.f32 $1.000000000e+00, v26;
	(erf) = vpow2.f32 v18;
	v23 =	vpop (erf)  }
0xec: {  	v32 =	vadd.f32 v41, v33;
	v20 =	vadd.f32 v27, v30;
	v18 =	vshll.u32 v39, $0x10;
	v27 =	vpop (erf);
	[tilespmem:s4+$0x3D00] =	vst v19  }
0xed: {  	v33 =	vsub.f32 $0.0e+00, v12;
	v34 =	vshll.u32 v17, $0x10;
	v17 =	vand.u32 $0xFFFF0000, v17;
	v30 =	vpop (erf)  }
0xee: {  	v16 =	vadd.f32 v18, v16;
	v18 =	vand.u32 $0xFFFF0000, v39;
	v26 =	vld [tilespmem:s14+$0x1550];
	v17 =	vadd.f32 v17, v37;
	v19 =	vpop (erf)  }
0xef: {  	v32 =	vadd.f32 v34, v32  }
0xf0: {  	v22 =	vadd.f32 v22, v31  }
0xf1: {  	v31 =	vshll.u32 v24, $0x10;
	v34 =	vsub.f32 $0.0e+00, v32  }
0xf2: {  	v22 =	vadd.f32 v31, v22  }
0xf3: {  	(erf) = vrcp.f32 v29;
	v29 =	vmul.f32 $1.442695020e+00, v34  }
0xf4: {  	v30 =	vadd.f32 $1.000000000e+00, v30;
	(erf) = vrcp.f32 v25;
	v25 =	vsub.f32 $0.0e+00, v22  }
0xf5: {  	(erf) = vrcp.f32 v28;
	v28 =	vmul.f32 $1.442695020e+00, v33  }
0xf6: {  	(erf) = vpow2.f32 v29;
	v25 =	vmul.f32 $1.442695020e+00, v25  }
0xf7: {  	v31 =	vsub.f32 $0.0e+00, v14;
	v29 =	vpop (erf);
	(erf) = vrcp.f32 v30  }
0xf8: {  	v27 =	vadd.f32 $1.000000000e+00, v27;
	v30 =	vpop (erf);
	(erf) = vpow2.f32 v28  }
0xf9: {  	v49 =	vsub.f32 $0.0e+00, v15;
	v31 =	vmul.f32 $1.442695020e+00, v31;
	v28 =	vpop (erf);
	(erf) = vpow2.f32 v25  }
0xfa: {  	v25 =	vpop (erf);
	(erf) = vrcp.f32 v27  }
0xfb: {  	v24 =	vand.u32 $0xFFFF0000, v24;
	v33 =	vmul.f32 $1.442695020e+00, v49;
	(erf) = vpow2.f32 v31;
	v31 =	vld [tilespmem:s14+$0x150]  }
0xfc: {  	v20 =	vadd.f32 v24, v20;
	v27 =	vpop (erf)  }
0xfd: {  	v51 =	vsub.f32 $0.0e+00, v16;
	v50 =	vpop (erf);
	(erf) = vpow2.f32 v33;
	v27 =	vadd.f32 $1.000000000e+00, v27  }
0xfe: {  	v28 =	vadd.f32 $1.000000000e+00, v28;
	v25 =	vadd.f32 $1.000000000e+00, v25;
	v24 =	vpop (erf)  }
0xff: {  	v37 =	vsub.f32 $0.0e+00, v17;
	v33 =	vmul.f32 $1.442695020e+00, v51;
	v35 =	vpop (erf)  }
0x100: {  	(erf) = vrcp.f32 v28;
	v28 =	vsub.f32 $0.0e+00, v20;
	v36 =	vpop (erf);
	v26 =	vadd.f32 v26, v31  }
0x101: {  	(erf) = vrcp.f32 v27;
	v27 =	vpop (erf);
	v31 =	vmul.f32 $1.442695020e+00, v37  }
0x102: {  	v28 =	vmul.f32 $1.442695020e+00, v28;
	(erf) = vrcp.f32 v25;
	v25 =	vpop (erf)  }
0x103: {  	(erf) = vpow2.f32 v33;
	v52 =	vpop (erf)  }
0x104: {  	v18 =	vadd.f32 v18, v26;
	(erf) = vpow2.f32 v28;
	v26 =	vpop (erf)  }
0x105: {  	v25 =	vadd.f32 $1.000000000e+00, v25;
	(erf) = vpow2.f32 v31;
	v31 =	vpop (erf)  }
0x106: {  	v28 =	vadd.f32 $1.000000000e+00, v36;
	v53 =	vsub.f32 $0.0e+00, v18;
	v54 =	vpop (erf)  }
0x107: {  	v33 =	vadd.f32 $1.000000000e+00, v52;
	(erf) = vrcp.f32 v25;
	v25 =	vadd.f32 $1.000000000e+00, v54  }
0x108: {  	(erf) = vrcp.f32 v28;
	v28 =	vmul.f32 $1.442695020e+00, v53  }
0x109: {  	(erf) = vrcp.f32 v33  }
0x10a: {  	v55 =	vpop (erf);
	(erf) = vrcp.f32 v25  }
0x10b: {  	v8 =	vmul.f32 v23, v8;
	v25 =	vpop (erf);
	(erf) = vpow2.f32 v28  }
0x10c: {  	v9 =	vmul.f32 v29, v9;
	[tilespmem:s4+$0x3D60] =	vst v21;
	v28 =	vpop (erf)  }
0x10d: {  	v3 =	vmul.f32 v30, v3;
	[tilespmem:s4+$0x3D10] =	vst v8;
	v23 =	vpop (erf)  }
0x10e: {  	[tilespmem:s4+$0x3D70] =	vst v9;
	v9 =	vadd.f32 $1.000000000e+00, v31;
	v21 =	vpop (erf)  }
0x10f: {  	v1 =	vmul.f32 v19, v1;
	[tilespmem:s4+$0x3D30] =	vst v3;
	v3 =	vmul.f32 v50, v4;
	v4 =	vadd.f32 $1.000000000e+00, v23;
	v8 =	vpop (erf)  }
0x110: {  	v19 =	vpop (erf)  }
0x111: {  	[tilespmem:s4+$0x3D40] =	vst v1;
	v1 =	vmul.f32 v35, v11;
	v23 =	vpop (erf)  }
0x112: {  	[tilespmem:s4+$0x3D50] =	vst v3;
	v3 =	vmul.f32 v27, v10;
	(erf) = vrcp.f32 v9;
	v8 =	vadd.f32 $1.000000000e+00, v8;
	v9 =	vpop (erf)  }
0x113: {  	[tilespmem:s15+$0x3D20] =	vst v1;
	v2 =	vmul.f32 v26, v2;
	v10 =	vadd.f32 $1.000000000e+00, v21;
	(erf) = vrcp.f32 v4;
	v4 =	vpop (erf)  }
0x114: {  	v1 =	vmul.f32 v24, v7;
	[tilespmem:s15+$0x3D00] =	vst v3;
	(erf) = vrcp.f32 v8;
	v7 =	vpop (erf)  }
0x115: {  	[tilespmem:s15+$0x3D10] =	vst v2;
	v2 =	vmul.f32 v28, v13;
	(erf) = vrcp.f32 v10;
	v3 =	vadd.f32 $1.000000000e+00, v7  }
0x116: {  	[tilespmem:s15+$0x3D60] =	vst v1;
	v1 =	vmul.f32 v25, v6  }
0x117: {  	[tilespmem:s15+$0x3D30] =	vst v2;
	v2 =	vmul.f32 v19, v12;
	(erf) = vrcp.f32 v3  }
0x118: {  	[tilespmem:s15+$0x3D70] =	vst v1;
	v1 =	vmul.f32 v55, v5  }
0x119: {  	[tilespmem:s15+$0x3D50] =	vst v2;
	v2 =	vmul.f32 v4, v15  }
0x11a: {  	[tilespmem:s15+$0x3D40] =	vst v1;
	v1 =	vmul.f32 v9, v22  }
0x11b: {  	v3 =	vpop (erf)  }
0x11c: {  	[tilespmem:s14+$0x3D20] =	vst v1;
	v1 =	vmul.f32 v23, v32;
	v4 =	vpop (erf);
	v3 =	vmul.f32 v3, v14  }
0x11d: {  	[tilespmem:s14+$0x3D00] =	vst v2;
	v2 =	vpop (erf)  }
0x11e: {  	[tilespmem:s14+$0x3D60] =	vst v1;
	v5 =	vpop (erf);
	v1 =	vmul.f32 v2, v17  }
0x11f: {  	[tilespmem:s14+$0x3D10] =	vst v3;
	v2 =	vmul.f32 v5, v20  }
0x120: {  	[tilespmem:s14+$0x3D70] =	vst v1;
	v1 =	vmul.f32 v4, v16;
	v3 =	vpop (erf)  }
0x121: {  	[tilespmem:s14+$0x3D30] =	vst v2;
	v2 =	vmul.f32 v3, v18  }
0x122: {  	s19 =	sadd.s32 $0x2, s16;
	[tilespmem:s14+$0x3D40] =	vst v1  }
0x123: {  	s15 =	sadd.s32 s9, s19;
	[tilespmem:s14+$0x3D50] =	vst v2  }
0x124: {  	[spmem:s2] =	stream.indirect.scatter.add.f32 [tilespmem:s3], [sflag:$0x7], $0x80, s11, s13, $0xb8;
	[tilespmem:$0x1E200] =	vst v63  }
0x125: {  	s14 =	sshll.u32 s15, $0x4;
	_ =	swait.ge [sflag:s10], $0x1400  }
0x126: {  	s14 =	sand.u32 $0xFFFFFE0, s14;
	[sflag:s10] =	ssyncset.done $0x0  }
0x127: {  	s15 =	simm.s32 $0x0;
	s14 =	sadd.s32 s7, s14;
	[sflag:s10] =	ssyncadd.s32 $0xFFFFEC00  }
0x128: {  	[tilespmem:s15], [sflag:$0x7] =	stream.strided.gather [hbm4b:s14+s11], $0x100, s12, s11, $0x38;
	[tilespmem:$0x1E200] =	vst v63  }
0x129: {  	s4 =	smul.u32 $0x28, s19;
	_ =	swait.ge [sflag:s10], $0x100  }
0x12a: {  	[sflag:s10] =	ssyncset.done $0x0  }
0x12b: {  	s16 =	simm.s32 $0x100;
	s4 =	sadd.s32 s8, s4;
	[sflag:s10] =	ssyncadd.s32 $0xFFFFFF00  }
0x12c: {  	[tilespmem:s16], [sflag:$0x1] =	stream.indirect.gather [hbm4b:s1+s13], $0x80, s15, s13, $0xb8;
	[tilespmem:$0x1E200] =	vst v63  }
0x12d: {  	s17 =	simm.s32 $0x1500;
	s4 =	sshll.u32 s4, $0x4  }
0x12e: {  	[tilespmem:s17], [sflag:$0x2] =	stream.indirect.gather [hbm4b:s5+s13], $0x80, s11, s13, $0xb8;
	[tilespmem:$0x1E200] =	vst v63  }
0x12f: {  	s4 =	sadd.s32 s6, s4;
	s19 =	simm.s32 $0x2900  }
0x130: {  	[tilespmem:s19], [sflag:$0x3] =	stream.linear.gather [hbm4b:s4+s15], $0x1400, $0x38;
	[tilespmem:$0x1E200] =	vst v63  }
0x131: {  	_ =	swait.ge [sflag:s26], $0x1400  }
0x132: {  	[sflag:s26] =	ssyncset.done $0x0  }
0x133: {  	[sflag:s26] =	ssyncadd.s32 $0xFFFFEC00  }
0x134: {  	_ =	swait.ge [sflag:s28], $0x1400  }
0x135: {  	[sflag:s28] =	ssyncset.done $0x0  }
0x136: {  	[sflag:s28] =	ssyncadd.s32 $0xFFFFEC00  }
0x137: {  	_ =	swait.ge [sflag:s29], $0x1400  }
0x138: {  	[sflag:s29] =	ssyncset.done $0x0  }
0x139: {  	s4 =	simm.s32 $0x0;
	[sflag:s29] =	ssyncadd.s32 $0xFFFFEC00  }
0x13a: {  	v1 =	vld [tilespmem:s4+$0x5270]  }
0x13b: {  	v2 =	vld [tilespmem:s4+$0x7A00]  }
0x13c: {  	v3 =	vld [tilespmem:s4+$0x6610]  }
0x13d: {  	v4 =	vld [tilespmem:s4+$0x6670]  }
0x13e: {  	v5 =	vld [tilespmem:s4+$0x6660]  }
0x13f: {  	v6 =	vld [tilespmem:s4+$0x6600]  }
0x140: {  	v7 =	vld [tilespmem:s4+$0x6640]  }
0x141: {  	v8 =	vld [tilespmem:s4+$0x6620]  }
0x142: {  	v9 =	vld [tilespmem:s4+$0x6630]  }
0x143: {  	v10 =	vld [tilespmem:s4+$0x5200]  }
0x144: {  	v11 =	vld [tilespmem:s4+$0x5210]  }
0x145: {  	v12 =	vld [tilespmem:s4+$0x5260]  }
0x146: {  	v13 =	vld [tilespmem:s4+$0x5240]  }
0x147: {  	v15 =	vld [tilespmem:s4+$0x7A20]  }
0x148: {  	v18 =	vld [tilespmem:s4+$0x7A30]  }
0x149: {  	v14 =	vld [tilespmem:s4+$0x5220]  }
0x14a: {  	v19 =	vld [tilespmem:s4+$0x7A10]  }
0x14b: {  	v20 =	vld [tilespmem:s4+$0x5230]  }
0x14c: {  	s15 =	simm.s32 $0x80;
	v21 =	vld [tilespmem:s4+$0x5250]  }
0x14d: {  	v22 =	vld [tilespmem:s15+$0x7A00]  }
0x14e: {  	v24 =	vld [tilespmem:s15+$0x6610];
	v5 =	vadd.f32 v5, v12  }
0x14f: {  	s14 =	simm.s32 $0x100;
	v25 =	vld [tilespmem:s15+$0x5260];
	v16 =	vshll.u32 v18, $0x10  }
0x150: {  	v30 =	vld [tilespmem:s14+$0x6660];
	v8 =	vadd.f32 v8, v14;
	v16 =	vadd.f32 v16, v5  }
0x151: {  	v62 =	vld [tilespmem:s14+$0x5260];
	v14 =	vshll.u32 v19, $0x10  }
0x152: {  	v12 =	vld [tilespmem:s4+$0x6650];
	v14 =	vadd.f32 v14, v8;
	v8 =	vsub.f32 $0.0e+00, v16  }
0x153: {  	v23 =	vand.u32 $0xFFFF0000, v2;
	v4 =	vadd.f32 v4, v1;
	v1 =	vadd.f32 v6, v10;
	v6 =	vld [tilespmem:s15+$0x6670]  }
0x154: {  	v2 =	vshll.u32 v2, $0x10;
	v7 =	vadd.f32 v7, v13;
	v13 =	vld [tilespmem:s15+$0x6660];
	v8 =	vmul.f32 $1.442695020e+00, v8  }
0x155: {  	v3 =	vadd.f32 v3, v11;
	v19 =	vand.u32 $0xFFFF0000, v19;
	v5 =	vld [tilespmem:s15+$0x5270];
	v10 =	vsub.f32 $0.0e+00, v14  }
0x156: {  	v17 =	vadd.f32 v2, v1;
	v1 =	vshll.u32 v15, $0x10;
	v2 =	vld [tilespmem:s15+$0x6600];
	(erf) = vpow2.f32 v8  }
0x157: {  	v32 =	vadd.f32 v30, v62;
	v1 =	vadd.f32 v1, v7;
	v7 =	vld [tilespmem:s15+$0x6640];
	v10 =	vmul.f32 $1.442695020e+00, v10  }
0x158: {  	v26 =	vand.u32 $0xFFFF0000, v22;
	v12 =	vadd.f32 v12, v21;
	v21 =	vld [tilespmem:s15+$0x5240];
	v8 =	vadd.f32 v23, v3  }
0x159: {  	v3 =	vadd.f32 v9, v20;
	v9 =	vand.u32 $0xFFFF0000, v18;
	v20 =	vld [tilespmem:s15+$0x5200];
	(erf) = vpow2.f32 v10  }
0x15a: {  	v10 =	vand.u32 $0xFFFF0000, v15;
	v9 =	vadd.f32 v9, v4;
	v15 =	vld [tilespmem:s15+$0x5210];
	v4 =	vsub.f32 $0.0e+00, v8  }
0x15b: {  	v22 =	vshll.u32 v22, $0x10;
	v6 =	vadd.f32 v6, v5;
	v23 =	vsub.f32 $0.0e+00, v17  }
0x15c: {  	v27 =	vld [tilespmem:s15+$0x5230];
	v18 =	vsub.f32 $0.0e+00, v1;
	v3 =	vadd.f32 v19, v3;
	v4 =	vmul.f32 $1.442695020e+00, v4  }
0x15d: {  	v11 =	vld [tilespmem:s15+$0x6630];
	v23 =	vmul.f32 $1.442695020e+00, v23;
	v21 =	vadd.f32 v7, v21;
	v7 =	vadd.f32 v13, v25  }
0x15e: {  	v19 =	vld [tilespmem:s15+$0x7A20];
	v2 =	vadd.f32 v2, v20;
	v20 =	vsub.f32 $0.0e+00, v3;
	(erf) = vpow2.f32 v4  }
0x15f: {  	v4 =	vadd.f32 v10, v12;
	v12 =	vadd.f32 v24, v15;
	(erf) = vpow2.f32 v23;
	v23 =	vld [tilespmem:s15+$0x7A30];
	v10 =	vpop (erf)  }
0x160: {  	v18 =	vmul.f32 $1.442695020e+00, v18;
	v5 =	vsub.f32 $0.0e+00, v9;
	v15 =	vld [tilespmem:s15+$0x6620];
	v24 =	vadd.f32 $1.000000000e+00, v10  }
0x161: {  	v20 =	vmul.f32 $1.442695020e+00, v20;
	v10 =	vadd.f32 v22, v2;
	v2 =	vadd.f32 v26, v12;
	v12 =	vld [tilespmem:s15+$0x5220]  }
0x162: {  	v13 =	vadd.f32 v11, v27;
	v5 =	vmul.f32 $1.442695020e+00, v5;
	(erf) = vpow2.f32 v18;
	v22 =	vld [tilespmem:s15+$0x7A10]  }
0x163: {  	v11 =	vshll.u32 v19, $0x10;
	v25 =	vsub.f32 $0.0e+00, v4;
	(erf) = vpow2.f32 v20  }
0x164: {  	v18 =	vpop (erf);
	(erf) = vpow2.f32 v5;
	v5 =	vadd.f32 v11, v21;
	v20 =	vshll.u32 v23, $0x10  }
0x165: {  	v18 =	vadd.f32 $1.000000000e+00, v18;
	v23 =	vand.u32 $0xFFFF0000, v23;
	v7 =	vadd.f32 v20, v7  }
0x166: {  	v19 =	vand.u32 $0xFFFF0000, v19;
	v6 =	vadd.f32 v23, v6;
	v11 =	vadd.f32 v15, v12;
	v12 =	vld [tilespmem:s14+$0x7A00]  }
0x167: {  	v28 =	vld [tilespmem:s14+$0x5270];
	v23 =	vmul.f32 $1.442695020e+00, v25;
	v15 =	vsub.f32 $0.0e+00, v7;
	v25 =	vshll.u32 v22, $0x10  }
0x168: {  	v21 =	vld [tilespmem:s15+$0x5250];
	v26 =	vsub.f32 $0.0e+00, v5;
	(erf) = vrcp.f32 v24;
	v27 =	vpop (erf);
	v11 =	vadd.f32 v25, v11  }
0x169: {  	v31 =	vsub.f32 $0.0e+00, v2;
	v20 =	vld [tilespmem:s15+$0x6650];
	(erf) = vrcp.f32 v18;
	v24 =	vpop (erf);
	v15 =	vmul.f32 $1.442695020e+00, v15  }
0x16a: {  	v18 =	vld [tilespmem:s14+$0x6670];
	v22 =	vand.u32 $0xFFFF0000, v22;
	v24 =	vadd.f32 $1.000000000e+00, v24;
	v29 =	vsub.f32 $0.0e+00, v11  }
0x16b: {  	v58 =	vld [tilespmem:s14+$0x6600];
	(erf) = vpow2.f32 v15;
	v15 =	vsub.f32 $0.0e+00, v10;
	v56 =	vand.u32 $0xFFFF0000, v12  }
0x16c: {  	v59 =	vld [tilespmem:s14+$0x6640];
	(erf) = vrcp.f32 v24;
	v24 =	vadd.f32 $1.000000000e+00, v27;
	v29 =	vmul.f32 $1.442695020e+00, v29  }
0x16d: {  	v25 =	vld [tilespmem:s14+$0x6610];
	v27 =	vshll.u32 v12, $0x10;
	v12 =	vmul.f32 $1.442695020e+00, v31;
	(erf) = vpow2.f32 v23  }
0x16e: {  	v13 =	vadd.f32 v22, v13;
	v57 =	vpop (erf);
	v31 =	vld [tilespmem:s14+$0x5200];
	v15 =	vmul.f32 $1.442695020e+00, v15;
	(erf) = vpow2.f32 v29  }
0x16f: {  	v20 =	vadd.f32 v20, v21;
	v21 =	vpop (erf);
	v60 =	vadd.f32 v18, v28;
	v18 =	vld [tilespmem:s14+$0x5210];
	(erf) = vrcp.f32 v24  }
0x170: {  	v61 =	vld [tilespmem:s14+$0x6630];
	v28 =	vadd.f32 $1.000000000e+00, v57;
	v23 =	vpop (erf);
	v24 =	vsub.f32 $0.0e+00, v6;
	(erf) = vpow2.f32 v12  }
0x171: {  	v39 =	vld [tilespmem:s14+$0x5240];
	v26 =	vmul.f32 $1.442695020e+00, v26;
	v23 =	vadd.f32 $1.000000000e+00, v23;
	v38 =	vpop (erf);
	(erf) = vpow2.f32 v15  }
0x172: {  	v40 =	vld [tilespmem:s14+$0x7A20];
	v22 =	vsub.f32 $0.0e+00, v13;
	v21 =	vadd.f32 $1.000000000e+00, v21;
	v15 =	vpop (erf);
	(erf) = vrcp.f32 v28  }
0x173: {  	v63 =	vld [tilespmem:s14+$0x5230];
	v12 =	vadd.f32 v19, v20;
	v20 =	vadd.f32 v58, v31;
	v19 =	vmul.f32 $1.442695020e+00, v24  }
0x174: {  	v28 =	vmul.f32 v15, v14;
	v14 =	vadd.f32 v25, v18;
	v18 =	vld [tilespmem:s14+$0x7A30];
	v24 =	vpop (erf);
	(erf) = vrcp.f32 v23  }
0x175: {  	v15 =	vadd.f32 v27, v20;
	v20 =	vmul.f32 $1.442695020e+00, v22;
	v22 =	vld [tilespmem:s14+$0x6620];
	v23 =	vpop (erf);
	(erf) = vrcp.f32 v21  }
0x176: {  	v33 =	vsub.f32 $0.0e+00, v12;
	v25 =	vadd.f32 $1.000000000e+00, v24;
	v24 =	vld [tilespmem:s14+$0x7A10];
	[tilespmem:s4+$0x8E20] =	vst v28;
	(erf) = vpow2.f32 v26;
	v21 =	vpop (erf)  }
0x177: {  	v14 =	vadd.f32 v56, v14;
	v17 =	vmul.f32 v23, v17;
	v31 =	vld [tilespmem:s14+$0x5220];
	(erf) = vpow2.f32 v20;
	v23 =	vpop (erf)  }
0x178: {  	(erf) = vpow2.f32 v19;
	v19 =	vshll.u32 v40, $0x10;
	v28 =	vadd.f32 $1.000000000e+00, v23;
	v23 =	vpop (erf)  }
0x179: {  	v29 =	vadd.f32 $1.000000000e+00, v21;
	v21 =	vmul.f32 v38, v16;
	v16 =	vadd.f32 v59, v39;
	v27 =	vpop (erf)  }
0x17a: {  	v20 =	vadd.f32 v61, v63;
	[tilespmem:s4+$0x8E00] =	vst v17;
	v34 =	vshll.u32 v18, $0x10;
	v17 =	vand.u32 $0xFFFF0000, v18;
	v30 =	vpop (erf)  }
0x17b: {  	s16 =	simm.s32 $0x600;
	v18 =	vand.u32 $0xFFFF0000, v40;
	v16 =	vadd.f32 v19, v16;
	v26 =	vld [tilespmem:s14+$0x6650];
	v17 =	vadd.f32 v17, v60;
	v19 =	vpop (erf)  }
.LBB2_7:
0x17c: {  	s17 =	sshra.s32 s16, $0x2;
	p0 =	sne.s32 s16, $0x4E00;
	s16 =	sadd.s32 $0x200, s16;
	v40 =	vadd.f32 v22, v31;
	v31 =	vld [tilespmem:s14+$0x5250];
	v33 =	vmul.f32 $1.442695020e+00, v33;
	v35 =	vmovc v7;
	v7 =	vadd.f32 v34, v32;
	v32 =	vmovc v10  }
0x17d: {  	v10 =	vshll.u32 v24, $0x10;
	v34 =	vld [tilespmem:s17+$0x5270];
	v36 =	vsub.f32 $0.0e+00, v16;
	(erf) = vrcp.f32 v29;
	v29 =	vpop (erf)  }
0x17e: {  	v8 =	vmul.f32 v23, v8;
	v37 =	vld [tilespmem:s17+$0x7A00];
	v38 =	vadd.f32 v10, v40;
	v10 =	vsub.f32 $0.0e+00, v7;
	v22 =	vpop (erf)  }
0x17f: {  	v24 =	vand.u32 $0xFFFF0000, v24;
	v9 =	vmul.f32 v29, v9;
	v23 =	vld [tilespmem:s17+$0x6610];
	v36 =	vmul.f32 $1.442695020e+00, v36;
	v39 =	vpop (erf);
	[tilespmem:s4+$0x8E60] =	vst v21  }
0x180: {  	v29 =	vsub.f32 $0.0e+00, v15;
	v21 =	vld [tilespmem:s17+$0x6670];
	v43 =	vmul.f32 $1.442695020e+00, v10;
	v40 =	vpop (erf);
	(erf) = vrcp.f32 v25;
	[tilespmem:s4+$0x8E10] =	vst v8  }
0x181: {  	v45 =	vsub.f32 $0.0e+00, v38;
	v25 =	vadd.f32 $1.000000000e+00, v30;
	v41 =	vld [tilespmem:s17+$0x6660];
	(erf) = vrcp.f32 v28;
	v28 =	vpop (erf);
	[tilespmem:s4+$0x8E70] =	vst v9  }
0x182: {  	v42 =	vsub.f32 $0.0e+00, v14;
	v46 =	vmul.f32 v22, v3;
	v3 =	vmovc v13;
	v30 =	vld [tilespmem:s17+$0x6600];
	(erf) = vpow2.f32 v43;
	v10 =	vmovc v15  }
0x183: {  	v8 =	vmovc v2;
	v2 =	vmovc v14;
	v13 =	vmul.f32 $1.442695020e+00, v45;
	v15 =	vadd.f32 v26, v31;
	v43 =	vand.u32 $0xFFFF0000, v37;
	v44 =	vld [tilespmem:s17+$0x6640]  }
0x184: {  	v14 =	vmul.f32 $1.442695020e+00, v29;
	v26 =	vadd.f32 $1.000000000e+00, v27;
	v9 =	vmovc v6;
	v6 =	vmovc v17;
	v22 =	vld [tilespmem:s17+$0x6620];
	(erf) = vrcp.f32 v25;
	[tilespmem:s4+$0x8E30] =	vst v46  }
0x185: {  	v17 =	vshll.u32 v37, $0x10;
	v25 =	vmul.f32 $1.442695020e+00, v42;
	v27 =	vld [tilespmem:s17+$0x6630];
	(erf) = vpow2.f32 v33  }
0x186: {  	v37 =	vadd.f32 v21, v34;
	v29 =	vld [tilespmem:s17+$0x5200];
	(erf) = vpow2.f32 v13;
	v13 =	vmul.f32 v19, v1;
	v1 =	vpop (erf)  }
0x187: {  	v21 =	vadd.f32 $1.000000000e+00, v28;
	v19 =	vld [tilespmem:s17+$0x5210];
	(erf) = vrcp.f32 v26;
	v26 =	vmul.f32 v1, v4;
	v4 =	vmovc v12;
	v1 =	vmovc v5  }
0x188: {  	v31 =	vadd.f32 $1.000000000e+00, v39;
	v28 =	vsub.f32 $0.0e+00, v6;
	v5 =	vmovc v16;
	v33 =	vld [tilespmem:s17+$0x5260];
	(erf) = vpow2.f32 v25;
	[tilespmem:s4+$0x8E40] =	vst v13  }
0x189: {  	v13 =	vadd.f32 v24, v20;
	v16 =	vld [tilespmem:s17+$0x5240];
	(erf) = vpow2.f32 v14;
	v14 =	vadd.f32 $1.000000000e+00, v40;
	v20 =	vpop (erf);
	[tilespmem:s4+$0x8E50] =	vst v26;
	s4 =	smov.u32 s15;
	s15 =	smov.u32 s14;
	s14 =	smov.u32 s17  }
0x18a: {  	v12 =	vadd.f32 v18, v15;
	v18 =	vmul.f32 $1.442695020e+00, v28;
	v39 =	vld [tilespmem:s14+$0x7A20];
	v15 =	vpop (erf);
	(erf) = vrcp.f32 v31  }
0x18b: {  	v28 =	vsub.f32 $0.0e+00, v13;
	v26 =	vadd.f32 v30, v29;
	v30 =	vld [tilespmem:s14+$0x5230];
	v25 =	vpop (erf);
	v29 =	vmul.f32 v15, v11  }
0x18c: {  	v11 =	vmovc v38;
	v19 =	vadd.f32 v23, v19;
	v24 =	vld [tilespmem:s14+$0x7A10];
	v25 =	vadd.f32 $1.000000000e+00, v25;
	(erf) = vrcp.f32 v21  }
0x18d: {  	v21 =	vmul.f32 $1.442695020e+00, v28;
	v15 =	vadd.f32 v17, v26;
	v17 =	vld [tilespmem:s14+$0x7A30];
	[tilespmem:s4+$0x8E20] =	vst v29;
	v23 =	vpop (erf);
	(erf) = vrcp.f32 v14  }
0x18e: {  	v14 =	vadd.f32 v43, v19;
	(erf) = vpow2.f32 v36;
	v19 =	vmul.f32 v23, v32;
	v23 =	vpop (erf)  }
.Ltmp2:
0x18f: {  	v31 =	vld [tilespmem:s14+$0x5220];
	v26 =	vpop (erf);
	(erf) = vpow2.f32 v21;
	v29 =	vadd.f32 $1.000000000e+00, v23;
	v21 =	vmul.f32 v20, v35;
	(pc) =	sbr.rel @p0 .LBB2_7-.Ltmp2, $4  }
0x190: {  	v16 =	vadd.f32 v44, v16;
	v28 =	vadd.f32 $1.000000000e+00, v26;
	(erf) = vpow2.f32 v18;
	v23 =	vpop (erf)  }
0x191: {  	v32 =	vadd.f32 v41, v33;
	v20 =	vadd.f32 v27, v30;
	v18 =	vshll.u32 v39, $0x10;
	v27 =	vpop (erf);
	[tilespmem:s4+$0x8E00] =	vst v19  }
0x192: {  	v33 =	vsub.f32 $0.0e+00, v12;
	v34 =	vshll.u32 v17, $0x10;
	v17 =	vand.u32 $0xFFFF0000, v17;
	v30 =	vpop (erf)  }
0x193: {  	v16 =	vadd.f32 v18, v16;
	v18 =	vand.u32 $0xFFFF0000, v39;
	v26 =	vld [tilespmem:s14+$0x6650];
	v17 =	vadd.f32 v17, v37;
	v19 =	vpop (erf)  }
0x194: {  	v32 =	vadd.f32 v34, v32  }
0x195: {  	v22 =	vadd.f32 v22, v31  }
0x196: {  	v48 =	vshll.u32 v24, $0x10;
	v34 =	vsub.f32 $0.0e+00, v32  }
0x197: {  	(erf) = vrcp.f32 v29;
	v22 =	vadd.f32 v48, v22  }
0x198: {  	(erf) = vrcp.f32 v25;
	v49 =	vmul.f32 $1.442695020e+00, v34  }
0x199: {  	v30 =	vadd.f32 $1.000000000e+00, v30;
	(erf) = vrcp.f32 v28;
	v50 =	vsub.f32 $0.0e+00, v22  }
0x19a: {  	v51 =	vmul.f32 $1.442695020e+00, v33;
	(erf) = vpow2.f32 v49  }
0x19b: {  	v52 =	vsub.f32 $0.0e+00, v14;
	v29 =	vpop (erf);
	v25 =	vmul.f32 $1.442695020e+00, v50;
	(erf) = vrcp.f32 v30  }
0x19c: {  	v54 =	vsub.f32 $0.0e+00, v15;
	v27 =	vadd.f32 $1.000000000e+00, v27;
	v53 =	vpop (erf);
	(erf) = vpow2.f32 v51  }
0x19d: {  	v31 =	vmul.f32 $1.442695020e+00, v52;
	v55 =	vpop (erf);
	(erf) = vpow2.f32 v25  }
0x19e: {  	v33 =	vmul.f32 $1.442695020e+00, v54;
	v56 =	vpop (erf);
	(erf) = vrcp.f32 v27  }
0x19f: {  	v57 =	vpop (erf);
	(erf) = vpow2.f32 v31  }
0x1a0: {  	v58 =	vld [tilespmem:s14+$0x5250];
	v59 =	vand.u32 $0xFFFF0000, v24;
	v60 =	vpop (erf);
	(erf) = vpow2.f32 v33  }
0x1a1: {  	v20 =	vadd.f32 v59, v20;
	v28 =	vadd.f32 $1.000000000e+00, v55;
	v24 =	vpop (erf)  }
0x1a2: {  	v61 =	vsub.f32 $0.0e+00, v16;
	v27 =	vadd.f32 $1.000000000e+00, v57;
	v35 =	vpop (erf)  }
0x1a3: {  	v62 =	vsub.f32 $0.0e+00, v20;
	v25 =	vadd.f32 $1.000000000e+00, v56;
	(erf) = vrcp.f32 v28;
	v36 =	vpop (erf)  }
0x1a4: {  	v37 =	vsub.f32 $0.0e+00, v17;
	v33 =	vmul.f32 $1.442695020e+00, v61;
	(erf) = vrcp.f32 v27;
	v63 =	vpop (erf)  }
0x1a5: {  	v26 =	vadd.f32 v26, v58;
	v28 =	vmul.f32 $1.442695020e+00, v62;
	(erf) = vrcp.f32 v25;
	v39 =	vpop (erf)  }
0x1a6: {  	v40 =	vmul.f32 $1.442695020e+00, v37;
	(erf) = vpow2.f32 v33;
	v41 =	vpop (erf)  }
0x1a7: {  	v18 =	vadd.f32 v18, v26;
	(erf) = vpow2.f32 v28;
	v25 =	vadd.f32 $1.000000000e+00, v39;
	v42 =	vpop (erf)  }
0x1a8: {  	v43 =	vadd.f32 $1.000000000e+00, v36;
	(erf) = vpow2.f32 v40;
	v44 =	vpop (erf)  }
0x1a9: {  	v45 =	vsub.f32 $0.0e+00, v18;
	v33 =	vadd.f32 $1.000000000e+00, v41;
	(erf) = vrcp.f32 v25;
	v46 =	vpop (erf)  }
0x1aa: {  	(erf) = vrcp.f32 v43;
	v25 =	vadd.f32 $1.000000000e+00, v46  }
0x1ab: {  	v47 =	vmul.f32 $1.442695020e+00, v45;
	(erf) = vrcp.f32 v33  }
0x1ac: {  	v48 =	vpop (erf);
	(erf) = vrcp.f32 v25  }
0x1ad: {  	v49 =	vpop (erf);
	(erf) = vpow2.f32 v47  }
0x1ae: {  	v8 =	vmul.f32 v23, v8;
	v50 =	vpop (erf)  }
0x1af: {  	[tilespmem:s4+$0x8E60] =	vst v21;
	v1 =	vmul.f32 v19, v1;
	v51 =	vpop (erf)  }
0x1b0: {  	[tilespmem:s4+$0x8E10] =	vst v8;
	v3 =	vmul.f32 v53, v3;
	v52 =	vpop (erf)  }
0x1b1: {  	v9 =	vmul.f32 v29, v9;
	[tilespmem:s4+$0x8E40] =	vst v1;
	v53 =	vpop (erf)  }
0x1b2: {  	[tilespmem:s4+$0x8E30] =	vst v3;
	v3 =	vmul.f32 v60, v4;
	v54 =	vadd.f32 $1.000000000e+00, v44;
	v55 =	vpop (erf)  }
0x1b3: {  	[tilespmem:s4+$0x8E70] =	vst v9;
	v1 =	vmul.f32 v35, v11;
	v56 =	vadd.f32 $1.000000000e+00, v51;
	v57 =	vpop (erf)  }
0x1b4: {  	[tilespmem:s4+$0x8E50] =	vst v3;
	v3 =	vmul.f32 v63, v10;
	(erf) = vrcp.f32 v54;
	v8 =	vadd.f32 $1.000000000e+00, v53;
	v58 =	vpop (erf)  }
0x1b5: {  	[tilespmem:s15+$0x8E20] =	vst v1;
	v2 =	vmul.f32 v42, v2;
	v59 =	vadd.f32 $1.000000000e+00, v52;
	(erf) = vrcp.f32 v56;
	v60 =	vpop (erf)  }
0x1b6: {  	v1 =	vmul.f32 v24, v7;
	[tilespmem:s15+$0x8E00] =	vst v3;
	(erf) = vrcp.f32 v8;
	v61 =	vpop (erf)  }
0x1b7: {  	[tilespmem:s15+$0x8E10] =	vst v2;
	v2 =	vmul.f32 v50, v13;
	(erf) = vrcp.f32 v59;
	v3 =	vadd.f32 $1.000000000e+00, v61  }
0x1b8: {  	[tilespmem:s15+$0x8E60] =	vst v1;
	v1 =	vmul.f32 v49, v6  }
0x1b9: {  	[tilespmem:s15+$0x8E30] =	vst v2;
	v2 =	vmul.f32 v55, v12;
	(erf) = vrcp.f32 v3  }
0x1ba: {  	[tilespmem:s15+$0x8E70] =	vst v1;
	v1 =	vmul.f32 v48, v5  }
0x1bb: {  	[tilespmem:s15+$0x8E50] =	vst v2;
	v2 =	vmul.f32 v60, v15  }
0x1bc: {  	[tilespmem:s15+$0x8E40] =	vst v1;
	v1 =	vmul.f32 v58, v22  }
0x1bd: {  	v3 =	vpop (erf)  }
0x1be: {  	[tilespmem:s14+$0x8E20] =	vst v1;
	v1 =	vmul.f32 v57, v32;
	v62 =	vpop (erf);
	v3 =	vmul.f32 v3, v14  }
0x1bf: {  	[tilespmem:s14+$0x8E00] =	vst v2;
	v2 =	vpop (erf)  }
0x1c0: {  	[tilespmem:s14+$0x8E60] =	vst v1;
	v63 =	vpop (erf);
	v1 =	vmul.f32 v2, v17  }
0x1c1: {  	[tilespmem:s14+$0x8E10] =	vst v3;
	v2 =	vmul.f32 v63, v20  }
0x1c2: {  	[tilespmem:s14+$0x8E70] =	vst v1;
	v1 =	vmul.f32 v62, v16;
	v3 =	vpop (erf)  }
0x1c3: {  	s0 =	sadd.s32 $0x1, s0;
	[tilespmem:s14+$0x8E30] =	vst v2;
	v2 =	vmul.f32 v3, v18  }
0x1c4: {  	p0 =	sne.s32 s0, $0x7C;
	[tilespmem:s14+$0x8E40] =	vst v1  }
.Ltmp3:
0x1c5: {  	[tilespmem:s14+$0x8E50] =	vst v2;
	(pc) =	sbr.rel @p0 .LBB2_4-.Ltmp3, $4  }
0x1c6: {  	[spmem:s2] =	stream.indirect.scatter.add.f32 [tilespmem:s30], [sflag:$0x7], $0x80, s20, s13, $0xb8;
	[tilespmem:$0x1E200] =	vst v63  }
0x1c7: {  	_ =	swait.ge [sflag:s10], $0x1400  }
0x1c8: {  	[sflag:s10] =	ssyncset.done $0x0  }
0x1c9: {  	[sflag:s10] =	ssyncadd.s32 $0xFFFFEC00  }
0x1ca: {  	s0 =	rddreg [dreg:$0x7]  }
0x1cb: {  	[tilespmem:s18], [sflag:$0x7] =	stream.strided.gather [hbm4b:s0+s11], $0x100, s12, s11, $0x38;
	[tilespmem:$0x1E200] =	vst v63  }
0x1cc: {  	_ =	swait.ge [sflag:s10], $0x100  }
0x1cd: {  	[sflag:s10] =	ssyncset.done $0x0  }
0x1ce: {  	s17 =	simm.s32 $0x5200;
	[sflag:s10] =	ssyncadd.s32 $0xFFFFFF00  }
0x1cf: {  	[tilespmem:s17], [sflag:$0x4] =	stream.indirect.gather [hbm4b:s1+s13], $0x80, s18, s13, $0xb8;
	[tilespmem:$0x1E200] =	vst v63  }
0x1d0: {  	_ = 	snop  }
0x1d1: {  	[tilespmem:s21], [sflag:$0x5] =	stream.indirect.gather [hbm4b:s5+s13], $0x80, s20, s13, $0xb8;
	[tilespmem:$0x1E200] =	vst v63  }
0x1d2: {  	s19 =	simm.s32 $0x0;
	s4 =	rddreg [dreg:$0x8]  }
0x1d3: {  	[tilespmem:s22], [sflag:$0x6] =	stream.linear.gather [hbm4b:s4+s19], $0x1400, $0x38;
	[tilespmem:$0x1E200] =	vst v63  }
0x1d4: {  	_ =	swait.ge [sflag:s23], $0x1400  }
0x1d5: {  	[sflag:s23] =	ssyncset.done $0x0  }
0x1d6: {  	[sflag:s23] =	ssyncadd.s32 $0xFFFFEC00  }
0x1d7: {  	_ =	swait.ge [sflag:s24], $0x1400  }
0x1d8: {  	[sflag:s24] =	ssyncset.done $0x0  }
0x1d9: {  	[sflag:s24] =	ssyncadd.s32 $0xFFFFEC00  }
0x1da: {  	_ =	swait.ge [sflag:s25], $0x1400  }
0x1db: {  	[sflag:s25] =	ssyncset.done $0x0  }
0x1dc: {  	s4 =	simm.s32 $0x0;
	[sflag:s25] =	ssyncadd.s32 $0xFFFFEC00  }
0x1dd: {  	v1 =	vld [tilespmem:s4+$0x170]  }
0x1de: {  	v2 =	vld [tilespmem:s4+$0x2900]  }
0x1df: {  	v3 =	vld [tilespmem:s4+$0x1510]  }
0x1e0: {  	v4 =	vld [tilespmem:s4+$0x1570]  }
0x1e1: {  	v5 =	vld [tilespmem:s4+$0x1560]  }
0x1e2: {  	v6 =	vld [tilespmem:s4+$0x1500]  }
0x1e3: {  	v7 =	vld [tilespmem:s4+$0x1540]  }
0x1e4: {  	v8 =	vld [tilespmem:s4+$0x1520]  }
0x1e5: {  	v9 =	vld [tilespmem:s4+$0x1530]  }
0x1e6: {  	v10 =	vld [tilespmem:s4+$0x100]  }
0x1e7: {  	v11 =	vld [tilespmem:s4+$0x110]  }
0x1e8: {  	v12 =	vld [tilespmem:s4+$0x160]  }
0x1e9: {  	v13 =	vld [tilespmem:s4+$0x140]  }
0x1ea: {  	v15 =	vld [tilespmem:s4+$0x2920]  }
0x1eb: {  	v18 =	vld [tilespmem:s4+$0x2930]  }
0x1ec: {  	v14 =	vld [tilespmem:s4+$0x120]  }
0x1ed: {  	v19 =	vld [tilespmem:s4+$0x2910]  }
0x1ee: {  	v20 =	vld [tilespmem:s4+$0x130]  }
0x1ef: {  	s0 =	simm.s32 $0x80;
	v21 =	vld [tilespmem:s4+$0x150];
	v5 =	vadd.f32 v5, v12  }
0x1f0: {  	v22 =	vld [tilespmem:s0+$0x2900];
	v16 =	vshll.u32 v18, $0x10  }
0x1f1: {  	v24 =	vld [tilespmem:s0+$0x1510];
	v8 =	vadd.f32 v8, v14;
	v16 =	vadd.f32 v16, v5  }
0x1f2: {  	v25 =	vld [tilespmem:s0+$0x160];
	v14 =	vshll.u32 v19, $0x10  }
0x1f3: {  	v12 =	vld [tilespmem:s4+$0x1550];
	v23 =	vand.u32 $0xFFFF0000, v2;
	v14 =	vadd.f32 v14, v8;
	v8 =	vsub.f32 $0.0e+00, v16  }
0x1f4: {  	v2 =	vshll.u32 v2, $0x10;
	v4 =	vadd.f32 v4, v1;
	v1 =	vadd.f32 v6, v10;
	v6 =	vld [tilespmem:s0+$0x1570]  }
0x1f5: {  	v7 =	vadd.f32 v7, v13;
	v13 =	vld [tilespmem:s0+$0x1560];
	v3 =	vadd.f32 v3, v11;
	v8 =	vmul.f32 $1.442695020e+00, v8  }
0x1f6: {  	v5 =	vld [tilespmem:s0+$0x170];
	v17 =	vadd.f32 v2, v1;
	v1 =	vshll.u32 v15, $0x10;
	v10 =	vsub.f32 $0.0e+00, v14  }
0x1f7: {  	v19 =	vand.u32 $0xFFFF0000, v19;
	v1 =	vadd.f32 v1, v7;
	v7 =	vld [tilespmem:s0+$0x1540];
	(erf) = vpow2.f32 v8  }
0x1f8: {  	v26 =	vand.u32 $0xFFFF0000, v22;
	v12 =	vadd.f32 v12, v21;
	v21 =	vld [tilespmem:s0+$0x140];
	v10 =	vmul.f32 $1.442695020e+00, v10  }
0x1f9: {  	v22 =	vshll.u32 v22, $0x10;
	v2 =	vld [tilespmem:s0+$0x1500];
	v8 =	vadd.f32 v23, v3;
	v3 =	vadd.f32 v9, v20  }
0x1fa: {  	v9 =	vand.u32 $0xFFFF0000, v18;
	v18 =	vsub.f32 $0.0e+00, v1;
	v20 =	vld [tilespmem:s0+$0x100];
	(erf) = vpow2.f32 v10  }
0x1fb: {  	v10 =	vand.u32 $0xFFFF0000, v15;
	v9 =	vadd.f32 v9, v4;
	v15 =	vld [tilespmem:s0+$0x110];
	v4 =	vsub.f32 $0.0e+00, v8  }
0x1fc: {  	v27 =	vld [tilespmem:s0+$0x130];
	v6 =	vadd.f32 v6, v5;
	v23 =	vsub.f32 $0.0e+00, v17;
	v18 =	vmul.f32 $1.442695020e+00, v18  }
0x1fd: {  	v11 =	vld [tilespmem:s0+$0x1530];
	v3 =	vadd.f32 v19, v3;
	v21 =	vadd.f32 v7, v21;
	v4 =	vmul.f32 $1.442695020e+00, v4  }
0x1fe: {  	v23 =	vmul.f32 $1.442695020e+00, v23;
	v19 =	vld [tilespmem:s0+$0x2920];
	v7 =	vadd.f32 v13, v25;
	v5 =	vsub.f32 $0.0e+00, v9  }
0x1ff: {  	v2 =	vadd.f32 v2, v20;
	v20 =	vsub.f32 $0.0e+00, v3;
	(erf) = vpow2.f32 v4  }
0x200: {  	v4 =	vadd.f32 v10, v12;
	v12 =	vadd.f32 v24, v15;
	(erf) = vpow2.f32 v23;
	v23 =	vld [tilespmem:s0+$0x2930];
	v10 =	vpop (erf)  }
0x201: {  	v5 =	vmul.f32 $1.442695020e+00, v5;
	v15 =	vld [tilespmem:s0+$0x1520];
	v20 =	vmul.f32 $1.442695020e+00, v20;
	v24 =	vadd.f32 $1.000000000e+00, v10  }
0x202: {  	(erf) = vpow2.f32 v18;
	v10 =	vadd.f32 v22, v2;
	v2 =	vadd.f32 v26, v12;
	v12 =	vld [tilespmem:s0+$0x120]  }
0x203: {  	v13 =	vadd.f32 v11, v27;
	v11 =	vshll.u32 v19, $0x10;
	(erf) = vpow2.f32 v20;
	v22 =	vld [tilespmem:s0+$0x2910]  }
0x204: {  	s14 =	simm.s32 $0x100;
	v18 =	vpop (erf);
	(erf) = vpow2.f32 v5;
	v5 =	vadd.f32 v11, v21  }
0x205: {  	v28 =	vld [tilespmem:s14+$0x170];
	v25 =	vsub.f32 $0.0e+00, v4;
	v18 =	vadd.f32 $1.000000000e+00, v18;
	v20 =	vshll.u32 v23, $0x10  }
0x206: {  	v30 =	vld [tilespmem:s14+$0x1560];
	v23 =	vand.u32 $0xFFFF0000, v23;
	v26 =	vsub.f32 $0.0e+00, v5;
	v7 =	vadd.f32 v20, v7  }
0x207: {  	v19 =	vand.u32 $0xFFFF0000, v19;
	v6 =	vadd.f32 v23, v6;
	v11 =	vadd.f32 v15, v12;
	v12 =	vld [tilespmem:s14+$0x2900]  }
0x208: {  	v34 =	vld [tilespmem:s14+$0x1500];
	v23 =	vmul.f32 $1.442695020e+00, v25;
	v15 =	vsub.f32 $0.0e+00, v7;
	v25 =	vshll.u32 v22, $0x10  }
0x209: {  	v21 =	vld [tilespmem:s0+$0x150];
	v26 =	vmul.f32 $1.442695020e+00, v26;
	v27 =	vpop (erf);
	(erf) = vrcp.f32 v24;
	v11 =	vadd.f32 v25, v11  }
0x20a: {  	v31 =	vsub.f32 $0.0e+00, v2;
	v20 =	vld [tilespmem:s0+$0x1550];
	v24 =	vpop (erf);
	(erf) = vrcp.f32 v18;
	v15 =	vmul.f32 $1.442695020e+00, v15  }
0x20b: {  	v22 =	vand.u32 $0xFFFF0000, v22;
	v18 =	vld [tilespmem:s14+$0x1570];
	v24 =	vadd.f32 $1.000000000e+00, v24;
	v29 =	vsub.f32 $0.0e+00, v11  }
0x20c: {  	v35 =	vld [tilespmem:s14+$0x1540];
	(erf) = vpow2.f32 v15;
	v15 =	vsub.f32 $0.0e+00, v10;
	v32 =	vand.u32 $0xFFFF0000, v12  }
0x20d: {  	v37 =	vld [tilespmem:s14+$0x1530];
	(erf) = vrcp.f32 v24;
	v24 =	vadd.f32 $1.000000000e+00, v27;
	v29 =	vmul.f32 $1.442695020e+00, v29  }
0x20e: {  	v27 =	vshll.u32 v12, $0x10;
	v12 =	vmul.f32 $1.442695020e+00, v31;
	v31 =	vld [tilespmem:s14+$0x100];
	(erf) = vpow2.f32 v23  }
0x20f: {  	v13 =	vadd.f32 v22, v13;
	v25 =	vld [tilespmem:s14+$0x1510];
	v33 =	vpop (erf);
	v15 =	vmul.f32 $1.442695020e+00, v15;
	(erf) = vpow2.f32 v29  }
0x210: {  	v20 =	vadd.f32 v20, v21;
	v21 =	vpop (erf);
	v36 =	vadd.f32 v18, v28;
	v18 =	vld [tilespmem:s14+$0x110];
	(erf) = vrcp.f32 v24  }
0x211: {  	v62 =	vld [tilespmem:s14+$0x160];
	v23 =	vpop (erf);
	v28 =	vadd.f32 $1.000000000e+00, v33;
	v24 =	vsub.f32 $0.0e+00, v6;
	(erf) = vpow2.f32 v12  }
0x212: {  	v39 =	vld [tilespmem:s14+$0x140];
	v21 =	vadd.f32 $1.000000000e+00, v21;
	v23 =	vadd.f32 $1.000000000e+00, v23;
	v38 =	vpop (erf);
	(erf) = vpow2.f32 v15  }
0x213: {  	v40 =	vld [tilespmem:s14+$0x2920];
	v12 =	vadd.f32 v19, v20;
	v20 =	vadd.f32 v34, v31;
	v15 =	vpop (erf);
	(erf) = vrcp.f32 v28  }
0x214: {  	v63 =	vld [tilespmem:s14+$0x130];
	v22 =	vsub.f32 $0.0e+00, v13;
	v19 =	vmul.f32 $1.442695020e+00, v24;
	v28 =	vmul.f32 v15, v14  }
0x215: {  	v14 =	vadd.f32 v25, v18;
	v15 =	vadd.f32 v27, v20;
	v18 =	vld [tilespmem:s14+$0x2930];
	v24 =	vpop (erf);
	(erf) = vrcp.f32 v23  }
0x216: {  	v20 =	vmul.f32 $1.442695020e+00, v22;
	v22 =	vld [tilespmem:s14+$0x1520];
	v33 =	vsub.f32 $0.0e+00, v12;
	v23 =	vpop (erf);
	(erf) = vrcp.f32 v21  }
0x217: {  	v25 =	vadd.f32 $1.000000000e+00, v24;
	v14 =	vadd.f32 v32, v14;
	v24 =	vld [tilespmem:s14+$0x2910];
	[tilespmem:s4+$0x3D20] =	vst v28;
	(erf) = vpow2.f32 v26;
	v21 =	vpop (erf)  }
0x218: {  	v32 =	vadd.f32 v30, v62;
	v17 =	vmul.f32 v23, v17;
	v31 =	vld [tilespmem:s14+$0x120];
	(erf) = vpow2.f32 v20;
	v23 =	vpop (erf)  }
0x219: {  	(erf) = vpow2.f32 v19;
	v19 =	vshll.u32 v40, $0x10;
	v28 =	vadd.f32 $1.000000000e+00, v23;
	v23 =	vpop (erf)  }
0x21a: {  	v29 =	vadd.f32 $1.000000000e+00, v21;
	v21 =	vmul.f32 v38, v16;
	v16 =	vadd.f32 v35, v39;
	v27 =	vpop (erf)  }
0x21b: {  	v20 =	vadd.f32 v37, v63;
	[tilespmem:s4+$0x3D00] =	vst v17;
	v34 =	vshll.u32 v18, $0x10;
	v17 =	vand.u32 $0xFFFF0000, v18;
	v30 =	vpop (erf)  }
0x21c: {  	s15 =	simm.s32 $0x600;
	v18 =	vand.u32 $0xFFFF0000, v40;
	v16 =	vadd.f32 v19, v16;
	v26 =	vld [tilespmem:s14+$0x1550];
	v17 =	vadd.f32 v17, v36;
	v19 =	vpop (erf)  }
.LBB2_10:
0x21d: {  	s16 =	sshra.s32 s15, $0x2;
	p0 =	sne.s32 s15, $0x4E00;
	s15 =	sadd.s32 $0x200, s15;
	v40 =	vadd.f32 v22, v31;
	v31 =	vld [tilespmem:s14+$0x150];
	v33 =	vmul.f32 $1.442695020e+00, v33;
	v35 =	vmovc v7;
	v7 =	vadd.f32 v34, v32;
	v32 =	vmovc v10  }
0x21e: {  	v10 =	vshll.u32 v24, $0x10;
	v34 =	vld [tilespmem:s16+$0x170];
	v36 =	vsub.f32 $0.0e+00, v16;
	(erf) = vrcp.f32 v29;
	v29 =	vpop (erf)  }
0x21f: {  	v8 =	vmul.f32 v23, v8;
	v37 =	vld [tilespmem:s16+$0x2900];
	v38 =	vadd.f32 v10, v40;
	v10 =	vsub.f32 $0.0e+00, v7;
	v22 =	vpop (erf)  }
0x220: {  	v24 =	vand.u32 $0xFFFF0000, v24;
	v9 =	vmul.f32 v29, v9;
	v23 =	vld [tilespmem:s16+$0x1510];
	v36 =	vmul.f32 $1.442695020e+00, v36;
	v39 =	vpop (erf);
	[tilespmem:s4+$0x3D60] =	vst v21  }
0x221: {  	v29 =	vsub.f32 $0.0e+00, v15;
	v21 =	vld [tilespmem:s16+$0x1570];
	v43 =	vmul.f32 $1.442695020e+00, v10;
	v40 =	vpop (erf);
	(erf) = vrcp.f32 v25;
	[tilespmem:s4+$0x3D10] =	vst v8  }
0x222: {  	v45 =	vsub.f32 $0.0e+00, v38;
	v25 =	vadd.f32 $1.000000000e+00, v30;
	v41 =	vld [tilespmem:s16+$0x1560];
	(erf) = vrcp.f32 v28;
	v28 =	vpop (erf);
	[tilespmem:s4+$0x3D70] =	vst v9  }
0x223: {  	v42 =	vsub.f32 $0.0e+00, v14;
	v46 =	vmul.f32 v22, v3;
	v3 =	vmovc v13;
	v30 =	vld [tilespmem:s16+$0x1500];
	(erf) = vpow2.f32 v43;
	v10 =	vmovc v15  }
0x224: {  	v8 =	vmovc v2;
	v2 =	vmovc v14;
	v13 =	vmul.f32 $1.442695020e+00, v45;
	v15 =	vadd.f32 v26, v31;
	v43 =	vand.u32 $0xFFFF0000, v37;
	v44 =	vld [tilespmem:s16+$0x1540]  }
0x225: {  	v14 =	vmul.f32 $1.442695020e+00, v29;
	v26 =	vadd.f32 $1.000000000e+00, v27;
	v9 =	vmovc v6;
	v6 =	vmovc v17;
	v22 =	vld [tilespmem:s16+$0x1520];
	(erf) = vrcp.f32 v25;
	[tilespmem:s4+$0x3D30] =	vst v46  }
0x226: {  	v17 =	vshll.u32 v37, $0x10;
	v25 =	vmul.f32 $1.442695020e+00, v42;
	v27 =	vld [tilespmem:s16+$0x1530];
	(erf) = vpow2.f32 v33  }
0x227: {  	v37 =	vadd.f32 v21, v34;
	v29 =	vld [tilespmem:s16+$0x100];
	(erf) = vpow2.f32 v13;
	v13 =	vmul.f32 v19, v1;
	v1 =	vpop (erf)  }
0x228: {  	v21 =	vadd.f32 $1.000000000e+00, v28;
	v19 =	vld [tilespmem:s16+$0x110];
	(erf) = vrcp.f32 v26;
	v26 =	vmul.f32 v1, v4;
	v4 =	vmovc v12;
	v1 =	vmovc v5  }
0x229: {  	v31 =	vadd.f32 $1.000000000e+00, v39;
	v28 =	vsub.f32 $0.0e+00, v6;
	v5 =	vmovc v16;
	v33 =	vld [tilespmem:s16+$0x160];
	(erf) = vpow2.f32 v25;
	[tilespmem:s4+$0x3D40] =	vst v13  }
0x22a: {  	v13 =	vadd.f32 v24, v20;
	v16 =	vld [tilespmem:s16+$0x140];
	(erf) = vpow2.f32 v14;
	v14 =	vadd.f32 $1.000000000e+00, v40;
	v20 =	vpop (erf);
	[tilespmem:s4+$0x3D50] =	vst v26;
	s4 =	smov.u32 s0;
	s0 =	smov.u32 s14;
	s14 =	smov.u32 s16  }
0x22b: {  	v12 =	vadd.f32 v18, v15;
	v18 =	vmul.f32 $1.442695020e+00, v28;
	v39 =	vld [tilespmem:s14+$0x2920];
	v15 =	vpop (erf);
	(erf) = vrcp.f32 v31  }
0x22c: {  	v28 =	vsub.f32 $0.0e+00, v13;
	v26 =	vadd.f32 v30, v29;
	v30 =	vld [tilespmem:s14+$0x130];
	v25 =	vpop (erf);
	v29 =	vmul.f32 v15, v11  }
0x22d: {  	v11 =	vmovc v38;
	v19 =	vadd.f32 v23, v19;
	v24 =	vld [tilespmem:s14+$0x2910];
	v25 =	vadd.f32 $1.000000000e+00, v25;
	(erf) = vrcp.f32 v21  }
0x22e: {  	v21 =	vmul.f32 $1.442695020e+00, v28;
	v15 =	vadd.f32 v17, v26;
	v17 =	vld [tilespmem:s14+$0x2930];
	[tilespmem:s4+$0x3D20] =	vst v29;
	v23 =	vpop (erf);
	(erf) = vrcp.f32 v14  }
0x22f: {  	v14 =	vadd.f32 v43, v19;
	(erf) = vpow2.f32 v36;
	v19 =	vmul.f32 v23, v32;
	v23 =	vpop (erf)  }
.Ltmp4:
0x230: {  	v31 =	vld [tilespmem:s14+$0x120];
	v26 =	vpop (erf);
	(erf) = vpow2.f32 v21;
	v29 =	vadd.f32 $1.000000000e+00, v23;
	v21 =	vmul.f32 v20, v35;
	(pc) =	sbr.rel @p0 .LBB2_10-.Ltmp4, $4  }
0x231: {  	v16 =	vadd.f32 v44, v16;
	v28 =	vadd.f32 $1.000000000e+00, v26;
	(erf) = vpow2.f32 v18;
	v23 =	vpop (erf)  }
0x232: {  	v32 =	vadd.f32 v41, v33;
	v20 =	vadd.f32 v27, v30;
	v18 =	vshll.u32 v39, $0x10;
	v27 =	vpop (erf);
	[tilespmem:s4+$0x3D00] =	vst v19  }
0x233: {  	v33 =	vsub.f32 $0.0e+00, v12;
	v34 =	vshll.u32 v17, $0x10;
	v17 =	vand.u32 $0xFFFF0000, v17;
	v30 =	vpop (erf)  }
0x234: {  	v16 =	vadd.f32 v18, v16;
	v18 =	vand.u32 $0xFFFF0000, v39;
	v26 =	vld [tilespmem:s14+$0x1550];
	v17 =	vadd.f32 v17, v37;
	v19 =	vpop (erf)  }
0x235: {  	v32 =	vadd.f32 v34, v32  }
0x236: {  	v22 =	vadd.f32 v22, v31  }
0x237: {  	v31 =	vshll.u32 v24, $0x10;
	v34 =	vsub.f32 $0.0e+00, v32  }
0x238: {  	v22 =	vadd.f32 v31, v22  }
0x239: {  	(erf) = vrcp.f32 v29;
	v29 =	vmul.f32 $1.442695020e+00, v34  }
0x23a: {  	v30 =	vadd.f32 $1.000000000e+00, v30;
	(erf) = vrcp.f32 v25;
	v25 =	vsub.f32 $0.0e+00, v22  }
0x23b: {  	(erf) = vrcp.f32 v28;
	v28 =	vmul.f32 $1.442695020e+00, v33  }
0x23c: {  	(erf) = vpow2.f32 v29;
	v25 =	vmul.f32 $1.442695020e+00, v25  }
0x23d: {  	v31 =	vsub.f32 $0.0e+00, v14;
	v29 =	vpop (erf);
	(erf) = vrcp.f32 v30  }
0x23e: {  	v27 =	vadd.f32 $1.000000000e+00, v27;
	v30 =	vpop (erf);
	(erf) = vpow2.f32 v28  }
0x23f: {  	v49 =	vsub.f32 $0.0e+00, v15;
	v31 =	vmul.f32 $1.442695020e+00, v31;
	v28 =	vpop (erf);
	(erf) = vpow2.f32 v25  }
0x240: {  	v25 =	vpop (erf);
	(erf) = vrcp.f32 v27  }
0x241: {  	v24 =	vand.u32 $0xFFFF0000, v24;
	v33 =	vmul.f32 $1.442695020e+00, v49;
	(erf) = vpow2.f32 v31;
	v31 =	vld [tilespmem:s14+$0x150]  }
0x242: {  	v20 =	vadd.f32 v24, v20;
	v27 =	vpop (erf)  }
0x243: {  	v51 =	vsub.f32 $0.0e+00, v16;
	v50 =	vpop (erf);
	(erf) = vpow2.f32 v33;
	v27 =	vadd.f32 $1.000000000e+00, v27  }
0x244: {  	v28 =	vadd.f32 $1.000000000e+00, v28;
	v25 =	vadd.f32 $1.000000000e+00, v25;
	v24 =	vpop (erf)  }
0x245: {  	v37 =	vsub.f32 $0.0e+00, v17;
	v33 =	vmul.f32 $1.442695020e+00, v51;
	v35 =	vpop (erf)  }
0x246: {  	(erf) = vrcp.f32 v28;
	v28 =	vsub.f32 $0.0e+00, v20;
	v36 =	vpop (erf);
	v26 =	vadd.f32 v26, v31  }
0x247: {  	(erf) = vrcp.f32 v27;
	v27 =	vpop (erf);
	v31 =	vmul.f32 $1.442695020e+00, v37  }
0x248: {  	v28 =	vmul.f32 $1.442695020e+00, v28;
	(erf) = vrcp.f32 v25;
	v25 =	vpop (erf)  }
0x249: {  	(erf) = vpow2.f32 v33;
	v52 =	vpop (erf)  }
0x24a: {  	v18 =	vadd.f32 v18, v26;
	(erf) = vpow2.f32 v28;
	v26 =	vpop (erf)  }
0x24b: {  	v25 =	vadd.f32 $1.000000000e+00, v25;
	(erf) = vpow2.f32 v31;
	v31 =	vpop (erf)  }
0x24c: {  	v28 =	vadd.f32 $1.000000000e+00, v36;
	v53 =	vsub.f32 $0.0e+00, v18;
	v54 =	vpop (erf)  }
0x24d: {  	v33 =	vadd.f32 $1.000000000e+00, v52;
	(erf) = vrcp.f32 v25;
	v25 =	vadd.f32 $1.000000000e+00, v54  }
0x24e: {  	(erf) = vrcp.f32 v28;
	v28 =	vmul.f32 $1.442695020e+00, v53  }
0x24f: {  	(erf) = vrcp.f32 v33  }
0x250: {  	v55 =	vpop (erf);
	(erf) = vrcp.f32 v25  }
0x251: {  	v8 =	vmul.f32 v23, v8;
	v25 =	vpop (erf);
	(erf) = vpow2.f32 v28  }
0x252: {  	v9 =	vmul.f32 v29, v9;
	[tilespmem:s4+$0x3D60] =	vst v21;
	v28 =	vpop (erf)  }
0x253: {  	v3 =	vmul.f32 v30, v3;
	[tilespmem:s4+$0x3D10] =	vst v8;
	v23 =	vpop (erf)  }
0x254: {  	[tilespmem:s4+$0x3D70] =	vst v9;
	v9 =	vadd.f32 $1.000000000e+00, v31;
	v21 =	vpop (erf)  }
0x255: {  	v1 =	vmul.f32 v19, v1;
	[tilespmem:s4+$0x3D30] =	vst v3;
	v3 =	vmul.f32 v50, v4;
	v4 =	vadd.f32 $1.000000000e+00, v23;
	v8 =	vpop (erf)  }
0x256: {  	v19 =	vpop (erf)  }
0x257: {  	[tilespmem:s4+$0x3D40] =	vst v1;
	v1 =	vmul.f32 v35, v11;
	v23 =	vpop (erf)  }
0x258: {  	[tilespmem:s4+$0x3D50] =	vst v3;
	v3 =	vmul.f32 v27, v10;
	(erf) = vrcp.f32 v9;
	v8 =	vadd.f32 $1.000000000e+00, v8;
	v9 =	vpop (erf)  }
0x259: {  	[tilespmem:s0+$0x3D20] =	vst v1;
	v2 =	vmul.f32 v26, v2;
	v10 =	vadd.f32 $1.000000000e+00, v21;
	(erf) = vrcp.f32 v4;
	v4 =	vpop (erf)  }
0x25a: {  	v1 =	vmul.f32 v24, v7;
	[tilespmem:s0+$0x3D00] =	vst v3;
	(erf) = vrcp.f32 v8;
	v7 =	vpop (erf)  }
0x25b: {  	[tilespmem:s0+$0x3D10] =	vst v2;
	v2 =	vmul.f32 v28, v13;
	(erf) = vrcp.f32 v10;
	v3 =	vadd.f32 $1.000000000e+00, v7  }
0x25c: {  	[tilespmem:s0+$0x3D60] =	vst v1;
	v1 =	vmul.f32 v25, v6  }
0x25d: {  	[tilespmem:s0+$0x3D30] =	vst v2;
	v2 =	vmul.f32 v19, v12;
	(erf) = vrcp.f32 v3  }
0x25e: {  	[tilespmem:s0+$0x3D70] =	vst v1;
	v1 =	vmul.f32 v55, v5  }
0x25f: {  	[tilespmem:s0+$0x3D50] =	vst v2;
	v2 =	vmul.f32 v4, v15  }
0x260: {  	[tilespmem:s0+$0x3D40] =	vst v1;
	v1 =	vmul.f32 v9, v22  }
0x261: {  	v3 =	vpop (erf)  }
0x262: {  	[tilespmem:s14+$0x3D20] =	vst v1;
	v1 =	vmul.f32 v23, v32;
	v4 =	vpop (erf);
	v3 =	vmul.f32 v3, v14  }
0x263: {  	[tilespmem:s14+$0x3D00] =	vst v2;
	v2 =	vpop (erf)  }
0x264: {  	[tilespmem:s14+$0x3D60] =	vst v1;
	v5 =	vpop (erf);
	v1 =	vmul.f32 v2, v17  }
0x265: {  	[tilespmem:s14+$0x3D10] =	vst v3;
	v2 =	vmul.f32 v5, v20  }
0x266: {  	[tilespmem:s14+$0x3D70] =	vst v1;
	v1 =	vmul.f32 v4, v16;
	v3 =	vpop (erf)  }
0x267: {  	[tilespmem:s14+$0x3D30] =	vst v2;
	v2 =	vmul.f32 v3, v18  }
0x268: {  	[tilespmem:s14+$0x3D40] =	vst v1  }
0x269: {  	[tilespmem:s14+$0x3D50] =	vst v2  }
0x26a: {  	[spmem:s2] =	stream.indirect.scatter.add.f32 [tilespmem:s3], [sflag:$0x7], $0x80, s11, s13, $0xb8;
	[tilespmem:$0x1E200] =	vst v63  }
0x26b: {  	_ =	swait.ge [sflag:s10], $0x1400  }
0x26c: {  	[sflag:s10] =	ssyncset.done $0x0  }
0x26d: {  	[sflag:s10] =	ssyncadd.s32 $0xFFFFEC00  }
0x26e: {  	_ =	swait.ge [sflag:s26], $0x1400  }
0x26f: {  	[sflag:s26] =	ssyncset.done $0x0  }
0x270: {  	[sflag:s26] =	ssyncadd.s32 $0xFFFFEC00  }
0x271: {  	_ =	swait.ge [sflag:s28], $0x1400  }
0x272: {  	[sflag:s28] =	ssyncset.done $0x0  }
0x273: {  	[sflag:s28] =	ssyncadd.s32 $0xFFFFEC00  }
0x274: {  	_ =	swait.ge [sflag:s29], $0x1400  }
0x275: {  	[sflag:s29] =	ssyncset.done $0x0  }
0x276: {  	s4 =	simm.s32 $0x0;
	[sflag:s29] =	ssyncadd.s32 $0xFFFFEC00  }
0x277: {  	v1 =	vld [tilespmem:s4+$0x5270]  }
0x278: {  	v2 =	vld [tilespmem:s4+$0x7A00]  }
0x279: {  	v3 =	vld [tilespmem:s4+$0x6610]  }
0x27a: {  	v4 =	vld [tilespmem:s4+$0x6670]  }
0x27b: {  	v5 =	vld [tilespmem:s4+$0x6660]  }
0x27c: {  	v6 =	vld [tilespmem:s4+$0x6600]  }
0x27d: {  	v7 =	vld [tilespmem:s4+$0x6640]  }
0x27e: {  	v8 =	vld [tilespmem:s4+$0x6620]  }
0x27f: {  	v9 =	vld [tilespmem:s4+$0x6630]  }
0x280: {  	v10 =	vld [tilespmem:s4+$0x5200]  }
0x281: {  	v11 =	vld [tilespmem:s4+$0x5210]  }
0x282: {  	v12 =	vld [tilespmem:s4+$0x5260]  }
0x283: {  	v13 =	vld [tilespmem:s4+$0x5240]  }
0x284: {  	v15 =	vld [tilespmem:s4+$0x7A20]  }
0x285: {  	v18 =	vld [tilespmem:s4+$0x7A30]  }
0x286: {  	v14 =	vld [tilespmem:s4+$0x5220]  }
0x287: {  	v19 =	vld [tilespmem:s4+$0x7A10]  }
0x288: {  	v20 =	vld [tilespmem:s4+$0x5230]  }
0x289: {  	s0 =	simm.s32 $0x80;
	v21 =	vld [tilespmem:s4+$0x5250]  }
0x28a: {  	v22 =	vld [tilespmem:s0+$0x7A00]  }
0x28b: {  	v24 =	vld [tilespmem:s0+$0x6610];
	v5 =	vadd.f32 v5, v12  }
0x28c: {  	s14 =	simm.s32 $0x100;
	v25 =	vld [tilespmem:s0+$0x5260];
	v16 =	vshll.u32 v18, $0x10  }
0x28d: {  	v30 =	vld [tilespmem:s14+$0x6660];
	v8 =	vadd.f32 v8, v14;
	v16 =	vadd.f32 v16, v5  }
0x28e: {  	v62 =	vld [tilespmem:s14+$0x5260];
	v14 =	vshll.u32 v19, $0x10  }
0x28f: {  	v12 =	vld [tilespmem:s4+$0x6650];
	v14 =	vadd.f32 v14, v8;
	v8 =	vsub.f32 $0.0e+00, v16  }
0x290: {  	v23 =	vand.u32 $0xFFFF0000, v2;
	v4 =	vadd.f32 v4, v1;
	v1 =	vadd.f32 v6, v10;
	v6 =	vld [tilespmem:s0+$0x6670]  }
0x291: {  	v2 =	vshll.u32 v2, $0x10;
	v7 =	vadd.f32 v7, v13;
	v13 =	vld [tilespmem:s0+$0x6660];
	v8 =	vmul.f32 $1.442695020e+00, v8  }
0x292: {  	v3 =	vadd.f32 v3, v11;
	v19 =	vand.u32 $0xFFFF0000, v19;
	v5 =	vld [tilespmem:s0+$0x5270];
	v10 =	vsub.f32 $0.0e+00, v14  }
0x293: {  	v17 =	vadd.f32 v2, v1;
	v1 =	vshll.u32 v15, $0x10;
	v2 =	vld [tilespmem:s0+$0x6600];
	(erf) = vpow2.f32 v8  }
0x294: {  	v32 =	vadd.f32 v30, v62;
	v1 =	vadd.f32 v1, v7;
	v7 =	vld [tilespmem:s0+$0x6640];
	v10 =	vmul.f32 $1.442695020e+00, v10  }
0x295: {  	v26 =	vand.u32 $0xFFFF0000, v22;
	v12 =	vadd.f32 v12, v21;
	v21 =	vld [tilespmem:s0+$0x5240];
	v8 =	vadd.f32 v23, v3  }
0x296: {  	v3 =	vadd.f32 v9, v20;
	v9 =	vand.u32 $0xFFFF0000, v18;
	v20 =	vld [tilespmem:s0+$0x5200];
	(erf) = vpow2.f32 v10  }
0x297: {  	v10 =	vand.u32 $0xFFFF0000, v15;
	v9 =	vadd.f32 v9, v4;
	v15 =	vld [tilespmem:s0+$0x5210];
	v4 =	vsub.f32 $0.0e+00, v8  }
0x298: {  	v22 =	vshll.u32 v22, $0x10;
	v6 =	vadd.f32 v6, v5;
	v23 =	vsub.f32 $0.0e+00, v17  }
0x299: {  	v27 =	vld [tilespmem:s0+$0x5230];
	v18 =	vsub.f32 $0.0e+00, v1;
	v3 =	vadd.f32 v19, v3;
	v4 =	vmul.f32 $1.442695020e+00, v4  }
0x29a: {  	v11 =	vld [tilespmem:s0+$0x6630];
	v23 =	vmul.f32 $1.442695020e+00, v23;
	v21 =	vadd.f32 v7, v21;
	v7 =	vadd.f32 v13, v25  }
0x29b: {  	v19 =	vld [tilespmem:s0+$0x7A20];
	v2 =	vadd.f32 v2, v20;
	v20 =	vsub.f32 $0.0e+00, v3;
	(erf) = vpow2.f32 v4  }
0x29c: {  	v4 =	vadd.f32 v10, v12;
	v12 =	vadd.f32 v24, v15;
	(erf) = vpow2.f32 v23;
	v23 =	vld [tilespmem:s0+$0x7A30];
	v10 =	vpop (erf)  }
0x29d: {  	v18 =	vmul.f32 $1.442695020e+00, v18;
	v5 =	vsub.f32 $0.0e+00, v9;
	v15 =	vld [tilespmem:s0+$0x6620];
	v24 =	vadd.f32 $1.000000000e+00, v10  }
0x29e: {  	v20 =	vmul.f32 $1.442695020e+00, v20;
	v10 =	vadd.f32 v22, v2;
	v2 =	vadd.f32 v26, v12;
	v12 =	vld [tilespmem:s0+$0x5220]  }
0x29f: {  	v13 =	vadd.f32 v11, v27;
	v5 =	vmul.f32 $1.442695020e+00, v5;
	(erf) = vpow2.f32 v18;
	v22 =	vld [tilespmem:s0+$0x7A10]  }
0x2a0: {  	v11 =	vshll.u32 v19, $0x10;
	v25 =	vsub.f32 $0.0e+00, v4;
	(erf) = vpow2.f32 v20  }
0x2a1: {  	v18 =	vpop (erf);
	(erf) = vpow2.f32 v5;
	v5 =	vadd.f32 v11, v21;
	v20 =	vshll.u32 v23, $0x10  }
0x2a2: {  	v18 =	vadd.f32 $1.000000000e+00, v18;
	v23 =	vand.u32 $0xFFFF0000, v23;
	v7 =	vadd.f32 v20, v7  }
0x2a3: {  	v19 =	vand.u32 $0xFFFF0000, v19;
	v6 =	vadd.f32 v23, v6;
	v11 =	vadd.f32 v15, v12;
	v12 =	vld [tilespmem:s14+$0x7A00]  }
0x2a4: {  	v28 =	vld [tilespmem:s14+$0x5270];
	v23 =	vmul.f32 $1.442695020e+00, v25;
	v15 =	vsub.f32 $0.0e+00, v7;
	v25 =	vshll.u32 v22, $0x10  }
0x2a5: {  	v21 =	vld [tilespmem:s0+$0x5250];
	v26 =	vsub.f32 $0.0e+00, v5;
	(erf) = vrcp.f32 v24;
	v27 =	vpop (erf);
	v11 =	vadd.f32 v25, v11  }
0x2a6: {  	v31 =	vsub.f32 $0.0e+00, v2;
	v20 =	vld [tilespmem:s0+$0x6650];
	(erf) = vrcp.f32 v18;
	v24 =	vpop (erf);
	v15 =	vmul.f32 $1.442695020e+00, v15  }
0x2a7: {  	v18 =	vld [tilespmem:s14+$0x6670];
	v22 =	vand.u32 $0xFFFF0000, v22;
	v24 =	vadd.f32 $1.000000000e+00, v24;
	v29 =	vsub.f32 $0.0e+00, v11  }
0x2a8: {  	v58 =	vld [tilespmem:s14+$0x6600];
	(erf) = vpow2.f32 v15;
	v15 =	vsub.f32 $0.0e+00, v10;
	v56 =	vand.u32 $0xFFFF0000, v12  }
0x2a9: {  	v59 =	vld [tilespmem:s14+$0x6640];
	(erf) = vrcp.f32 v24;
	v24 =	vadd.f32 $1.000000000e+00, v27;
	v29 =	vmul.f32 $1.442695020e+00, v29  }
0x2aa: {  	v25 =	vld [tilespmem:s14+$0x6610];
	v27 =	vshll.u32 v12, $0x10;
	v12 =	vmul.f32 $1.442695020e+00, v31;
	(erf) = vpow2.f32 v23  }
0x2ab: {  	v13 =	vadd.f32 v22, v13;
	v57 =	vpop (erf);
	v31 =	vld [tilespmem:s14+$0x5200];
	v15 =	vmul.f32 $1.442695020e+00, v15;
	(erf) = vpow2.f32 v29  }
0x2ac: {  	v20 =	vadd.f32 v20, v21;
	v21 =	vpop (erf);
	v60 =	vadd.f32 v18, v28;
	v18 =	vld [tilespmem:s14+$0x5210];
	(erf) = vrcp.f32 v24  }
0x2ad: {  	v61 =	vld [tilespmem:s14+$0x6630];
	v28 =	vadd.f32 $1.000000000e+00, v57;
	v23 =	vpop (erf);
	v24 =	vsub.f32 $0.0e+00, v6;
	(erf) = vpow2.f32 v12  }
0x2ae: {  	v39 =	vld [tilespmem:s14+$0x5240];
	v26 =	vmul.f32 $1.442695020e+00, v26;
	v23 =	vadd.f32 $1.000000000e+00, v23;
	v38 =	vpop (erf);
	(erf) = vpow2.f32 v15  }
0x2af: {  	v40 =	vld [tilespmem:s14+$0x7A20];
	v22 =	vsub.f32 $0.0e+00, v13;
	v21 =	vadd.f32 $1.000000000e+00, v21;
	v15 =	vpop (erf);
	(erf) = vrcp.f32 v28  }
0x2b0: {  	v63 =	vld [tilespmem:s14+$0x5230];
	v12 =	vadd.f32 v19, v20;
	v20 =	vadd.f32 v58, v31;
	v19 =	vmul.f32 $1.442695020e+00, v24  }
0x2b1: {  	v28 =	vmul.f32 v15, v14;
	v14 =	vadd.f32 v25, v18;
	v18 =	vld [tilespmem:s14+$0x7A30];
	v24 =	vpop (erf);
	(erf) = vrcp.f32 v23  }
0x2b2: {  	v15 =	vadd.f32 v27, v20;
	v20 =	vmul.f32 $1.442695020e+00, v22;
	v22 =	vld [tilespmem:s14+$0x6620];
	v23 =	vpop (erf);
	(erf) = vrcp.f32 v21  }
0x2b3: {  	v33 =	vsub.f32 $0.0e+00, v12;
	v25 =	vadd.f32 $1.000000000e+00, v24;
	v24 =	vld [tilespmem:s14+$0x7A10];
	[tilespmem:s4+$0x8E20] =	vst v28;
	(erf) = vpow2.f32 v26;
	v21 =	vpop (erf)  }
0x2b4: {  	v14 =	vadd.f32 v56, v14;
	v17 =	vmul.f32 v23, v17;
	v31 =	vld [tilespmem:s14+$0x5220];
	(erf) = vpow2.f32 v20;
	v23 =	vpop (erf)  }
0x2b5: {  	(erf) = vpow2.f32 v19;
	v19 =	vshll.u32 v40, $0x10;
	v28 =	vadd.f32 $1.000000000e+00, v23;
	v23 =	vpop (erf)  }
0x2b6: {  	v29 =	vadd.f32 $1.000000000e+00, v21;
	v21 =	vmul.f32 v38, v16;
	v16 =	vadd.f32 v59, v39;
	v27 =	vpop (erf)  }
0x2b7: {  	v20 =	vadd.f32 v61, v63;
	[tilespmem:s4+$0x8E00] =	vst v17;
	v34 =	vshll.u32 v18, $0x10;
	v17 =	vand.u32 $0xFFFF0000, v18;
	v30 =	vpop (erf)  }
0x2b8: {  	s15 =	simm.s32 $0x600;
	v18 =	vand.u32 $0xFFFF0000, v40;
	v16 =	vadd.f32 v19, v16;
	v26 =	vld [tilespmem:s14+$0x6650];
	v17 =	vadd.f32 v17, v60;
	v19 =	vpop (erf)  }
.LBB2_12:
0x2b9: {  	s16 =	sshra.s32 s15, $0x2;
	p0 =	sne.s32 s15, $0x4E00;
	s15 =	sadd.s32 $0x200, s15;
	v40 =	vadd.f32 v22, v31;
	v31 =	vld [tilespmem:s14+$0x5250];
	v33 =	vmul.f32 $1.442695020e+00, v33;
	v35 =	vmovc v7;
	v7 =	vadd.f32 v34, v32;
	v32 =	vmovc v10  }
0x2ba: {  	v10 =	vshll.u32 v24, $0x10;
	v34 =	vld [tilespmem:s16+$0x5270];
	v36 =	vsub.f32 $0.0e+00, v16;
	(erf) = vrcp.f32 v29;
	v29 =	vpop (erf)  }
0x2bb: {  	v8 =	vmul.f32 v23, v8;
	v37 =	vld [tilespmem:s16+$0x7A00];
	v38 =	vadd.f32 v10, v40;
	v10 =	vsub.f32 $0.0e+00, v7;
	v22 =	vpop (erf)  }
0x2bc: {  	v24 =	vand.u32 $0xFFFF0000, v24;
	v9 =	vmul.f32 v29, v9;
	v23 =	vld [tilespmem:s16+$0x6610];
	v36 =	vmul.f32 $1.442695020e+00, v36;
	v39 =	vpop (erf);
	[tilespmem:s4+$0x8E60] =	vst v21  }
0x2bd: {  	v29 =	vsub.f32 $0.0e+00, v15;
	v21 =	vld [tilespmem:s16+$0x6670];
	v43 =	vmul.f32 $1.442695020e+00, v10;
	v40 =	vpop (erf);
	(erf) = vrcp.f32 v25;
	[tilespmem:s4+$0x8E10] =	vst v8  }
0x2be: {  	v45 =	vsub.f32 $0.0e+00, v38;
	v25 =	vadd.f32 $1.000000000e+00, v30;
	v41 =	vld [tilespmem:s16+$0x6660];
	(erf) = vrcp.f32 v28;
	v28 =	vpop (erf);
	[tilespmem:s4+$0x8E70] =	vst v9  }
0x2bf: {  	v42 =	vsub.f32 $0.0e+00, v14;
	v46 =	vmul.f32 v22, v3;
	v3 =	vmovc v13;
	v30 =	vld [tilespmem:s16+$0x6600];
	(erf) = vpow2.f32 v43;
	v10 =	vmovc v15  }
0x2c0: {  	v8 =	vmovc v2;
	v2 =	vmovc v14;
	v13 =	vmul.f32 $1.442695020e+00, v45;
	v15 =	vadd.f32 v26, v31;
	v43 =	vand.u32 $0xFFFF0000, v37;
	v44 =	vld [tilespmem:s16+$0x6640]  }
0x2c1: {  	v14 =	vmul.f32 $1.442695020e+00, v29;
	v26 =	vadd.f32 $1.000000000e+00, v27;
	v9 =	vmovc v6;
	v6 =	vmovc v17;
	v22 =	vld [tilespmem:s16+$0x6620];
	(erf) = vrcp.f32 v25;
	[tilespmem:s4+$0x8E30] =	vst v46  }
0x2c2: {  	v17 =	vshll.u32 v37, $0x10;
	v25 =	vmul.f32 $1.442695020e+00, v42;
	v27 =	vld [tilespmem:s16+$0x6630];
	(erf) = vpow2.f32 v33  }
0x2c3: {  	v37 =	vadd.f32 v21, v34;
	v29 =	vld [tilespmem:s16+$0x5200];
	(erf) = vpow2.f32 v13;
	v13 =	vmul.f32 v19, v1;
	v1 =	vpop (erf)  }
0x2c4: {  	v21 =	vadd.f32 $1.000000000e+00, v28;
	v19 =	vld [tilespmem:s16+$0x5210];
	(erf) = vrcp.f32 v26;
	v26 =	vmul.f32 v1, v4;
	v4 =	vmovc v12;
	v1 =	vmovc v5  }
0x2c5: {  	v31 =	vadd.f32 $1.000000000e+00, v39;
	v28 =	vsub.f32 $0.0e+00, v6;
	v5 =	vmovc v16;
	v33 =	vld [tilespmem:s16+$0x5260];
	(erf) = vpow2.f32 v25;
	[tilespmem:s4+$0x8E40] =	vst v13  }
0x2c6: {  	v13 =	vadd.f32 v24, v20;
	v16 =	vld [tilespmem:s16+$0x5240];
	(erf) = vpow2.f32 v14;
	v14 =	vadd.f32 $1.000000000e+00, v40;
	v20 =	vpop (erf);
	[tilespmem:s4+$0x8E50] =	vst v26;
	s4 =	smov.u32 s0;
	s0 =	smov.u32 s14;
	s14 =	smov.u32 s16  }
0x2c7: {  	v12 =	vadd.f32 v18, v15;
	v18 =	vmul.f32 $1.442695020e+00, v28;
	v39 =	vld [tilespmem:s14+$0x7A20];
	v15 =	vpop (erf);
	(erf) = vrcp.f32 v31  }
0x2c8: {  	v28 =	vsub.f32 $0.0e+00, v13;
	v26 =	vadd.f32 v30, v29;
	v30 =	vld [tilespmem:s14+$0x5230];
	v25 =	vpop (erf);
	v29 =	vmul.f32 v15, v11  }
0x2c9: {  	v11 =	vmovc v38;
	v19 =	vadd.f32 v23, v19;
	v24 =	vld [tilespmem:s14+$0x7A10];
	v25 =	vadd.f32 $1.000000000e+00, v25;
	(erf) = vrcp.f32 v21  }
0x2ca: {  	v21 =	vmul.f32 $1.442695020e+00, v28;
	v15 =	vadd.f32 v17, v26;
	v17 =	vld [tilespmem:s14+$0x7A30];
	[tilespmem:s4+$0x8E20] =	vst v29;
	v23 =	vpop (erf);
	(erf) = vrcp.f32 v14  }
0x2cb: {  	v14 =	vadd.f32 v43, v19;
	(erf) = vpow2.f32 v36;
	v19 =	vmul.f32 v23, v32;
	v23 =	vpop (erf)  }
.Ltmp5:
0x2cc: {  	v31 =	vld [tilespmem:s14+$0x5220];
	v26 =	vpop (erf);
	(erf) = vpow2.f32 v21;
	v29 =	vadd.f32 $1.000000000e+00, v23;
	v21 =	vmul.f32 v20, v35;
	(pc) =	sbr.rel @p0 .LBB2_12-.Ltmp5, $4  }
0x2cd: {  	v16 =	vadd.f32 v44, v16;
	v28 =	vadd.f32 $1.000000000e+00, v26;
	(erf) = vpow2.f32 v18;
	v23 =	vpop (erf)  }
0x2ce: {  	v32 =	vadd.f32 v41, v33;
	v20 =	vadd.f32 v27, v30;
	v18 =	vshll.u32 v39, $0x10;
	v27 =	vpop (erf);
	[tilespmem:s4+$0x8E00] =	vst v19  }
0x2cf: {  	v33 =	vsub.f32 $0.0e+00, v12;
	v34 =	vshll.u32 v17, $0x10;
	v17 =	vand.u32 $0xFFFF0000, v17;
	v30 =	vpop (erf)  }
0x2d0: {  	v16 =	vadd.f32 v18, v16;
	v18 =	vand.u32 $0xFFFF0000, v39;
	v26 =	vld [tilespmem:s14+$0x6650];
	v17 =	vadd.f32 v17, v37;
	v19 =	vpop (erf)  }
0x2d1: {  	v32 =	vadd.f32 v34, v32  }
0x2d2: {  	v22 =	vadd.f32 v22, v31  }
0x2d3: {  	v48 =	vshll.u32 v24, $0x10;
	v34 =	vsub.f32 $0.0e+00, v32  }
0x2d4: {  	(erf) = vrcp.f32 v29;
	v22 =	vadd.f32 v48, v22  }
0x2d5: {  	(erf) = vrcp.f32 v25;
	v49 =	vmul.f32 $1.442695020e+00, v34  }
0x2d6: {  	v30 =	vadd.f32 $1.000000000e+00, v30;
	(erf) = vrcp.f32 v28;
	v50 =	vsub.f32 $0.0e+00, v22  }
0x2d7: {  	v51 =	vmul.f32 $1.442695020e+00, v33;
	(erf) = vpow2.f32 v49  }
0x2d8: {  	v52 =	vsub.f32 $0.0e+00, v14;
	v29 =	vpop (erf);
	v25 =	vmul.f32 $1.442695020e+00, v50;
	(erf) = vrcp.f32 v30  }
0x2d9: {  	v54 =	vsub.f32 $0.0e+00, v15;
	v27 =	vadd.f32 $1.000000000e+00, v27;
	v53 =	vpop (erf);
	(erf) = vpow2.f32 v51  }
0x2da: {  	v31 =	vmul.f32 $1.442695020e+00, v52;
	v55 =	vpop (erf);
	(erf) = vpow2.f32 v25  }
0x2db: {  	v33 =	vmul.f32 $1.442695020e+00, v54;
	v56 =	vpop (erf);
	(erf) = vrcp.f32 v27  }
0x2dc: {  	v57 =	vpop (erf);
	(erf) = vpow2.f32 v31  }
0x2dd: {  	v58 =	vld [tilespmem:s14+$0x5250];
	v59 =	vand.u32 $0xFFFF0000, v24;
	v60 =	vpop (erf);
	(erf) = vpow2.f32 v33  }
0x2de: {  	v20 =	vadd.f32 v59, v20;
	v28 =	vadd.f32 $1.000000000e+00, v55;
	v24 =	vpop (erf)  }
0x2df: {  	v61 =	vsub.f32 $0.0e+00, v16;
	v27 =	vadd.f32 $1.000000000e+00, v57;
	v35 =	vpop (erf)  }
0x2e0: {  	v62 =	vsub.f32 $0.0e+00, v20;
	v25 =	vadd.f32 $1.000000000e+00, v56;
	(erf) = vrcp.f32 v28;
	v36 =	vpop (erf)  }
0x2e1: {  	v37 =	vsub.f32 $0.0e+00, v17;
	v33 =	vmul.f32 $1.442695020e+00, v61;
	(erf) = vrcp.f32 v27;
	v63 =	vpop (erf)  }
0x2e2: {  	v26 =	vadd.f32 v26, v58;
	v28 =	vmul.f32 $1.442695020e+00, v62;
	(erf) = vrcp.f32 v25;
	v39 =	vpop (erf)  }
0x2e3: {  	v40 =	vmul.f32 $1.442695020e+00, v37;
	(erf) = vpow2.f32 v33;
	v41 =	vpop (erf)  }
0x2e4: {  	v18 =	vadd.f32 v18, v26;
	(erf) = vpow2.f32 v28;
	v25 =	vadd.f32 $1.000000000e+00, v39;
	v42 =	vpop (erf)  }
0x2e5: {  	v43 =	vadd.f32 $1.000000000e+00, v36;
	(erf) = vpow2.f32 v40;
	v44 =	vpop (erf)  }
0x2e6: {  	v45 =	vsub.f32 $0.0e+00, v18;
	v33 =	vadd.f32 $1.000000000e+00, v41;
	(erf) = vrcp.f32 v25;
	v46 =	vpop (erf)  }
0x2e7: {  	(erf) = vrcp.f32 v43;
	v25 =	vadd.f32 $1.000000000e+00, v46  }
0x2e8: {  	v47 =	vmul.f32 $1.442695020e+00, v45;
	(erf) = vrcp.f32 v33  }
0x2e9: {  	v48 =	vpop (erf);
	(erf) = vrcp.f32 v25  }
0x2ea: {  	v49 =	vpop (erf);
	(erf) = vpow2.f32 v47  }
0x2eb: {  	v8 =	vmul.f32 v23, v8;
	v50 =	vpop (erf)  }
0x2ec: {  	[tilespmem:s4+$0x8E60] =	vst v21;
	v1 =	vmul.f32 v19, v1;
	v51 =	vpop (erf)  }
0x2ed: {  	[tilespmem:s4+$0x8E10] =	vst v8;
	v3 =	vmul.f32 v53, v3;
	v52 =	vpop (erf)  }
0x2ee: {  	v9 =	vmul.f32 v29, v9;
	[tilespmem:s4+$0x8E40] =	vst v1;
	v53 =	vpop (erf)  }
0x2ef: {  	[tilespmem:s4+$0x8E30] =	vst v3;
	v3 =	vmul.f32 v60, v4;
	v54 =	vadd.f32 $1.000000000e+00, v44;
	v55 =	vpop (erf)  }
0x2f0: {  	[tilespmem:s4+$0x8E70] =	vst v9;
	v1 =	vmul.f32 v35, v11;
	v56 =	vadd.f32 $1.000000000e+00, v51;
	v57 =	vpop (erf)  }
0x2f1: {  	[tilespmem:s4+$0x8E50] =	vst v3;
	v3 =	vmul.f32 v63, v10;
	(erf) = vrcp.f32 v54;
	v8 =	vadd.f32 $1.000000000e+00, v53;
	v58 =	vpop (erf)  }
0x2f2: {  	[tilespmem:s0+$0x8E20] =	vst v1;
	v2 =	vmul.f32 v42, v2;
	v59 =	vadd.f32 $1.000000000e+00, v52;
	(erf) = vrcp.f32 v56;
	v60 =	vpop (erf)  }
0x2f3: {  	v1 =	vmul.f32 v24, v7;
	[tilespmem:s0+$0x8E00] =	vst v3;
	(erf) = vrcp.f32 v8;
	v61 =	vpop (erf)  }
0x2f4: {  	[tilespmem:s0+$0x8E10] =	vst v2;
	v2 =	vmul.f32 v50, v13;
	(erf) = vrcp.f32 v59;
	v3 =	vadd.f32 $1.000000000e+00, v61  }
0x2f5: {  	[tilespmem:s0+$0x8E60] =	vst v1;
	v1 =	vmul.f32 v49, v6  }
0x2f6: {  	[tilespmem:s0+$0x8E30] =	vst v2;
	v2 =	vmul.f32 v55, v12;
	(erf) = vrcp.f32 v3  }
0x2f7: {  	[tilespmem:s0+$0x8E70] =	vst v1;
	v1 =	vmul.f32 v48, v5  }
0x2f8: {  	[tilespmem:s0+$0x8E50] =	vst v2;
	v2 =	vmul.f32 v60, v15  }
0x2f9: {  	[tilespmem:s0+$0x8E40] =	vst v1;
	v1 =	vmul.f32 v58, v22  }
0x2fa: {  	v3 =	vpop (erf)  }
0x2fb: {  	[tilespmem:s14+$0x8E20] =	vst v1;
	v1 =	vmul.f32 v57, v32;
	v62 =	vpop (erf);
	v3 =	vmul.f32 v3, v14  }
0x2fc: {  	[tilespmem:s14+$0x8E00] =	vst v2;
	v2 =	vpop (erf)  }
0x2fd: {  	[tilespmem:s14+$0x8E60] =	vst v1;
	v63 =	vpop (erf);
	v1 =	vmul.f32 v2, v17  }
0x2fe: {  	[tilespmem:s14+$0x8E10] =	vst v3;
	v2 =	vmul.f32 v63, v20  }
0x2ff: {  	[tilespmem:s14+$0x8E70] =	vst v1;
	v1 =	vmul.f32 v62, v16;
	v3 =	vpop (erf)  }
0x300: {  	[tilespmem:s14+$0x8E30] =	vst v2;
	v2 =	vmul.f32 v3, v18  }
0x301: {  	[tilespmem:s14+$0x8E40] =	vst v1  }
0x302: {  	[tilespmem:s14+$0x8E50] =	vst v2  }
0x303: {  	[spmem:s2] =	stream.indirect.scatter.add.f32 [tilespmem:s30], [sflag:$0x7], $0x80, s20, s13, $0xb8;
	[tilespmem:$0x1E200] =	vst v63  }
0x304: {  	_ =	swait.ge [sflag:s10], $0x1400  }
0x305: {  	[sflag:s10] =	ssyncset.done $0x0  }
0x306: {  	[sflag:s10] =	ssyncadd.s32 $0xFFFFEC00  }
0x307: {  	s14 =	stileid.u32;
	[bflag:$0x0] =	sbarrier.arrive $0xFFFF  }
0x308: {  	s0 =	sshll.u32 s14, $0x6;
	s16 =	rddreg [dreg:$0xa]  }
0x309: {  	s0 =	sor.u32 $0x1C07, s0;
	s17 =	rddreg [dreg:$0x9];
	s15 =	sshrl.u32 s16, $0x3  }
0x30a: {  	[hbm:s17], [sflag:s0] =	dma.local [spmem:s15], $0x2800  }
0x30b: {  	_ =	swait.ge [sflag:s10], $0x2800  }
0x30c: {  	s15 =	rddreg [dreg:$0x4]  }
0x30d: {  	s19 =	rddreg [dreg:$0xb];
	s15 =	sadd.s32 $0x1, s15  }
0x30e: {  	p0 =	sne.s32 s15, s19  }
.Ltmp6:
0x30f: {  	_ = 	snop;
	(pc) =	sbr.rel @p0 .LBB2_1-.Ltmp6, $3  }
0x310: {  	_ =	sdelay $0x1  }
0x311: {  	[sflag:s10] =	ssyncset.done $0x0  }
0x312: {  	[sflag:s10] =	ssyncadd.s32 $0xFFFFD800  }
0x313: {  	_ =	sfence.sel $0x180000  }
0x314: {  	[bflag:$0x0] =	sbarrier.arrive $0xFFFF  }
0x315: {  	_ =	strace $0x90000047  }
0x316: {  	s0 =	stileid.u32;
	[bflag:$0x2] =	sbarrier.arrive $0xFFFF  }
0x317: {  	p0 =	sne.s32 s0, $0x0;
	s0 =	rddreg [dreg:$0x3]  }
0x318: {  	s0 =	sadd.s32 @!p0 $0x100000, s0  }
0x319: {  	[sflag:s0] =	ssyncadd.tile.s32 @!p0 $0x1;
	_ =	shalt  }
.Lfunc_end2:
_tile_overlayer_lowered:
.L_overlay_start_2:
0x31a: {  	(tag) =	ssettag $0x2  }
0x31b: {  	s0 =	rddreg [dreg:$0x0];
	s2 =	stileid.u32  }
0x31c: {  	s1 =	rddreg [dreg:$0x1];
	p0 =	sne.s32 s2, $0x0  }
0x31d: {  	s3 =	rddreg [dreg:$0x2];
	[bflag:$0x3] =	sbarrier.arrive $0xFFFF;
	s2 =	simm.s32 @!p0 $0x1C07  }
0x31e: {  	[timem:s3], [sflag:s2] =	dma.local @!p0 [hbm:s0], s1  }
0x31f: {  	s0 =	simm.s32 @!p0 $0x7  }
0x320: {  	_ =	swait.ge @!p0 [sflag:s0], s1  }
0x321: {  	s1 =	ssub.s32 @!p0 $0x0, s1;
	[sflag:s0] =	ssyncset.done @!p0 $0x0  }
0x322: {  	[sflag:s0] =	ssyncadd.s32 @!p0 s1  }
0x323: {  	[bflag:$0x3] =	sbarrier.arrive $0xFFFF  }
0x324: {  	_ =	shalt  }

</sc_bundles>
